<compile_context>
chip_gen: v7x
topology: tpu7x:2x2x1
jax: 0.10.2.dev20260603
libtpu: 0.0.44.dev20260713+nightly
codegen_flags: <defaults>
</compile_context>

<pallas_src>
import jax
import jax.numpy as jnp
from jax import lax
from jax.experimental import pallas as pl
from jax.experimental.pallas import tpu as pltpu
from jax.experimental.pallas import tpu_sc as plsc

N = 10000
E = 320000
D = 128
H1 = 64
H2 = 32
C = 4

NC = 2
NS = 16
NW = NC * NS
CHUNK = 192
NCH = -(-E // (NW * CHUNK))
EPAD = NW * CHUNK * NCH
NPAD = 10240
RPW = NPAD // NS
DCH = 128
DW = 16
BF = jnp.bfloat16



NB = 6
BLK = 1000
NBLK = N // BLK


def _make_sc_agg(d, gw, nb, with_deg):
    scratch = [
        pltpu.VMEM_SHARED((NPAD, d), BF),
        pltpu.VMEM((NCH, CHUNK), jnp.int32),
        pltpu.VMEM((NCH, CHUNK), jnp.int32),
        pltpu.VMEM((nb, CHUNK, gw), BF),
        pltpu.VMEM((DCH, d), BF),
        pltpu.SemaphoreType.DMA,
        pltpu.SemaphoreType.DMA,
        pltpu.SemaphoreType.DMA,
    ]
    out_type = jax.ShapeDtypeStruct((NC, NPAD, d), BF)
    if with_deg:
        out_type = (out_type,
                    jax.ShapeDtypeStruct((NC, NPAD, DW), BF))
        scratch += [
            pltpu.VMEM_SHARED((NPAD, DW), BF),
            pltpu.VMEM((CHUNK, DW), BF),
            pltpu.VMEM((DCH, DW), BF),
            pltpu.SemaphoreType.DMA,
            pltpu.SemaphoreType.DMA,
        ]
    mesh = plsc.VectorSubcoreMesh(core_axis_name="c", subcore_axis_name="s")

    def body(p_hbm, eg, *refs):
        if with_deg:
            (zc_hbm, on_hbm, zd_hbm, out_hbm, deg_hbm, acc_sh, src_v, dst_v,
             rows_v, zbuf, gsem, ssem, dsem, deg_sh, ones_v, zbuf8, osem,
             esem) = refs
        else:
            (zc_hbm, out_hbm, acc_sh, src_v, dst_v, rows_v, zbuf,
             gsem, ssem, dsem) = refs
        cid = lax.axis_index("c")
        sid = lax.axis_index("s")
        wid = sid * NC + cid

        pltpu.sync_copy(eg.at[0, wid], src_v)
        pltpu.sync_copy(eg.at[1, wid], dst_v)

        pltpu.sync_copy(zc_hbm, zbuf)
        base = sid * RPW
        for k in range(RPW // DCH):
            pltpu.sync_copy(zbuf, acc_sh.at[pl.ds(base + k * DCH, DCH)])
        if with_deg:
            pltpu.sync_copy(on_hbm, ones_v)
            pltpu.sync_copy(zd_hbm, zbuf8)
            for k in range(RPW // DCH):
                pltpu.sync_copy(zbuf8,
                                deg_sh.at[pl.ds(base + k * DCH, DCH)])
        plsc.subcore_barrier()

        for b in range(nb - 1):
            pltpu.async_copy(p_hbm.at[src_v.at[b]], rows_v.at[b], gsem)

        def step(j, carry):
            slot = lax.rem(j, nb)
            pslot = lax.rem(j + nb - 1, nb)
            pltpu.make_async_copy(p_hbm.at[src_v.at[j]],
                                  rows_v.at[slot], gsem).wait()
            pltpu.async_copy(rows_v.at[slot], acc_sh.at[dst_v.at[j]],
                             ssem, add=True)
            if with_deg:
                pltpu.async_copy(ones_v, deg_sh.at[dst_v.at[j]],
                                 osem, add=True)

                @pl.when(j >= 1)
                def _():
                    pltpu.make_async_copy(
                        ones_v, deg_sh.at[dst_v.at[0]], osem).wait()

            @pl.when(j >= 1)
            def _():
                pltpu.make_async_copy(
                    rows_v.at[0], acc_sh.at[dst_v.at[0]], ssem).wait()

            @pl.when(j + nb - 1 < NCH)
            def _():
                pltpu.async_copy(p_hbm.at[src_v.at[j + nb - 1]],
                                 rows_v.at[pslot], gsem)
            return carry
        lax.fori_loop(0, NCH, step, 0)
        pltpu.make_async_copy(rows_v.at[0], acc_sh.at[dst_v.at[0]],
                              ssem).wait()
        if with_deg:
            pltpu.make_async_copy(ones_v, deg_sh.at[dst_v.at[0]],
                                  osem).wait()
        plsc.subcore_barrier()

        def dv(slot):
            return rows_v.at[slot, pl.ds(0, DCH)]

        nd = RPW // DCH
        for k in range(nd):
            sl = pl.ds(base + k * DCH, DCH)
            slot = k % nb
            if k >= nb:
                pltpu.make_async_copy(dv(0), out_hbm.at[0, sl],
                                      dsem).wait()
            pltpu.sync_copy(acc_sh.at[sl], dv(slot))
            pltpu.async_copy(dv(slot), out_hbm.at[cid, sl], dsem)
            if with_deg:
                if k >= 1:
                    pltpu.make_async_copy(zbuf8, deg_hbm.at[0, sl],
                                          esem).wait()
                pltpu.sync_copy(deg_sh.at[sl], zbuf8)
                pltpu.async_copy(zbuf8, deg_hbm.at[cid, sl], esem)
        for k in range(min(nd, nb)):
            pltpu.make_async_copy(dv(0),
                                  out_hbm.at[0, pl.ds(0, DCH)], dsem).wait()
        if with_deg:
            pltpu.make_async_copy(zbuf8, deg_hbm.at[0, pl.ds(0, DCH)],
                                  esem).wait()

    return pl.kernel(
        body, out_type=out_type, mesh=mesh, scratch_types=scratch,
        compiler_params=pltpu.CompilerParams(use_tc_tiling_on_sc=False))


_sc_agg1 = _make_sc_agg(H1, H1, 3, True)
_sc_agg2 = _make_sc_agg(H2, H2, 6, False)



def _row_spec(d):
    return pl.BlockSpec((BLK, d), lambda i: (i, 0))


def _pair_spec(d):
    return pl.BlockSpec((2, BLK, d), lambda i: (0, i, 0))


def _full_spec(shape):
    nd = len(shape)
    return pl.BlockSpec(shape, lambda i, _n=nd: (0,) * _n)


def _proj1_body(x_ref, wl_ref, wr_ref, p_ref, r_ref):
    xb = x_ref[...]
    p = jnp.dot(xb, wl_ref[...], preferred_element_type=jnp.float32)
    p_ref[...] = p.astype(BF)
    r_ref[...] = jnp.dot(xb, wr_ref[...], preferred_element_type=jnp.float32)


def _proj1(x, wl, wr):
    return pl.pallas_call(
        _proj1_body,
        out_shape=(jax.ShapeDtypeStruct((N, H1), BF),
                   jax.ShapeDtypeStruct((N, H1), jnp.float32)),
    )(x, wl, wr)


def _comb1_body(s_ref, deg_ref, r1_ref, b1_ref, wl_ref, wr_ref,
                p2_ref, r2_ref):
    deg = jnp.maximum(deg_ref[0].astype(jnp.float32)
                      + deg_ref[1].astype(jnp.float32), 1.0)
    s = s_ref[0].astype(jnp.float32) + s_ref[1].astype(jnp.float32)
    agg = s * (1.0 / deg)[:, 0:1]
    h1 = jnp.maximum(agg[:N] + b1_ref[...] + r1_ref[...], 0.0)
    p2 = jnp.dot(h1, wl_ref[...], preferred_element_type=jnp.float32)
    p2_ref[...] = p2.astype(BF)
    r2_ref[...] = jnp.dot(h1, wr_ref[...], preferred_element_type=jnp.float32)


def _comb1(s, deg, r1, b1, wl, wr):
    return pl.pallas_call(
        _comb1_body,
        out_shape=(jax.ShapeDtypeStruct((N, H2), BF),
                   jax.ShapeDtypeStruct((N, H2), jnp.float32)),
    )(s, deg, r1, b1, wl, wr)


def _comb2_body(t_ref, deg_ref, r2_ref, b2_ref, wc_ref, bc_ref,
                h2_ref, z_ref):
    deg = jnp.maximum(deg_ref[0].astype(jnp.float32)
                      + deg_ref[1].astype(jnp.float32), 1.0)
    t = t_ref[0].astype(jnp.float32) + t_ref[1].astype(jnp.float32)
    agg = t * (1.0 / deg)[:, 0:1]
    h2 = jnp.maximum(agg[:N] + b2_ref[...] + r2_ref[...], 0.0)
    h2_ref[...] = h2
    z_ref[...] = (jnp.dot(h2, wc_ref[...], preferred_element_type=jnp.float32)
                  + bc_ref[...])


def _comb2(t, deg, r2, b2, wc, bc):
    return pl.pallas_call(
        _comb2_body,
        out_shape=(jax.ShapeDtypeStruct((N, H2), jnp.float32),
                   jax.ShapeDtypeStruct((N, C), jnp.float32)),
    )(t, deg, r2, b2, wc, bc)



def kernel(x, edge_index, W1_l, b1_l, W1_r, W2_l, b2_l, W2_r, Wc, bc):
    ei = edge_index.astype(jnp.int32)
    npe = EPAD - E
    pad_i = jnp.arange(npe, dtype=jnp.int32)
    pad_src = (pad_i * 97) % N
    pad_dst = N + pad_i % (NPAD - N)
    pad = jnp.stack([pad_src, pad_dst])
    eg = jnp.concatenate([ei, pad], axis=1).reshape(2, NW, NCH, CHUNK)

    zc1 = jnp.zeros((DCH, H1), BF)
    zc2 = jnp.zeros((DCH, H2), BF)
    on = jnp.ones((CHUNK, DW), BF)
    zd = jnp.zeros((DCH, DW), BF)

    p1, r1 = _proj1(x, W1_l, W1_r)
    s1, deg = _sc_agg1(p1, eg, zc1, on, zd)
    p2, r2 = _comb1(s1, deg, r1, b1_l.reshape(1, H1), W2_l, W2_r)
    t2 = _sc_agg2(p2, eg, zc2)
    h2, z = _comb2(t2, deg, r2, b2_l.reshape(1, H2), Wc,
                   bc.reshape(1, C))
    return (h2, z)

# --- scband reference (transcript-rebuilt; emitter-appended) ---
"""Pipeline reference for scband-graph-sage-64896955843036 (READ-ONLY COPY).

The authoritative reference and input builder live on the scoring server;
editing this copy changes nothing except your own understanding.
"""

import jax, jax.numpy as jnp
import numpy as np

N_NODES = 10000
N_EDGES = 320000
D_FEAT = 128
H1 = 64
H2 = 32
N_CLASSES = 4


def setup_inputs(seed: int = 0) -> dict:
    key = jax.random.key(seed)
    ks = jax.random.split(key, 10)
    x = jax.random.normal(ks[0], (N_NODES, D_FEAT), dtype=jnp.float32)
    edge_index = jax.random.randint(ks[1], (2, N_EDGES), 0, N_NODES, dtype=jnp.int64)
    # SAGEConv params: lin_l (applied to aggregated neighbors, with bias), lin_r (applied to root, no bias)
    W1_l = jax.random.normal(ks[2], (D_FEAT, H1), dtype=jnp.float32) * (1.0 / np.sqrt(D_FEAT))
    b1_l = jnp.zeros((H1,), dtype=jnp.float32)
    W1_r = jax.random.normal(ks[3], (D_FEAT, H1), dtype=jnp.float32) * (1.0 / np.sqrt(D_FEAT))
    W2_l = jax.random.normal(ks[4], (H1, H2), dtype=jnp.float32) * (1.0 / np.sqrt(H1))
    b2_l = jnp.zeros((H2,), dtype=jnp.float32)
    W2_r = jax.random.normal(ks[5], (H1, H2), dtype=jnp.float32) * (1.0 / np.sqrt(H1))
    Wc = jax.random.normal(ks[6], (H2, N_CLASSES), dtype=jnp.float32) * (1.0 / np.sqrt(H2))
    bc = jnp.zeros((N_CLASSES,), dtype=jnp.float32)
    return {"x": x, "edge_index": edge_index,
            "W1_l": W1_l, "b1_l": b1_l, "W1_r": W1_r,
            "W2_l": W2_l, "b2_l": b2_l, "W2_r": W2_r,
            "Wc": Wc, "bc": bc}


def _sage_conv(x, edge_index, W_l, b_l, W_r):
    # PyG SAGEConv with mean aggregation:
    # out = lin_l(mean_{j in N(i)} x_j) + lin_r(x_i)
    src = edge_index[0]
    dst = edge_index[1]
    n = x.shape[0]
    msgs = jnp.take(x, src, axis=0)                       # gather  [E, d]
    agg = jax.ops.segment_sum(msgs, dst, num_segments=n)  # scatter-add [N, d]
    deg = jax.ops.segment_sum(jnp.ones((edge_index.shape[1],), dtype=x.dtype), dst, num_segments=n)
    agg = agg / jnp.clip(deg, 1.0, None)[:, None]         # mean
    return agg @ W_l + b_l + x @ W_r


def reference(x, edge_index, W1_l, b1_l, W1_r, W2_l, b2_l, W2_r, Wc, bc):
    h1 = jax.nn.relu(_sage_conv(x, edge_index, W1_l, b1_l, W1_r))
    h2 = jax.nn.relu(_sage_conv(h1, edge_index, W2_l, b2_l, W2_r))
    z = h2 @ Wc + bc
    return (h2, z)

if __name__ == "__main__":
    import jax
    _d = setup_inputs()
    print(jax.jit(kernel)(*tuple(_d.values())))

</pallas_src>

<mosaic_0001>
#map = affine_map<(d0, d1) -> (0, 0)>
#map1 = affine_map<(d0, d1) -> (0, 0, 0, 0)>
#map2 = affine_map<(d0, d1) -> (0, 0, 0)>
module attributes {stable_mosaic.version = 14 : i64} {
  func.func @body(%arg0: i32, %arg1: i32, %arg2: memref<10000x64xbf16, #tpu.memory_space<hbm>>, %arg3: memref<2x32x53x192xi32, #tpu.memory_space<hbm>>, %arg4: memref<128x64xbf16, #tpu.memory_space<hbm>>, %arg5: memref<192x16xbf16, #tpu.memory_space<hbm>>, %arg6: memref<128x16xbf16, #tpu.memory_space<hbm>>, %arg7: memref<2x10240x64xbf16, #tpu.memory_space<hbm>>, %arg8: memref<2x10240x16xbf16, #tpu.memory_space<hbm>>, %arg9: memref<10240x64xbf16, #tpu.memory_space<vmem_shared>>, %arg10: memref<53x192xi32, #tpu.memory_space<vmem>>, %arg11: memref<53x192xi32, #tpu.memory_space<vmem>>, %arg12: memref<3x192x64xbf16, #tpu.memory_space<vmem>>, %arg13: memref<128x64xbf16, #tpu.memory_space<vmem>>, %arg14: memref<!tpu.dma_semaphore, #tpu.memory_space<semaphore_mem>>, %arg15: memref<!tpu.dma_semaphore, #tpu.memory_space<semaphore_mem>>, %arg16: memref<!tpu.dma_semaphore, #tpu.memory_space<semaphore_mem>>, %arg17: memref<10240x16xbf16, #tpu.memory_space<vmem_shared>>, %arg18: memref<192x16xbf16, #tpu.memory_space<vmem>>, %arg19: memref<128x16xbf16, #tpu.memory_space<vmem>>, %arg20: memref<!tpu.dma_semaphore, #tpu.memory_space<semaphore_mem>>, %arg21: memref<!tpu.dma_semaphore, #tpu.memory_space<semaphore_mem>>) attributes {dimension_semantics = [#tpu.dimension_semantics<core_parallel>, #tpu.dimension_semantics<subcore_parallel>], iteration_bounds = array<i64: 2, 16>, scalar_prefetch = 0 : i64, scratch_operands = 13 : i64, tpu.core_type = #tpu.core_type<sc_vector_subcore>, window_params = [{transform_indices = #map}, {transform_indices = #map1}, {transform_indices = #map}, {transform_indices = #map}, {transform_indices = #map}, {transform_indices = #map2}, {transform_indices = #map2}]} {
    %mul3A = arith.constant 2 : i32
    %mul3A_0 = arith.muli %arg1, %mul3A : i32
    %add3A = arith.addi %mul3A_0, %arg0 : i32
    %run_scoped3A = arith.constant 0 : i32
    "tpu.region"() ({
      %run_scoped3A_314 = tpu.sem_alloc : memref<!tpu.dma_semaphore, #tpu.memory_space<semaphore_mem>>
      %dma_start3A_315 = arith.constant 0 : i32
      %dma_start3A_316 = arith.constant 0 : i32
      %dma_start3A_317 = tpu.memref_slice %arg3[%run_scoped3A, %add3A, %dma_start3A_315, %dma_start3A_316] : memref<2x32x53x192xi32, #tpu.memory_space<hbm>> -> memref<1x1x53x192xi32, #tpu.memory_space<hbm>>
      %dma_start3A_318 = tpu.memref_squeeze %dma_start3A_317 : memref<1x1x53x192xi32, #tpu.memory_space<hbm>> -> memref<53x192xi32, #tpu.memory_space<hbm>>
      %dma_start3A_319 = arith.constant 0 : i32
      %dma_start3A_320 = arith.constant 0 : i32
      %dma_start3A_321 = tpu.memref_slice %arg3[%run_scoped3A, %add3A, %dma_start3A_319, %dma_start3A_320] : memref<2x32x53x192xi32, #tpu.memory_space<hbm>> -> memref<1x1x53x192xi32, #tpu.memory_space<hbm>>
      %dma_start3A_322 = tpu.memref_squeeze %dma_start3A_321 : memref<1x1x53x192xi32, #tpu.memory_space<hbm>> -> memref<53x192xi32, #tpu.memory_space<hbm>>
      tpu.enqueue_dma source(%dma_start3A_322 : memref<53x192xi32, #tpu.memory_space<hbm>>) target(%arg10 : memref<53x192xi32, #tpu.memory_space<vmem>>) target_semaphore(%run_scoped3A_314 : memref<!tpu.dma_semaphore, #tpu.memory_space<semaphore_mem>>)
      %dma_wait3A_323 = arith.constant 0 : i32
      %dma_wait3A_324 = arith.constant 0 : i32
      %dma_wait3A_325 = tpu.memref_slice %arg3[%run_scoped3A, %add3A, %dma_wait3A_323, %dma_wait3A_324] : memref<2x32x53x192xi32, #tpu.memory_space<hbm>> -> memref<1x1x53x192xi32, #tpu.memory_space<hbm>>
      %dma_wait3A_326 = tpu.memref_squeeze %dma_wait3A_325 : memref<1x1x53x192xi32, #tpu.memory_space<hbm>> -> memref<53x192xi32, #tpu.memory_space<hbm>>
      %dma_wait3A_327 = arith.constant 0 : i32
      %dma_wait3A_328 = arith.constant 0 : i32
      %dma_wait3A_329 = tpu.memref_slice %arg3[%run_scoped3A, %add3A, %dma_wait3A_327, %dma_wait3A_328] : memref<2x32x53x192xi32, #tpu.memory_space<hbm>> -> memref<1x1x53x192xi32, #tpu.memory_space<hbm>>
      %dma_wait3A_330 = tpu.memref_squeeze %dma_wait3A_329 : memref<1x1x53x192xi32, #tpu.memory_space<hbm>> -> memref<53x192xi32, #tpu.memory_space<hbm>>
      tpu.wait_dma2 semaphore(%run_scoped3A_314 : memref<!tpu.dma_semaphore, #tpu.memory_space<semaphore_mem>>) src(%dma_wait3A_330 : memref<53x192xi32, #tpu.memory_space<hbm>>) dst(%arg10 : memref<53x192xi32, #tpu.memory_space<vmem>>)
      tpu.yield
    }) : () -> ()
    %run_scoped3A_1 = arith.constant 1 : i32
    "tpu.region"() ({
      %run_scoped3A_314 = tpu.sem_alloc : memref<!tpu.dma_semaphore, #tpu.memory_space<semaphore_mem>>
      %dma_start3A_315 = arith.constant 0 : i32
      %dma_start3A_316 = arith.constant 0 : i32
      %dma_start3A_317 = tpu.memref_slice %arg3[%run_scoped3A_1, %add3A, %dma_start3A_315, %dma_start3A_316] : memref<2x32x53x192xi32, #tpu.memory_space<hbm>> -> memref<1x1x53x192xi32, #tpu.memory_space<hbm>>
      %dma_start3A_318 = tpu.memref_squeeze %dma_start3A_317 : memref<1x1x53x192xi32, #tpu.memory_space<hbm>> -> memref<53x192xi32, #tpu.memory_space<hbm>>
      %dma_start3A_319 = arith.constant 0 : i32
      %dma_start3A_320 = arith.constant 0 : i32
      %dma_start3A_321 = tpu.memref_slice %arg3[%run_scoped3A_1, %add3A, %dma_start3A_319, %dma_start3A_320] : memref<2x32x53x192xi32, #tpu.memory_space<hbm>> -> memref<1x1x53x192xi32, #tpu.memory_space<hbm>>
      %dma_start3A_322 = tpu.memref_squeeze %dma_start3A_321 : memref<1x1x53x192xi32, #tpu.memory_space<hbm>> -> memref<53x192xi32, #tpu.memory_space<hbm>>
      tpu.enqueue_dma source(%dma_start3A_322 : memref<53x192xi32, #tpu.memory_space<hbm>>) target(%arg11 : memref<53x192xi32, #tpu.memory_space<vmem>>) target_semaphore(%run_scoped3A_314 : memref<!tpu.dma_semaphore, #tpu.memory_space<semaphore_mem>>)
      %dma_wait3A_323 = arith.constant 0 : i32
      %dma_wait3A_324 = arith.constant 0 : i32
      %dma_wait3A_325 = tpu.memref_slice %arg3[%run_scoped3A_1, %add3A, %dma_wait3A_323, %dma_wait3A_324] : memref<2x32x53x192xi32, #tpu.memory_space<hbm>> -> memref<1x1x53x192xi32, #tpu.memory_space<hbm>>
      %dma_wait3A_326 = tpu.memref_squeeze %dma_wait3A_325 : memref<1x1x53x192xi32, #tpu.memory_space<hbm>> -> memref<53x192xi32, #tpu.memory_space<hbm>>
      %dma_wait3A_327 = arith.constant 0 : i32
      %dma_wait3A_328 = arith.constant 0 : i32
      %dma_wait3A_329 = tpu.memref_slice %arg3[%run_scoped3A_1, %add3A, %dma_wait3A_327, %dma_wait3A_328] : memref<2x32x53x192xi32, #tpu.memory_space<hbm>> -> memref<1x1x53x192xi32, #tpu.memory_space<hbm>>
      %dma_wait3A_330 = tpu.memref_squeeze %dma_wait3A_329 : memref<1x1x53x192xi32, #tpu.memory_space<hbm>> -> memref<53x192xi32, #tpu.memory_space<hbm>>
      tpu.wait_dma2 semaphore(%run_scoped3A_314 : memref<!tpu.dma_semaphore, #tpu.memory_space<semaphore_mem>>) src(%dma_wait3A_330 : memref<53x192xi32, #tpu.memory_space<hbm>>) dst(%arg11 : memref<53x192xi32, #tpu.memory_space<vmem>>)
      tpu.yield
    }) : () -> ()
    "tpu.region"() ({
      %run_scoped3A_314 = tpu.sem_alloc : memref<!tpu.dma_semaphore, #tpu.memory_space<semaphore_mem>>
      tpu.enqueue_dma source(%arg4 : memref<128x64xbf16, #tpu.memory_space<hbm>>) target(%arg13 : memref<128x64xbf16, #tpu.memory_space<vmem>>) target_semaphore(%run_scoped3A_314 : memref<!tpu.dma_semaphore, #tpu.memory_space<semaphore_mem>>)
      tpu.wait_dma2 semaphore(%run_scoped3A_314 : memref<!tpu.dma_semaphore, #tpu.memory_space<semaphore_mem>>) src(%arg4 : memref<128x64xbf16, #tpu.memory_space<hbm>>) dst(%arg13 : memref<128x64xbf16, #tpu.memory_space<vmem>>)
      tpu.yield
    }) : () -> ()
    %mul3A_2 = arith.constant 640 : i32
    %mul3A_3 = arith.muli %arg1, %mul3A_2 : i32
    %add3A_4 = arith.constant 0 : i32
    %add3A_5 = arith.addi %mul3A_3, %add3A_4 : i32
    "tpu.region"() ({
      %run_scoped3A_314 = tpu.sem_alloc : memref<!tpu.dma_semaphore, #tpu.memory_space<semaphore_mem>>
      %dma_start3A_315 = arith.constant 0 : i32
      %dma_start3A_316 = tpu.memref_slice %arg9[%add3A_5, %dma_start3A_315] : memref<10240x64xbf16, #tpu.memory_space<vmem_shared>> -> memref<128x64xbf16, #tpu.memory_space<vmem_shared>>
      %dma_start3A_317 = arith.constant 0 : i32
      %dma_start3A_318 = tpu.memref_slice %arg9[%add3A_5, %dma_start3A_317] : memref<10240x64xbf16, #tpu.memory_space<vmem_shared>> -> memref<128x64xbf16, #tpu.memory_space<vmem_shared>>
      tpu.enqueue_dma source(%arg13 : memref<128x64xbf16, #tpu.memory_space<vmem>>) target(%dma_start3A_318 : memref<128x64xbf16, #tpu.memory_space<vmem_shared>>) target_semaphore(%run_scoped3A_314 : memref<!tpu.dma_semaphore, #tpu.memory_space<semaphore_mem>>)
      %dma_wait3A_319 = arith.constant 0 : i32
      %dma_wait3A_320 = tpu.memref_slice %arg9[%add3A_5, %dma_wait3A_319] : memref<10240x64xbf16, #tpu.memory_space<vmem_shared>> -> memref<128x64xbf16, #tpu.memory_space<vmem_shared>>
      %dma_wait3A_321 = arith.constant 0 : i32
      %dma_wait3A_322 = tpu.memref_slice %arg9[%add3A_5, %dma_wait3A_321] : memref<10240x64xbf16, #tpu.memory_space<vmem_shared>> -> memref<128x64xbf16, #tpu.memory_space<vmem_shared>>
      tpu.wait_dma2 semaphore(%run_scoped3A_314 : memref<!tpu.dma_semaphore, #tpu.memory_space<semaphore_mem>>) src(%arg13 : memref<128x64xbf16, #tpu.memory_space<vmem>>) dst(%dma_wait3A_322 : memref<128x64xbf16, #tpu.memory_space<vmem_shared>>)
      tpu.yield
    }) : () -> ()
    %add3A_6 = arith.constant 128 : i32
    %add3A_7 = arith.addi %mul3A_3, %add3A_6 : i32
    "tpu.region"() ({
      %run_scoped3A_314 = tpu.sem_alloc : memref<!tpu.dma_semaphore, #tpu.memory_space<semaphore_mem>>
      %dma_start3A_315 = arith.constant 0 : i32
      %dma_start3A_316 = tpu.memref_slice %arg9[%add3A_7, %dma_start3A_315] : memref<10240x64xbf16, #tpu.memory_space<vmem_shared>> -> memref<128x64xbf16, #tpu.memory_space<vmem_shared>>
      %dma_start3A_317 = arith.constant 0 : i32
      %dma_start3A_318 = tpu.memref_slice %arg9[%add3A_7, %dma_start3A_317] : memref<10240x64xbf16, #tpu.memory_space<vmem_shared>> -> memref<128x64xbf16, #tpu.memory_space<vmem_shared>>
      tpu.enqueue_dma source(%arg13 : memref<128x64xbf16, #tpu.memory_space<vmem>>) target(%dma_start3A_318 : memref<128x64xbf16, #tpu.memory_space<vmem_shared>>) target_semaphore(%run_scoped3A_314 : memref<!tpu.dma_semaphore, #tpu.memory_space<semaphore_mem>>)
      %dma_wait3A_319 = arith.constant 0 : i32
      %dma_wait3A_320 = tpu.memref_slice %arg9[%add3A_7, %dma_wait3A_319] : memref<10240x64xbf16, #tpu.memory_space<vmem_shared>> -> memref<128x64xbf16, #tpu.memory_space<vmem_shared>>
      %dma_wait3A_321 = arith.constant 0 : i32
      %dma_wait3A_322 = tpu.memref_slice %arg9[%add3A_7, %dma_wait3A_321] : memref<10240x64xbf16, #tpu.memory_space<vmem_shared>> -> memref<128x64xbf16, #tpu.memory_space<vmem_shared>>
      tpu.wait_dma2 semaphore(%run_scoped3A_314 : memref<!tpu.dma_semaphore, #tpu.memory_space<semaphore_mem>>) src(%arg13 : memref<128x64xbf16, #tpu.memory_space<vmem>>) dst(%dma_wait3A_322 : memref<128x64xbf16, #tpu.memory_space<vmem_shared>>)
      tpu.yield
    }) : () -> ()
    %add3A_8 = arith.constant 256 : i32
    %add3A_9 = arith.addi %mul3A_3, %add3A_8 : i32
    "tpu.region"() ({
      %run_scoped3A_314 = tpu.sem_alloc : memref<!tpu.dma_semaphore, #tpu.memory_space<semaphore_mem>>
      %dma_start3A_315 = arith.constant 0 : i32
      %dma_start3A_316 = tpu.memref_slice %arg9[%add3A_9, %dma_start3A_315] : memref<10240x64xbf16, #tpu.memory_space<vmem_shared>> -> memref<128x64xbf16, #tpu.memory_space<vmem_shared>>
      %dma_start3A_317 = arith.constant 0 : i32
      %dma_start3A_318 = tpu.memref_slice %arg9[%add3A_9, %dma_start3A_317] : memref<10240x64xbf16, #tpu.memory_space<vmem_shared>> -> memref<128x64xbf16, #tpu.memory_space<vmem_shared>>
      tpu.enqueue_dma source(%arg13 : memref<128x64xbf16, #tpu.memory_space<vmem>>) target(%dma_start3A_318 : memref<128x64xbf16, #tpu.memory_space<vmem_shared>>) target_semaphore(%run_scoped3A_314 : memref<!tpu.dma_semaphore, #tpu.memory_space<semaphore_mem>>)
      %dma_wait3A_319 = arith.constant 0 : i32
      %dma_wait3A_320 = tpu.memref_slice %arg9[%add3A_9, %dma_wait3A_319] : memref<10240x64xbf16, #tpu.memory_space<vmem_shared>> -> memref<128x64xbf16, #tpu.memory_space<vmem_shared>>
      %dma_wait3A_321 = arith.constant 0 : i32
      %dma_wait3A_322 = tpu.memref_slice %arg9[%add3A_9, %dma_wait3A_321] : memref<10240x64xbf16, #tpu.memory_space<vmem_shared>> -> memref<128x64xbf16, #tpu.memory_space<vmem_shared>>
      tpu.wait_dma2 semaphore(%run_scoped3A_314 : memref<!tpu.dma_semaphore, #tpu.memory_space<semaphore_mem>>) src(%arg13 : memref<128x64xbf16, #tpu.memory_space<vmem>>) dst(%dma_wait3A_322 : memref<128x64xbf16, #tpu.memory_space<vmem_shared>>)
      tpu.yield
    }) : () -> ()
    %add3A_10 = arith.constant 384 : i32
    %add3A_11 = arith.addi %mul3A_3, %add3A_10 : i32
    "tpu.region"() ({
      %run_scoped3A_314 = tpu.sem_alloc : memref<!tpu.dma_semaphore, #tpu.memory_space<semaphore_mem>>
      %dma_start3A_315 = arith.constant 0 : i32
      %dma_start3A_316 = tpu.memref_slice %arg9[%add3A_11, %dma_start3A_315] : memref<10240x64xbf16, #tpu.memory_space<vmem_shared>> -> memref<128x64xbf16, #tpu.memory_space<vmem_shared>>
      %dma_start3A_317 = arith.constant 0 : i32
      %dma_start3A_318 = tpu.memref_slice %arg9[%add3A_11, %dma_start3A_317] : memref<10240x64xbf16, #tpu.memory_space<vmem_shared>> -> memref<128x64xbf16, #tpu.memory_space<vmem_shared>>
      tpu.enqueue_dma source(%arg13 : memref<128x64xbf16, #tpu.memory_space<vmem>>) target(%dma_start3A_318 : memref<128x64xbf16, #tpu.memory_space<vmem_shared>>) target_semaphore(%run_scoped3A_314 : memref<!tpu.dma_semaphore, #tpu.memory_space<semaphore_mem>>)
      %dma_wait3A_319 = arith.constant 0 : i32
      %dma_wait3A_320 = tpu.memref_slice %arg9[%add3A_11, %dma_wait3A_319] : memref<10240x64xbf16, #tpu.memory_space<vmem_shared>> -> memref<128x64xbf16, #tpu.memory_space<vmem_shared>>
      %dma_wait3A_321 = arith.constant 0 : i32
      %dma_wait3A_322 = tpu.memref_slice %arg9[%add3A_11, %dma_wait3A_321] : memref<10240x64xbf16, #tpu.memory_space<vmem_shared>> -> memref<128x64xbf16, #tpu.memory_space<vmem_shared>>
      tpu.wait_dma2 semaphore(%run_scoped3A_314 : memref<!tpu.dma_semaphore, #tpu.memory_space<semaphore_mem>>) src(%arg13 : memref<128x64xbf16, #tpu.memory_space<vmem>>) dst(%dma_wait3A_322 : memref<128x64xbf16, #tpu.memory_space<vmem_shared>>)
      tpu.yield
    }) : () -> ()
    %add3A_12 = arith.constant 512 : i32
    %add3A_13 = arith.addi %mul3A_3, %add3A_12 : i32
    "tpu.region"() ({
      %run_scoped3A_314 = tpu.sem_alloc : memref<!tpu.dma_semaphore, #tpu.memory_space<semaphore_mem>>
      %dma_start3A_315 = arith.constant 0 : i32
      %dma_start3A_316 = tpu.memref_slice %arg9[%add3A_13, %dma_start3A_315] : memref<10240x64xbf16, #tpu.memory_space<vmem_shared>> -> memref<128x64xbf16, #tpu.memory_space<vmem_shared>>
      %dma_start3A_317 = arith.constant 0 : i32
      %dma_start3A_318 = tpu.memref_slice %arg9[%add3A_13, %dma_start3A_317] : memref<10240x64xbf16, #tpu.memory_space<vmem_shared>> -> memref<128x64xbf16, #tpu.memory_space<vmem_shared>>
      tpu.enqueue_dma source(%arg13 : memref<128x64xbf16, #tpu.memory_space<vmem>>) target(%dma_start3A_318 : memref<128x64xbf16, #tpu.memory_space<vmem_shared>>) target_semaphore(%run_scoped3A_314 : memref<!tpu.dma_semaphore, #tpu.memory_space<semaphore_mem>>)
      %dma_wait3A_319 = arith.constant 0 : i32
      %dma_wait3A_320 = tpu.memref_slice %arg9[%add3A_13, %dma_wait3A_319] : memref<10240x64xbf16, #tpu.memory_space<vmem_shared>> -> memref<128x64xbf16, #tpu.memory_space<vmem_shared>>
      %dma_wait3A_321 = arith.constant 0 : i32
      %dma_wait3A_322 = tpu.memref_slice %arg9[%add3A_13, %dma_wait3A_321] : memref<10240x64xbf16, #tpu.memory_space<vmem_shared>> -> memref<128x64xbf16, #tpu.memory_space<vmem_shared>>
      tpu.wait_dma2 semaphore(%run_scoped3A_314 : memref<!tpu.dma_semaphore, #tpu.memory_space<semaphore_mem>>) src(%arg13 : memref<128x64xbf16, #tpu.memory_space<vmem>>) dst(%dma_wait3A_322 : memref<128x64xbf16, #tpu.memory_space<vmem_shared>>)
      tpu.yield
    }) : () -> ()
    "tpu.region"() ({
      %run_scoped3A_314 = tpu.sem_alloc : memref<!tpu.dma_semaphore, #tpu.memory_space<semaphore_mem>>
      tpu.enqueue_dma source(%arg5 : memref<192x16xbf16, #tpu.memory_space<hbm>>) target(%arg18 : memref<192x16xbf16, #tpu.memory_space<vmem>>) target_semaphore(%run_scoped3A_314 : memref<!tpu.dma_semaphore, #tpu.memory_space<semaphore_mem>>)
      tpu.wait_dma2 semaphore(%run_scoped3A_314 : memref<!tpu.dma_semaphore, #tpu.memory_space<semaphore_mem>>) src(%arg5 : memref<192x16xbf16, #tpu.memory_space<hbm>>) dst(%arg18 : memref<192x16xbf16, #tpu.memory_space<vmem>>)
      tpu.yield
    }) : () -> ()
    "tpu.region"() ({
      %run_scoped3A_314 = tpu.sem_alloc : memref<!tpu.dma_semaphore, #tpu.memory_space<semaphore_mem>>
      tpu.enqueue_dma source(%arg6 : memref<128x16xbf16, #tpu.memory_space<hbm>>) target(%arg19 : memref<128x16xbf16, #tpu.memory_space<vmem>>) target_semaphore(%run_scoped3A_314 : memref<!tpu.dma_semaphore, #tpu.memory_space<semaphore_mem>>)
      tpu.wait_dma2 semaphore(%run_scoped3A_314 : memref<!tpu.dma_semaphore, #tpu.memory_space<semaphore_mem>>) src(%arg6 : memref<128x16xbf16, #tpu.memory_space<hbm>>) dst(%arg19 : memref<128x16xbf16, #tpu.memory_space<vmem>>)
      tpu.yield
    }) : () -> ()
    %add3A_14 = arith.constant 0 : i32
    %add3A_15 = arith.addi %mul3A_3, %add3A_14 : i32
    "tpu.region"() ({
      %run_scoped3A_314 = tpu.sem_alloc : memref<!tpu.dma_semaphore, #tpu.memory_space<semaphore_mem>>
      %dma_start3A_315 = arith.constant 0 : i32
      %dma_start3A_316 = tpu.memref_slice %arg17[%add3A_15, %dma_start3A_315] : memref<10240x16xbf16, #tpu.memory_space<vmem_shared>> -> memref<128x16xbf16, #tpu.memory_space<vmem_shared>>
      %dma_start3A_317 = arith.constant 0 : i32
      %dma_start3A_318 = tpu.memref_slice %arg17[%add3A_15, %dma_start3A_317] : memref<10240x16xbf16, #tpu.memory_space<vmem_shared>> -> memref<128x16xbf16, #tpu.memory_space<vmem_shared>>
      tpu.enqueue_dma source(%arg19 : memref<128x16xbf16, #tpu.memory_space<vmem>>) target(%dma_start3A_318 : memref<128x16xbf16, #tpu.memory_space<vmem_shared>>) target_semaphore(%run_scoped3A_314 : memref<!tpu.dma_semaphore, #tpu.memory_space<semaphore_mem>>)
      %dma_wait3A_319 = arith.constant 0 : i32
      %dma_wait3A_320 = tpu.memref_slice %arg17[%add3A_15, %dma_wait3A_319] : memref<10240x16xbf16, #tpu.memory_space<vmem_shared>> -> memref<128x16xbf16, #tpu.memory_space<vmem_shared>>
      %dma_wait3A_321 = arith.constant 0 : i32
      %dma_wait3A_322 = tpu.memref_slice %arg17[%add3A_15, %dma_wait3A_321] : memref<10240x16xbf16, #tpu.memory_space<vmem_shared>> -> memref<128x16xbf16, #tpu.memory_space<vmem_shared>>
      tpu.wait_dma2 semaphore(%run_scoped3A_314 : memref<!tpu.dma_semaphore, #tpu.memory_space<semaphore_mem>>) src(%arg19 : memref<128x16xbf16, #tpu.memory_space<vmem>>) dst(%dma_wait3A_322 : memref<128x16xbf16, #tpu.memory_space<vmem_shared>>)
      tpu.yield
    }) : () -> ()
    %add3A_16 = arith.constant 128 : i32
    %add3A_17 = arith.addi %mul3A_3, %add3A_16 : i32
    "tpu.region"() ({
      %run_scoped3A_314 = tpu.sem_alloc : memref<!tpu.dma_semaphore, #tpu.memory_space<semaphore_mem>>
      %dma_start3A_315 = arith.constant 0 : i32
      %dma_start3A_316 = tpu.memref_slice %arg17[%add3A_17, %dma_start3A_315] : memref<10240x16xbf16, #tpu.memory_space<vmem_shared>> -> memref<128x16xbf16, #tpu.memory_space<vmem_shared>>
      %dma_start3A_317 = arith.constant 0 : i32
      %dma_start3A_318 = tpu.memref_slice %arg17[%add3A_17, %dma_start3A_317] : memref<10240x16xbf16, #tpu.memory_space<vmem_shared>> -> memref<128x16xbf16, #tpu.memory_space<vmem_shared>>
      tpu.enqueue_dma source(%arg19 : memref<128x16xbf16, #tpu.memory_space<vmem>>) target(%dma_start3A_318 : memref<128x16xbf16, #tpu.memory_space<vmem_shared>>) target_semaphore(%run_scoped3A_314 : memref<!tpu.dma_semaphore, #tpu.memory_space<semaphore_mem>>)
      %dma_wait3A_319 = arith.constant 0 : i32
      %dma_wait3A_320 = tpu.memref_slice %arg17[%add3A_17, %dma_wait3A_319] : memref<10240x16xbf16, #tpu.memory_space<vmem_shared>> -> memref<128x16xbf16, #tpu.memory_space<vmem_shared>>
      %dma_wait3A_321 = arith.constant 0 : i32
      %dma_wait3A_322 = tpu.memref_slice %arg17[%add3A_17, %dma_wait3A_321] : memref<10240x16xbf16, #tpu.memory_space<vmem_shared>> -> memref<128x16xbf16, #tpu.memory_space<vmem_shared>>
      tpu.wait_dma2 semaphore(%run_scoped3A_314 : memref<!tpu.dma_semaphore, #tpu.memory_space<semaphore_mem>>) src(%arg19 : memref<128x16xbf16, #tpu.memory_space<vmem>>) dst(%dma_wait3A_322 : memref<128x16xbf16, #tpu.memory_space<vmem_shared>>)
      tpu.yield
    }) : () -> ()
    %add3A_18 = arith.constant 256 : i32
    %add3A_19 = arith.addi %mul3A_3, %add3A_18 : i32
    "tpu.region"() ({
      %run_scoped3A_314 = tpu.sem_alloc : memref<!tpu.dma_semaphore, #tpu.memory_space<semaphore_mem>>
      %dma_start3A_315 = arith.constant 0 : i32
      %dma_start3A_316 = tpu.memref_slice %arg17[%add3A_19, %dma_start3A_315] : memref<10240x16xbf16, #tpu.memory_space<vmem_shared>> -> memref<128x16xbf16, #tpu.memory_space<vmem_shared>>
      %dma_start3A_317 = arith.constant 0 : i32
      %dma_start3A_318 = tpu.memref_slice %arg17[%add3A_19, %dma_start3A_317] : memref<10240x16xbf16, #tpu.memory_space<vmem_shared>> -> memref<128x16xbf16, #tpu.memory_space<vmem_shared>>
      tpu.enqueue_dma source(%arg19 : memref<128x16xbf16, #tpu.memory_space<vmem>>) target(%dma_start3A_318 : memref<128x16xbf16, #tpu.memory_space<vmem_shared>>) target_semaphore(%run_scoped3A_314 : memref<!tpu.dma_semaphore, #tpu.memory_space<semaphore_mem>>)
      %dma_wait3A_319 = arith.constant 0 : i32
      %dma_wait3A_320 = tpu.memref_slice %arg17[%add3A_19, %dma_wait3A_319] : memref<10240x16xbf16, #tpu.memory_space<vmem_shared>> -> memref<128x16xbf16, #tpu.memory_space<vmem_shared>>
      %dma_wait3A_321 = arith.constant 0 : i32
      %dma_wait3A_322 = tpu.memref_slice %arg17[%add3A_19, %dma_wait3A_321] : memref<10240x16xbf16, #tpu.memory_space<vmem_shared>> -> memref<128x16xbf16, #tpu.memory_space<vmem_shared>>
      tpu.wait_dma2 semaphore(%run_scoped3A_314 : memref<!tpu.dma_semaphore, #tpu.memory_space<semaphore_mem>>) src(%arg19 : memref<128x16xbf16, #tpu.memory_space<vmem>>) dst(%dma_wait3A_322 : memref<128x16xbf16, #tpu.memory_space<vmem_shared>>)
      tpu.yield
    }) : () -> ()
    %add3A_20 = arith.constant 384 : i32
    %add3A_21 = arith.addi %mul3A_3, %add3A_20 : i32
    "tpu.region"() ({
      %run_scoped3A_314 = tpu.sem_alloc : memref<!tpu.dma_semaphore, #tpu.memory_space<semaphore_mem>>
      %dma_start3A_315 = arith.constant 0 : i32
      %dma_start3A_316 = tpu.memref_slice %arg17[%add3A_21, %dma_start3A_315] : memref<10240x16xbf16, #tpu.memory_space<vmem_shared>> -> memref<128x16xbf16, #tpu.memory_space<vmem_shared>>
      %dma_start3A_317 = arith.constant 0 : i32
      %dma_start3A_318 = tpu.memref_slice %arg17[%add3A_21, %dma_start3A_317] : memref<10240x16xbf16, #tpu.memory_space<vmem_shared>> -> memref<128x16xbf16, #tpu.memory_space<vmem_shared>>
      tpu.enqueue_dma source(%arg19 : memref<128x16xbf16, #tpu.memory_space<vmem>>) target(%dma_start3A_318 : memref<128x16xbf16, #tpu.memory_space<vmem_shared>>) target_semaphore(%run_scoped3A_314 : memref<!tpu.dma_semaphore, #tpu.memory_space<semaphore_mem>>)
      %dma_wait3A_319 = arith.constant 0 : i32
      %dma_wait3A_320 = tpu.memref_slice %arg17[%add3A_21, %dma_wait3A_319] : memref<10240x16xbf16, #tpu.memory_space<vmem_shared>> -> memref<128x16xbf16, #tpu.memory_space<vmem_shared>>
      %dma_wait3A_321 = arith.constant 0 : i32
      %dma_wait3A_322 = tpu.memref_slice %arg17[%add3A_21, %dma_wait3A_321] : memref<10240x16xbf16, #tpu.memory_space<vmem_shared>> -> memref<128x16xbf16, #tpu.memory_space<vmem_shared>>
      tpu.wait_dma2 semaphore(%run_scoped3A_314 : memref<!tpu.dma_semaphore, #tpu.memory_space<semaphore_mem>>) src(%arg19 : memref<128x16xbf16, #tpu.memory_space<vmem>>) dst(%dma_wait3A_322 : memref<128x16xbf16, #tpu.memory_space<vmem_shared>>)
      tpu.yield
    }) : () -> ()
    %add3A_22 = arith.constant 512 : i32
    %add3A_23 = arith.addi %mul3A_3, %add3A_22 : i32
    "tpu.region"() ({
      %run_scoped3A_314 = tpu.sem_alloc : memref<!tpu.dma_semaphore, #tpu.memory_space<semaphore_mem>>
      %dma_start3A_315 = arith.constant 0 : i32
      %dma_start3A_316 = tpu.memref_slice %arg17[%add3A_23, %dma_start3A_315] : memref<10240x16xbf16, #tpu.memory_space<vmem_shared>> -> memref<128x16xbf16, #tpu.memory_space<vmem_shared>>
      %dma_start3A_317 = arith.constant 0 : i32
      %dma_start3A_318 = tpu.memref_slice %arg17[%add3A_23, %dma_start3A_317] : memref<10240x16xbf16, #tpu.memory_space<vmem_shared>> -> memref<128x16xbf16, #tpu.memory_space<vmem_shared>>
      tpu.enqueue_dma source(%arg19 : memref<128x16xbf16, #tpu.memory_space<vmem>>) target(%dma_start3A_318 : memref<128x16xbf16, #tpu.memory_space<vmem_shared>>) target_semaphore(%run_scoped3A_314 : memref<!tpu.dma_semaphore, #tpu.memory_space<semaphore_mem>>)
      %dma_wait3A_319 = arith.constant 0 : i32
      %dma_wait3A_320 = tpu.memref_slice %arg17[%add3A_23, %dma_wait3A_319] : memref<10240x16xbf16, #tpu.memory_space<vmem_shared>> -> memref<128x16xbf16, #tpu.memory_space<vmem_shared>>
      %dma_wait3A_321 = arith.constant 0 : i32
      %dma_wait3A_322 = tpu.memref_slice %arg17[%add3A_23, %dma_wait3A_321] : memref<10240x16xbf16, #tpu.memory_space<vmem_shared>> -> memref<128x16xbf16, #tpu.memory_space<vmem_shared>>
      tpu.wait_dma2 semaphore(%run_scoped3A_314 : memref<!tpu.dma_semaphore, #tpu.memory_space<semaphore_mem>>) src(%arg19 : memref<128x16xbf16, #tpu.memory_space<vmem>>) dst(%dma_wait3A_322 : memref<128x16xbf16, #tpu.memory_space<vmem_shared>>)
      tpu.yield
    }) : () -> ()
    %barrier3A = arith.constant 0 : index
    tpu.barrier barrier_id(%barrier3A)
    %dma_start3A = arith.constant 0 : i32
    %dma_start3A_24 = arith.constant 0 : i32
    %dma_start3A_25 = arith.constant 0 : i32
    %dma_start3A_26 = arith.constant 0 : i32
    %dma_start3A_27 = tpu.memref_slice %arg12[%dma_start3A_24, %dma_start3A_25, %dma_start3A_26] : memref<3x192x64xbf16, #tpu.memory_space<vmem>> -> memref<1x192x64xbf16, #tpu.memory_space<vmem>>
    %dma_start3A_28 = tpu.memref_squeeze %dma_start3A_27 : memref<1x192x64xbf16, #tpu.memory_space<vmem>> -> memref<192x64xbf16, #tpu.memory_space<vmem>>
    %dma_start3A_29 = arith.constant 0 : i32
    %dma_start3A_30 = tpu.memref_slice %arg10[%dma_start3A, %dma_start3A_29] : memref<53x192xi32, #tpu.memory_space<vmem>> -> memref<1x192xi32, #tpu.memory_space<vmem>>
    %dma_start3A_31 = tpu.memref_squeeze %dma_start3A_30 : memref<1x192xi32, #tpu.memory_space<vmem>> -> memref<192xi32, #tpu.memory_space<vmem>>
    %dma_start3A_32 = arith.constant 0 : i32
    %dma_start3A_33 = arith.constant 0 : i32
    %dma_start3A_34 = tpu.memref_slice %arg2[%dma_start3A_32, %dma_start3A_33] : memref<10000x64xbf16, #tpu.memory_space<hbm>> -> memref<10000x64xbf16, #tpu.memory_space<hbm>>
    tpu.enqueue_indirect_dma source(%dma_start3A_34 : memref<10000x64xbf16, #tpu.memory_space<hbm>>) target(%dma_start3A_28 : memref<192x64xbf16, #tpu.memory_space<vmem>>) offsets(%dma_start3A_31 : memref<192xi32, #tpu.memory_space<vmem>>) semaphore(%arg14 : memref<!tpu.dma_semaphore, #tpu.memory_space<semaphore_mem>>)
    %dma_start3A_35 = arith.constant 1 : i32
    %dma_start3A_36 = arith.constant 1 : i32
    %dma_start3A_37 = arith.constant 0 : i32
    %dma_start3A_38 = arith.constant 0 : i32
    %dma_start3A_39 = tpu.memref_slice %arg12[%dma_start3A_36, %dma_start3A_37, %dma_start3A_38] : memref<3x192x64xbf16, #tpu.memory_space<vmem>> -> memref<1x192x64xbf16, #tpu.memory_space<vmem>>
    %dma_start3A_40 = tpu.memref_squeeze %dma_start3A_39 : memref<1x192x64xbf16, #tpu.memory_space<vmem>> -> memref<192x64xbf16, #tpu.memory_space<vmem>>
    %dma_start3A_41 = arith.constant 0 : i32
    %dma_start3A_42 = tpu.memref_slice %arg10[%dma_start3A_35, %dma_start3A_41] : memref<53x192xi32, #tpu.memory_space<vmem>> -> memref<1x192xi32, #tpu.memory_space<vmem>>
    %dma_start3A_43 = tpu.memref_squeeze %dma_start3A_42 : memref<1x192xi32, #tpu.memory_space<vmem>> -> memref<192xi32, #tpu.memory_space<vmem>>
    %dma_start3A_44 = arith.constant 0 : i32
    %dma_start3A_45 = arith.constant 0 : i32
    %dma_start3A_46 = tpu.memref_slice %arg2[%dma_start3A_44, %dma_start3A_45] : memref<10000x64xbf16, #tpu.memory_space<hbm>> -> memref<10000x64xbf16, #tpu.memory_space<hbm>>
    tpu.enqueue_indirect_dma source(%dma_start3A_46 : memref<10000x64xbf16, #tpu.memory_space<hbm>>) target(%dma_start3A_40 : memref<192x64xbf16, #tpu.memory_space<vmem>>) offsets(%dma_start3A_43 : memref<192xi32, #tpu.memory_space<vmem>>) semaphore(%arg14 : memref<!tpu.dma_semaphore, #tpu.memory_space<semaphore_mem>>)
    %scan3A = arith.constant 0 : i32
    %scan3A_47 = arith.constant 0 : i32
    %scan3A_48 = arith.constant 53 : i32
    %scan3A_49 = arith.addi %scan3A_47, %scan3A_48 : i32
    %scan3A_50 = arith.constant 1 : i32
    scf.for %scan3A_314 = %scan3A_47 to %scan3A_49 step %scan3A_50  : i32 {
      %rem3A = arith.constant 3 : i32
      %rem3A_315 = arith.remsi %scan3A_314, %rem3A : i32
      %add3A_316 = arith.constant 3 : i32
      %add3A_317 = arith.addi %scan3A_314, %add3A_316 : i32
      %sub3A = arith.constant 1 : i32
      %sub3A_318 = arith.subi %add3A_317, %sub3A : i32
      %rem3A_319 = arith.constant 3 : i32
      %rem3A_320 = arith.remsi %sub3A_318, %rem3A_319 : i32
      %dma_wait3A_321 = arith.constant 0 : i32
      %dma_wait3A_322 = arith.constant 0 : i32
      %dma_wait3A_323 = tpu.memref_slice %arg12[%rem3A_315, %dma_wait3A_321, %dma_wait3A_322] : memref<3x192x64xbf16, #tpu.memory_space<vmem>> -> memref<1x192x64xbf16, #tpu.memory_space<vmem>>
      %dma_wait3A_324 = tpu.memref_squeeze %dma_wait3A_323 : memref<1x192x64xbf16, #tpu.memory_space<vmem>> -> memref<192x64xbf16, #tpu.memory_space<vmem>>
      %dma_wait3A_325 = arith.constant 0 : i32
      %dma_wait3A_326 = tpu.memref_slice %arg10[%scan3A_314, %dma_wait3A_325] : memref<53x192xi32, #tpu.memory_space<vmem>> -> memref<1x192xi32, #tpu.memory_space<vmem>>
      %dma_wait3A_327 = tpu.memref_squeeze %dma_wait3A_326 : memref<1x192xi32, #tpu.memory_space<vmem>> -> memref<192xi32, #tpu.memory_space<vmem>>
      %dma_wait3A_328 = arith.constant 0 : i32
      %dma_wait3A_329 = arith.constant 0 : i32
      %dma_wait3A_330 = tpu.memref_slice %arg2[%dma_wait3A_328, %dma_wait3A_329] : memref<10000x64xbf16, #tpu.memory_space<hbm>> -> memref<10000x64xbf16, #tpu.memory_space<hbm>>
      tpu.wait_indirect_dma semaphore(%arg14 : memref<!tpu.dma_semaphore, #tpu.memory_space<semaphore_mem>>) src(%dma_wait3A_330 : memref<10000x64xbf16, #tpu.memory_space<hbm>>) dst(%dma_wait3A_324 : memref<192x64xbf16, #tpu.memory_space<vmem>>)
      %dma_start3A_331 = arith.constant 0 : i32
      %dma_start3A_332 = arith.constant 0 : i32
      %dma_start3A_333 = tpu.memref_slice %arg12[%rem3A_315, %dma_start3A_331, %dma_start3A_332] : memref<3x192x64xbf16, #tpu.memory_space<vmem>> -> memref<1x192x64xbf16, #tpu.memory_space<vmem>>
      %dma_start3A_334 = tpu.memref_squeeze %dma_start3A_333 : memref<1x192x64xbf16, #tpu.memory_space<vmem>> -> memref<192x64xbf16, #tpu.memory_space<vmem>>
      %dma_start3A_335 = arith.constant 0 : i32
      %dma_start3A_336 = tpu.memref_slice %arg11[%scan3A_314, %dma_start3A_335] : memref<53x192xi32, #tpu.memory_space<vmem>> -> memref<1x192xi32, #tpu.memory_space<vmem>>
      %dma_start3A_337 = tpu.memref_squeeze %dma_start3A_336 : memref<1x192xi32, #tpu.memory_space<vmem>> -> memref<192xi32, #tpu.memory_space<vmem>>
      %dma_start3A_338 = arith.constant 0 : i32
      %dma_start3A_339 = arith.constant 0 : i32
      %dma_start3A_340 = tpu.memref_slice %arg9[%dma_start3A_338, %dma_start3A_339] : memref<10240x64xbf16, #tpu.memory_space<vmem_shared>> -> memref<10240x64xbf16, #tpu.memory_space<vmem_shared>>
      tpu.enqueue_indirect_dma source(%dma_start3A_334 : memref<192x64xbf16, #tpu.memory_space<vmem>>) target(%dma_start3A_340 : memref<10240x64xbf16, #tpu.memory_space<vmem_shared>>) offsets(%dma_start3A_337 : memref<192xi32, #tpu.memory_space<vmem>>) semaphore(%arg15 : memref<!tpu.dma_semaphore, #tpu.memory_space<semaphore_mem>>) {add = true}
      %dma_start3A_341 = arith.constant 0 : i32
      %dma_start3A_342 = tpu.memref_slice %arg11[%scan3A_314, %dma_start3A_341] : memref<53x192xi32, #tpu.memory_space<vmem>> -> memref<1x192xi32, #tpu.memory_space<vmem>>
      %dma_start3A_343 = tpu.memref_squeeze %dma_start3A_342 : memref<1x192xi32, #tpu.memory_space<vmem>> -> memref<192xi32, #tpu.memory_space<vmem>>
      %dma_start3A_344 = arith.constant 0 : i32
      %dma_start3A_345 = arith.constant 0 : i32
      %dma_start3A_346 = tpu.memref_slice %arg17[%dma_start3A_344, %dma_start3A_345] : memref<10240x16xbf16, #tpu.memory_space<vmem_shared>> -> memref<10240x16xbf16, #tpu.memory_space<vmem_shared>>
      tpu.enqueue_indirect_dma source(%arg18 : memref<192x16xbf16, #tpu.memory_space<vmem>>) target(%dma_start3A_346 : memref<10240x16xbf16, #tpu.memory_space<vmem_shared>>) offsets(%dma_start3A_343 : memref<192xi32, #tpu.memory_space<vmem>>) semaphore(%arg20 : memref<!tpu.dma_semaphore, #tpu.memory_space<semaphore_mem>>) {add = true}
      %ge3A = arith.constant 1 : i32
      %ge3A_347 = arith.cmpi sge, %scan3A_314, %ge3A : i32
      %convert_element_type3A = arith.extui %ge3A_347 : i1 to i32
      %cond3A = arith.constant 0 : i32
      %cond3A_348 = arith.cmpi ne, %convert_element_type3A, %cond3A : i32
      scf.if %cond3A_348 {
        %dma_wait3A_362 = arith.constant 0 : i32
        %dma_wait3A_363 = arith.constant 0 : i32
        %dma_wait3A_364 = tpu.memref_slice %arg11[%dma_wait3A_362, %dma_wait3A_363] : memref<53x192xi32, #tpu.memory_space<vmem>> -> memref<1x192xi32, #tpu.memory_space<vmem>>
        %dma_wait3A_365 = tpu.memref_squeeze %dma_wait3A_364 : memref<1x192xi32, #tpu.memory_space<vmem>> -> memref<192xi32, #tpu.memory_space<vmem>>
        %dma_wait3A_366 = arith.constant 0 : i32
        %dma_wait3A_367 = arith.constant 0 : i32
        %dma_wait3A_368 = tpu.memref_slice %arg17[%dma_wait3A_366, %dma_wait3A_367] : memref<10240x16xbf16, #tpu.memory_space<vmem_shared>> -> memref<10240x16xbf16, #tpu.memory_space<vmem_shared>>
        tpu.wait_indirect_dma semaphore(%arg20 : memref<!tpu.dma_semaphore, #tpu.memory_space<semaphore_mem>>) src(%arg18 : memref<192x16xbf16, #tpu.memory_space<vmem>>) dst(%dma_wait3A_368 : memref<10240x16xbf16, #tpu.memory_space<vmem_shared>>)
      } else {
      }
      %ge3A_349 = arith.constant 1 : i32
      %ge3A_350 = arith.cmpi sge, %scan3A_314, %ge3A_349 : i32
      %convert_element_type3A_351 = arith.extui %ge3A_350 : i1 to i32
      %cond3A_352 = arith.constant 0 : i32
      %cond3A_353 = arith.cmpi ne, %convert_element_type3A_351, %cond3A_352 : i32
      scf.if %cond3A_353 {
        %dma_wait3A_362 = arith.constant 0 : i32
        %dma_wait3A_363 = arith.constant 0 : i32
        %dma_wait3A_364 = arith.constant 0 : i32
        %dma_wait3A_365 = arith.constant 0 : i32
        %dma_wait3A_366 = tpu.memref_slice %arg12[%dma_wait3A_362, %dma_wait3A_364, %dma_wait3A_365] : memref<3x192x64xbf16, #tpu.memory_space<vmem>> -> memref<1x192x64xbf16, #tpu.memory_space<vmem>>
        %dma_wait3A_367 = tpu.memref_squeeze %dma_wait3A_366 : memref<1x192x64xbf16, #tpu.memory_space<vmem>> -> memref<192x64xbf16, #tpu.memory_space<vmem>>
        %dma_wait3A_368 = arith.constant 0 : i32
        %dma_wait3A_369 = tpu.memref_slice %arg11[%dma_wait3A_363, %dma_wait3A_368] : memref<53x192xi32, #tpu.memory_space<vmem>> -> memref<1x192xi32, #tpu.memory_space<vmem>>
        %dma_wait3A_370 = tpu.memref_squeeze %dma_wait3A_369 : memref<1x192xi32, #tpu.memory_space<vmem>> -> memref<192xi32, #tpu.memory_space<vmem>>
        %dma_wait3A_371 = arith.constant 0 : i32
        %dma_wait3A_372 = arith.constant 0 : i32
        %dma_wait3A_373 = tpu.memref_slice %arg9[%dma_wait3A_371, %dma_wait3A_372] : memref<10240x64xbf16, #tpu.memory_space<vmem_shared>> -> memref<10240x64xbf16, #tpu.memory_space<vmem_shared>>
        tpu.wait_indirect_dma semaphore(%arg15 : memref<!tpu.dma_semaphore, #tpu.memory_space<semaphore_mem>>) src(%dma_wait3A_367 : memref<192x64xbf16, #tpu.memory_space<vmem>>) dst(%dma_wait3A_373 : memref<10240x64xbf16, #tpu.memory_space<vmem_shared>>)
      } else {
      }
      %add3A_354 = arith.constant 3 : i32
      %add3A_355 = arith.addi %scan3A_314, %add3A_354 : i32
      %sub3A_356 = arith.constant 1 : i32
      %sub3A_357 = arith.subi %add3A_355, %sub3A_356 : i32
      %lt3A = arith.constant 53 : i32
      %lt3A_358 = arith.cmpi slt, %sub3A_357, %lt3A : i32
      %convert_element_type3A_359 = arith.extui %lt3A_358 : i1 to i32
      %cond3A_360 = arith.constant 0 : i32
      %cond3A_361 = arith.cmpi ne, %convert_element_type3A_359, %cond3A_360 : i32
      scf.if %cond3A_361 {
        %add3A_362 = arith.constant 3 : i32
        %add3A_363 = arith.addi %scan3A_314, %add3A_362 : i32
        %sub3A_364 = arith.constant 1 : i32
        %sub3A_365 = arith.subi %add3A_363, %sub3A_364 : i32
        %dma_start3A_366 = arith.constant 0 : i32
        %dma_start3A_367 = arith.constant 0 : i32
        %dma_start3A_368 = tpu.memref_slice %arg12[%rem3A_320, %dma_start3A_366, %dma_start3A_367] : memref<3x192x64xbf16, #tpu.memory_space<vmem>> -> memref<1x192x64xbf16, #tpu.memory_space<vmem>>
        %dma_start3A_369 = tpu.memref_squeeze %dma_start3A_368 : memref<1x192x64xbf16, #tpu.memory_space<vmem>> -> memref<192x64xbf16, #tpu.memory_space<vmem>>
        %dma_start3A_370 = arith.constant 0 : i32
        %dma_start3A_371 = tpu.memref_slice %arg10[%sub3A_365, %dma_start3A_370] : memref<53x192xi32, #tpu.memory_space<vmem>> -> memref<1x192xi32, #tpu.memory_space<vmem>>
        %dma_start3A_372 = tpu.memref_squeeze %dma_start3A_371 : memref<1x192xi32, #tpu.memory_space<vmem>> -> memref<192xi32, #tpu.memory_space<vmem>>
        %dma_start3A_373 = arith.constant 0 : i32
        %dma_start3A_374 = arith.constant 0 : i32
        %dma_start3A_375 = tpu.memref_slice %arg2[%dma_start3A_373, %dma_start3A_374] : memref<10000x64xbf16, #tpu.memory_space<hbm>> -> memref<10000x64xbf16, #tpu.memory_space<hbm>>
        tpu.enqueue_indirect_dma source(%dma_start3A_375 : memref<10000x64xbf16, #tpu.memory_space<hbm>>) target(%dma_start3A_369 : memref<192x64xbf16, #tpu.memory_space<vmem>>) offsets(%dma_start3A_372 : memref<192xi32, #tpu.memory_space<vmem>>) semaphore(%arg14 : memref<!tpu.dma_semaphore, #tpu.memory_space<semaphore_mem>>)
      } else {
      }
    }
    %scan3A_51 = arith.constant 53 : i32
    %dma_wait3A = arith.constant 0 : i32
    %dma_wait3A_52 = arith.constant 0 : i32
    %dma_wait3A_53 = arith.constant 0 : i32
    %dma_wait3A_54 = arith.constant 0 : i32
    %dma_wait3A_55 = tpu.memref_slice %arg12[%dma_wait3A, %dma_wait3A_53, %dma_wait3A_54] : memref<3x192x64xbf16, #tpu.memory_space<vmem>> -> memref<1x192x64xbf16, #tpu.memory_space<vmem>>
    %dma_wait3A_56 = tpu.memref_squeeze %dma_wait3A_55 : memref<1x192x64xbf16, #tpu.memory_space<vmem>> -> memref<192x64xbf16, #tpu.memory_space<vmem>>
    %dma_wait3A_57 = arith.constant 0 : i32
    %dma_wait3A_58 = tpu.memref_slice %arg11[%dma_wait3A_52, %dma_wait3A_57] : memref<53x192xi32, #tpu.memory_space<vmem>> -> memref<1x192xi32, #tpu.memory_space<vmem>>
    %dma_wait3A_59 = tpu.memref_squeeze %dma_wait3A_58 : memref<1x192xi32, #tpu.memory_space<vmem>> -> memref<192xi32, #tpu.memory_space<vmem>>
    %dma_wait3A_60 = arith.constant 0 : i32
    %dma_wait3A_61 = arith.constant 0 : i32
    %dma_wait3A_62 = tpu.memref_slice %arg9[%dma_wait3A_60, %dma_wait3A_61] : memref<10240x64xbf16, #tpu.memory_space<vmem_shared>> -> memref<10240x64xbf16, #tpu.memory_space<vmem_shared>>
    tpu.wait_indirect_dma semaphore(%arg15 : memref<!tpu.dma_semaphore, #tpu.memory_space<semaphore_mem>>) src(%dma_wait3A_56 : memref<192x64xbf16, #tpu.memory_space<vmem>>) dst(%dma_wait3A_62 : memref<10240x64xbf16, #tpu.memory_space<vmem_shared>>)
    %dma_wait3A_63 = arith.constant 0 : i32
    %dma_wait3A_64 = arith.constant 0 : i32
    %dma_wait3A_65 = tpu.memref_slice %arg11[%dma_wait3A_63, %dma_wait3A_64] : memref<53x192xi32, #tpu.memory_space<vmem>> -> memref<1x192xi32, #tpu.memory_space<vmem>>
    %dma_wait3A_66 = tpu.memref_squeeze %dma_wait3A_65 : memref<1x192xi32, #tpu.memory_space<vmem>> -> memref<192xi32, #tpu.memory_space<vmem>>
    %dma_wait3A_67 = arith.constant 0 : i32
    %dma_wait3A_68 = arith.constant 0 : i32
    %dma_wait3A_69 = tpu.memref_slice %arg17[%dma_wait3A_67, %dma_wait3A_68] : memref<10240x16xbf16, #tpu.memory_space<vmem_shared>> -> memref<10240x16xbf16, #tpu.memory_space<vmem_shared>>
    tpu.wait_indirect_dma semaphore(%arg20 : memref<!tpu.dma_semaphore, #tpu.memory_space<semaphore_mem>>) src(%arg18 : memref<192x16xbf16, #tpu.memory_space<vmem>>) dst(%dma_wait3A_69 : memref<10240x16xbf16, #tpu.memory_space<vmem_shared>>)
    %barrier3A_70 = arith.constant 0 : index
    tpu.barrier barrier_id(%barrier3A_70)
    %add3A_71 = arith.constant 0 : i32
    %add3A_72 = arith.addi %mul3A_3, %add3A_71 : i32
    %run_scoped3A_73 = arith.constant 0 : i32
    "tpu.region"() ({
      %run_scoped3A_314 = tpu.sem_alloc : memref<!tpu.dma_semaphore, #tpu.memory_space<semaphore_mem>>
      %dma_start3A_315 = arith.constant 0 : i32
      %dma_start3A_316 = arith.constant 0 : i32
      %dma_start3A_317 = tpu.memref_slice %arg12[%run_scoped3A_73, %dma_start3A_315, %dma_start3A_316] : memref<3x192x64xbf16, #tpu.memory_space<vmem>> -> memref<1x128x64xbf16, #tpu.memory_space<vmem>>
      %dma_start3A_318 = tpu.memref_squeeze %dma_start3A_317 : memref<1x128x64xbf16, #tpu.memory_space<vmem>> -> memref<128x64xbf16, #tpu.memory_space<vmem>>
      %dma_start3A_319 = arith.constant 0 : i32
      %dma_start3A_320 = tpu.memref_slice %arg9[%add3A_72, %dma_start3A_319] : memref<10240x64xbf16, #tpu.memory_space<vmem_shared>> -> memref<128x64xbf16, #tpu.memory_space<vmem_shared>>
      %dma_start3A_321 = arith.constant 0 : i32
      %dma_start3A_322 = arith.constant 0 : i32
      %dma_start3A_323 = tpu.memref_slice %arg12[%run_scoped3A_73, %dma_start3A_321, %dma_start3A_322] : memref<3x192x64xbf16, #tpu.memory_space<vmem>> -> memref<1x128x64xbf16, #tpu.memory_space<vmem>>
      %dma_start3A_324 = tpu.memref_squeeze %dma_start3A_323 : memref<1x128x64xbf16, #tpu.memory_space<vmem>> -> memref<128x64xbf16, #tpu.memory_space<vmem>>
      %dma_start3A_325 = arith.constant 0 : i32
      %dma_start3A_326 = tpu.memref_slice %arg9[%add3A_72, %dma_start3A_325] : memref<10240x64xbf16, #tpu.memory_space<vmem_shared>> -> memref<128x64xbf16, #tpu.memory_space<vmem_shared>>
      tpu.enqueue_dma source(%dma_start3A_326 : memref<128x64xbf16, #tpu.memory_space<vmem_shared>>) target(%dma_start3A_324 : memref<128x64xbf16, #tpu.memory_space<vmem>>) target_semaphore(%run_scoped3A_314 : memref<!tpu.dma_semaphore, #tpu.memory_space<semaphore_mem>>)
      %dma_wait3A_327 = arith.constant 0 : i32
      %dma_wait3A_328 = arith.constant 0 : i32
      %dma_wait3A_329 = tpu.memref_slice %arg12[%run_scoped3A_73, %dma_wait3A_327, %dma_wait3A_328] : memref<3x192x64xbf16, #tpu.memory_space<vmem>> -> memref<1x128x64xbf16, #tpu.memory_space<vmem>>
      %dma_wait3A_330 = tpu.memref_squeeze %dma_wait3A_329 : memref<1x128x64xbf16, #tpu.memory_space<vmem>> -> memref<128x64xbf16, #tpu.memory_space<vmem>>
      %dma_wait3A_331 = arith.constant 0 : i32
      %dma_wait3A_332 = tpu.memref_slice %arg9[%add3A_72, %dma_wait3A_331] : memref<10240x64xbf16, #tpu.memory_space<vmem_shared>> -> memref<128x64xbf16, #tpu.memory_space<vmem_shared>>
      %dma_wait3A_333 = arith.constant 0 : i32
      %dma_wait3A_334 = arith.constant 0 : i32
      %dma_wait3A_335 = tpu.memref_slice %arg12[%run_scoped3A_73, %dma_wait3A_333, %dma_wait3A_334] : memref<3x192x64xbf16, #tpu.memory_space<vmem>> -> memref<1x128x64xbf16, #tpu.memory_space<vmem>>
      %dma_wait3A_336 = tpu.memref_squeeze %dma_wait3A_335 : memref<1x128x64xbf16, #tpu.memory_space<vmem>> -> memref<128x64xbf16, #tpu.memory_space<vmem>>
      %dma_wait3A_337 = arith.constant 0 : i32
      %dma_wait3A_338 = tpu.memref_slice %arg9[%add3A_72, %dma_wait3A_337] : memref<10240x64xbf16, #tpu.memory_space<vmem_shared>> -> memref<128x64xbf16, #tpu.memory_space<vmem_shared>>
      tpu.wait_dma2 semaphore(%run_scoped3A_314 : memref<!tpu.dma_semaphore, #tpu.memory_space<semaphore_mem>>) src(%dma_wait3A_338 : memref<128x64xbf16, #tpu.memory_space<vmem_shared>>) dst(%dma_wait3A_336 : memref<128x64xbf16, #tpu.memory_space<vmem>>)
      tpu.yield
    }) : () -> ()
    %dma_start3A_74 = arith.constant 0 : i32
    %dma_start3A_75 = arith.constant 0 : i32
    %dma_start3A_76 = arith.constant 0 : i32
    %dma_start3A_77 = tpu.memref_slice %arg12[%dma_start3A_74, %dma_start3A_75, %dma_start3A_76] : memref<3x192x64xbf16, #tpu.memory_space<vmem>> -> memref<1x128x64xbf16, #tpu.memory_space<vmem>>
    %dma_start3A_78 = tpu.memref_squeeze %dma_start3A_77 : memref<1x128x64xbf16, #tpu.memory_space<vmem>> -> memref<128x64xbf16, #tpu.memory_space<vmem>>
    %dma_start3A_79 = arith.constant 0 : i32
    %dma_start3A_80 = tpu.memref_slice %arg7[%arg0, %add3A_72, %dma_start3A_79] : memref<2x10240x64xbf16, #tpu.memory_space<hbm>> -> memref<1x128x64xbf16, #tpu.memory_space<hbm>>
    %dma_start3A_81 = tpu.memref_squeeze %dma_start3A_80 : memref<1x128x64xbf16, #tpu.memory_space<hbm>> -> memref<128x64xbf16, #tpu.memory_space<hbm>>
    %dma_start3A_82 = arith.constant 0 : i32
    %dma_start3A_83 = tpu.memref_slice %arg7[%arg0, %add3A_72, %dma_start3A_82] : memref<2x10240x64xbf16, #tpu.memory_space<hbm>> -> memref<1x128x64xbf16, #tpu.memory_space<hbm>>
    %dma_start3A_84 = tpu.memref_squeeze %dma_start3A_83 : memref<1x128x64xbf16, #tpu.memory_space<hbm>> -> memref<128x64xbf16, #tpu.memory_space<hbm>>
    %dma_start3A_85 = arith.constant 0 : i32
    %dma_start3A_86 = arith.constant 0 : i32
    %dma_start3A_87 = tpu.memref_slice %arg12[%dma_start3A_74, %dma_start3A_85, %dma_start3A_86] : memref<3x192x64xbf16, #tpu.memory_space<vmem>> -> memref<1x128x64xbf16, #tpu.memory_space<vmem>>
    %dma_start3A_88 = tpu.memref_squeeze %dma_start3A_87 : memref<1x128x64xbf16, #tpu.memory_space<vmem>> -> memref<128x64xbf16, #tpu.memory_space<vmem>>
    tpu.enqueue_dma source(%dma_start3A_88 : memref<128x64xbf16, #tpu.memory_space<vmem>>) target(%dma_start3A_84 : memref<128x64xbf16, #tpu.memory_space<hbm>>) target_semaphore(%arg16 : memref<!tpu.dma_semaphore, #tpu.memory_space<semaphore_mem>>)
    "tpu.region"() ({
      %run_scoped3A_314 = tpu.sem_alloc : memref<!tpu.dma_semaphore, #tpu.memory_space<semaphore_mem>>
      %dma_start3A_315 = arith.constant 0 : i32
      %dma_start3A_316 = tpu.memref_slice %arg17[%add3A_72, %dma_start3A_315] : memref<10240x16xbf16, #tpu.memory_space<vmem_shared>> -> memref<128x16xbf16, #tpu.memory_space<vmem_shared>>
      %dma_start3A_317 = arith.constant 0 : i32
      %dma_start3A_318 = tpu.memref_slice %arg17[%add3A_72, %dma_start3A_317] : memref<10240x16xbf16, #tpu.memory_space<vmem_shared>> -> memref<128x16xbf16, #tpu.memory_space<vmem_shared>>
      tpu.enqueue_dma source(%dma_start3A_318 : memref<128x16xbf16, #tpu.memory_space<vmem_shared>>) target(%arg19 : memref<128x16xbf16, #tpu.memory_space<vmem>>) target_semaphore(%run_scoped3A_314 : memref<!tpu.dma_semaphore, #tpu.memory_space<semaphore_mem>>)
      %dma_wait3A_319 = arith.constant 0 : i32
      %dma_wait3A_320 = tpu.memref_slice %arg17[%add3A_72, %dma_wait3A_319] : memref<10240x16xbf16, #tpu.memory_space<vmem_shared>> -> memref<128x16xbf16, #tpu.memory_space<vmem_shared>>
      %dma_wait3A_321 = arith.constant 0 : i32
      %dma_wait3A_322 = tpu.memref_slice %arg17[%add3A_72, %dma_wait3A_321] : memref<10240x16xbf16, #tpu.memory_space<vmem_shared>> -> memref<128x16xbf16, #tpu.memory_space<vmem_shared>>
      tpu.wait_dma2 semaphore(%run_scoped3A_314 : memref<!tpu.dma_semaphore, #tpu.memory_space<semaphore_mem>>) src(%dma_wait3A_322 : memref<128x16xbf16, #tpu.memory_space<vmem_shared>>) dst(%arg19 : memref<128x16xbf16, #tpu.memory_space<vmem>>)
      tpu.yield
    }) : () -> ()
    %dma_start3A_89 = arith.constant 0 : i32
    %dma_start3A_90 = tpu.memref_slice %arg8[%arg0, %add3A_72, %dma_start3A_89] : memref<2x10240x16xbf16, #tpu.memory_space<hbm>> -> memref<1x128x16xbf16, #tpu.memory_space<hbm>>
    %dma_start3A_91 = tpu.memref_squeeze %dma_start3A_90 : memref<1x128x16xbf16, #tpu.memory_space<hbm>> -> memref<128x16xbf16, #tpu.memory_space<hbm>>
    %dma_start3A_92 = arith.constant 0 : i32
    %dma_start3A_93 = tpu.memref_slice %arg8[%arg0, %add3A_72, %dma_start3A_92] : memref<2x10240x16xbf16, #tpu.memory_space<hbm>> -> memref<1x128x16xbf16, #tpu.memory_space<hbm>>
    %dma_start3A_94 = tpu.memref_squeeze %dma_start3A_93 : memref<1x128x16xbf16, #tpu.memory_space<hbm>> -> memref<128x16xbf16, #tpu.memory_space<hbm>>
    tpu.enqueue_dma source(%arg19 : memref<128x16xbf16, #tpu.memory_space<vmem>>) target(%dma_start3A_94 : memref<128x16xbf16, #tpu.memory_space<hbm>>) target_semaphore(%arg21 : memref<!tpu.dma_semaphore, #tpu.memory_space<semaphore_mem>>)
    %add3A_95 = arith.constant 128 : i32
    %add3A_96 = arith.addi %mul3A_3, %add3A_95 : i32
    %run_scoped3A_97 = arith.constant 1 : i32
    "tpu.region"() ({
      %run_scoped3A_314 = tpu.sem_alloc : memref<!tpu.dma_semaphore, #tpu.memory_space<semaphore_mem>>
      %dma_start3A_315 = arith.constant 0 : i32
      %dma_start3A_316 = arith.constant 0 : i32
      %dma_start3A_317 = tpu.memref_slice %arg12[%run_scoped3A_97, %dma_start3A_315, %dma_start3A_316] : memref<3x192x64xbf16, #tpu.memory_space<vmem>> -> memref<1x128x64xbf16, #tpu.memory_space<vmem>>
      %dma_start3A_318 = tpu.memref_squeeze %dma_start3A_317 : memref<1x128x64xbf16, #tpu.memory_space<vmem>> -> memref<128x64xbf16, #tpu.memory_space<vmem>>
      %dma_start3A_319 = arith.constant 0 : i32
      %dma_start3A_320 = tpu.memref_slice %arg9[%add3A_96, %dma_start3A_319] : memref<10240x64xbf16, #tpu.memory_space<vmem_shared>> -> memref<128x64xbf16, #tpu.memory_space<vmem_shared>>
      %dma_start3A_321 = arith.constant 0 : i32
      %dma_start3A_322 = arith.constant 0 : i32
      %dma_start3A_323 = tpu.memref_slice %arg12[%run_scoped3A_97, %dma_start3A_321, %dma_start3A_322] : memref<3x192x64xbf16, #tpu.memory_space<vmem>> -> memref<1x128x64xbf16, #tpu.memory_space<vmem>>
      %dma_start3A_324 = tpu.memref_squeeze %dma_start3A_323 : memref<1x128x64xbf16, #tpu.memory_space<vmem>> -> memref<128x64xbf16, #tpu.memory_space<vmem>>
      %dma_start3A_325 = arith.constant 0 : i32
      %dma_start3A_326 = tpu.memref_slice %arg9[%add3A_96, %dma_start3A_325] : memref<10240x64xbf16, #tpu.memory_space<vmem_shared>> -> memref<128x64xbf16, #tpu.memory_space<vmem_shared>>
      tpu.enqueue_dma source(%dma_start3A_326 : memref<128x64xbf16, #tpu.memory_space<vmem_shared>>) target(%dma_start3A_324 : memref<128x64xbf16, #tpu.memory_space<vmem>>) target_semaphore(%run_scoped3A_314 : memref<!tpu.dma_semaphore, #tpu.memory_space<semaphore_mem>>)
      %dma_wait3A_327 = arith.constant 0 : i32
      %dma_wait3A_328 = arith.constant 0 : i32
      %dma_wait3A_329 = tpu.memref_slice %arg12[%run_scoped3A_97, %dma_wait3A_327, %dma_wait3A_328] : memref<3x192x64xbf16, #tpu.memory_space<vmem>> -> memref<1x128x64xbf16, #tpu.memory_space<vmem>>
      %dma_wait3A_330 = tpu.memref_squeeze %dma_wait3A_329 : memref<1x128x64xbf16, #tpu.memory_space<vmem>> -> memref<128x64xbf16, #tpu.memory_space<vmem>>
      %dma_wait3A_331 = arith.constant 0 : i32
      %dma_wait3A_332 = tpu.memref_slice %arg9[%add3A_96, %dma_wait3A_331] : memref<10240x64xbf16, #tpu.memory_space<vmem_shared>> -> memref<128x64xbf16, #tpu.memory_space<vmem_shared>>
      %dma_wait3A_333 = arith.constant 0 : i32
      %dma_wait3A_334 = arith.constant 0 : i32
      %dma_wait3A_335 = tpu.memref_slice %arg12[%run_scoped3A_97, %dma_wait3A_333, %dma_wait3A_334] : memref<3x192x64xbf16, #tpu.memory_space<vmem>> -> memref<1x128x64xbf16, #tpu.memory_space<vmem>>
      %dma_wait3A_336 = tpu.memref_squeeze %dma_wait3A_335 : memref<1x128x64xbf16, #tpu.memory_space<vmem>> -> memref<128x64xbf16, #tpu.memory_space<vmem>>
      %dma_wait3A_337 = arith.constant 0 : i32
      %dma_wait3A_338 = tpu.memref_slice %arg9[%add3A_96, %dma_wait3A_337] : memref<10240x64xbf16, #tpu.memory_space<vmem_shared>> -> memref<128x64xbf16, #tpu.memory_space<vmem_shared>>
      tpu.wait_dma2 semaphore(%run_scoped3A_314 : memref<!tpu.dma_semaphore, #tpu.memory_space<semaphore_mem>>) src(%dma_wait3A_338 : memref<128x64xbf16, #tpu.memory_space<vmem_shared>>) dst(%dma_wait3A_336 : memref<128x64xbf16, #tpu.memory_space<vmem>>)
      tpu.yield
    }) : () -> ()
    %dma_start3A_98 = arith.constant 1 : i32
    %dma_start3A_99 = arith.constant 0 : i32
    %dma_start3A_100 = arith.constant 0 : i32
    %dma_start3A_101 = tpu.memref_slice %arg12[%dma_start3A_98, %dma_start3A_99, %dma_start3A_100] : memref<3x192x64xbf16, #tpu.memory_space<vmem>> -> memref<1x128x64xbf16, #tpu.memory_space<vmem>>
    %dma_start3A_102 = tpu.memref_squeeze %dma_start3A_101 : memref<1x128x64xbf16, #tpu.memory_space<vmem>> -> memref<128x64xbf16, #tpu.memory_space<vmem>>
    %dma_start3A_103 = arith.constant 0 : i32
    %dma_start3A_104 = tpu.memref_slice %arg7[%arg0, %add3A_96, %dma_start3A_103] : memref<2x10240x64xbf16, #tpu.memory_space<hbm>> -> memref<1x128x64xbf16, #tpu.memory_space<hbm>>
    %dma_start3A_105 = tpu.memref_squeeze %dma_start3A_104 : memref<1x128x64xbf16, #tpu.memory_space<hbm>> -> memref<128x64xbf16, #tpu.memory_space<hbm>>
    %dma_start3A_106 = arith.constant 0 : i32
    %dma_start3A_107 = tpu.memref_slice %arg7[%arg0, %add3A_96, %dma_start3A_106] : memref<2x10240x64xbf16, #tpu.memory_space<hbm>> -> memref<1x128x64xbf16, #tpu.memory_space<hbm>>
    %dma_start3A_108 = tpu.memref_squeeze %dma_start3A_107 : memref<1x128x64xbf16, #tpu.memory_space<hbm>> -> memref<128x64xbf16, #tpu.memory_space<hbm>>
    %dma_start3A_109 = arith.constant 0 : i32
    %dma_start3A_110 = arith.constant 0 : i32
    %dma_start3A_111 = tpu.memref_slice %arg12[%dma_start3A_98, %dma_start3A_109, %dma_start3A_110] : memref<3x192x64xbf16, #tpu.memory_space<vmem>> -> memref<1x128x64xbf16, #tpu.memory_space<vmem>>
    %dma_start3A_112 = tpu.memref_squeeze %dma_start3A_111 : memref<1x128x64xbf16, #tpu.memory_space<vmem>> -> memref<128x64xbf16, #tpu.memory_space<vmem>>
    tpu.enqueue_dma source(%dma_start3A_112 : memref<128x64xbf16, #tpu.memory_space<vmem>>) target(%dma_start3A_108 : memref<128x64xbf16, #tpu.memory_space<hbm>>) target_semaphore(%arg16 : memref<!tpu.dma_semaphore, #tpu.memory_space<semaphore_mem>>)
    %dma_wait3A_113 = arith.constant 0 : i32
    %dma_wait3A_114 = arith.constant 0 : i32
    %dma_wait3A_115 = tpu.memref_slice %arg8[%dma_wait3A_113, %add3A_96, %dma_wait3A_114] : memref<2x10240x16xbf16, #tpu.memory_space<hbm>> -> memref<1x128x16xbf16, #tpu.memory_space<hbm>>
    %dma_wait3A_116 = tpu.memref_squeeze %dma_wait3A_115 : memref<1x128x16xbf16, #tpu.memory_space<hbm>> -> memref<128x16xbf16, #tpu.memory_space<hbm>>
    %dma_wait3A_117 = arith.constant 0 : i32
    %dma_wait3A_118 = tpu.memref_slice %arg8[%dma_wait3A_113, %add3A_96, %dma_wait3A_117] : memref<2x10240x16xbf16, #tpu.memory_space<hbm>> -> memref<1x128x16xbf16, #tpu.memory_space<hbm>>
    %dma_wait3A_119 = tpu.memref_squeeze %dma_wait3A_118 : memref<1x128x16xbf16, #tpu.memory_space<hbm>> -> memref<128x16xbf16, #tpu.memory_space<hbm>>
    tpu.wait_dma2 semaphore(%arg21 : memref<!tpu.dma_semaphore, #tpu.memory_space<semaphore_mem>>) src(%arg19 : memref<128x16xbf16, #tpu.memory_space<vmem>>) dst(%dma_wait3A_119 : memref<128x16xbf16, #tpu.memory_space<hbm>>)
    "tpu.region"() ({
      %run_scoped3A_314 = tpu.sem_alloc : memref<!tpu.dma_semaphore, #tpu.memory_space<semaphore_mem>>
      %dma_start3A_315 = arith.constant 0 : i32
      %dma_start3A_316 = tpu.memref_slice %arg17[%add3A_96, %dma_start3A_315] : memref<10240x16xbf16, #tpu.memory_space<vmem_shared>> -> memref<128x16xbf16, #tpu.memory_space<vmem_shared>>
      %dma_start3A_317 = arith.constant 0 : i32
      %dma_start3A_318 = tpu.memref_slice %arg17[%add3A_96, %dma_start3A_317] : memref<10240x16xbf16, #tpu.memory_space<vmem_shared>> -> memref<128x16xbf16, #tpu.memory_space<vmem_shared>>
      tpu.enqueue_dma source(%dma_start3A_318 : memref<128x16xbf16, #tpu.memory_space<vmem_shared>>) target(%arg19 : memref<128x16xbf16, #tpu.memory_space<vmem>>) target_semaphore(%run_scoped3A_314 : memref<!tpu.dma_semaphore, #tpu.memory_space<semaphore_mem>>)
      %dma_wait3A_319 = arith.constant 0 : i32
      %dma_wait3A_320 = tpu.memref_slice %arg17[%add3A_96, %dma_wait3A_319] : memref<10240x16xbf16, #tpu.memory_space<vmem_shared>> -> memref<128x16xbf16, #tpu.memory_space<vmem_shared>>
      %dma_wait3A_321 = arith.constant 0 : i32
      %dma_wait3A_322 = tpu.memref_slice %arg17[%add3A_96, %dma_wait3A_321] : memref<10240x16xbf16, #tpu.memory_space<vmem_shared>> -> memref<128x16xbf16, #tpu.memory_space<vmem_shared>>
      tpu.wait_dma2 semaphore(%run_scoped3A_314 : memref<!tpu.dma_semaphore, #tpu.memory_space<semaphore_mem>>) src(%dma_wait3A_322 : memref<128x16xbf16, #tpu.memory_space<vmem_shared>>) dst(%arg19 : memref<128x16xbf16, #tpu.memory_space<vmem>>)
      tpu.yield
    }) : () -> ()
    %dma_start3A_120 = arith.constant 0 : i32
    %dma_start3A_121 = tpu.memref_slice %arg8[%arg0, %add3A_96, %dma_start3A_120] : memref<2x10240x16xbf16, #tpu.memory_space<hbm>> -> memref<1x128x16xbf16, #tpu.memory_space<hbm>>
    %dma_start3A_122 = tpu.memref_squeeze %dma_start3A_121 : memref<1x128x16xbf16, #tpu.memory_space<hbm>> -> memref<128x16xbf16, #tpu.memory_space<hbm>>
    %dma_start3A_123 = arith.constant 0 : i32
    %dma_start3A_124 = tpu.memref_slice %arg8[%arg0, %add3A_96, %dma_start3A_123] : memref<2x10240x16xbf16, #tpu.memory_space<hbm>> -> memref<1x128x16xbf16, #tpu.memory_space<hbm>>
    %dma_start3A_125 = tpu.memref_squeeze %dma_start3A_124 : memref<1x128x16xbf16, #tpu.memory_space<hbm>> -> memref<128x16xbf16, #tpu.memory_space<hbm>>
    tpu.enqueue_dma source(%arg19 : memref<128x16xbf16, #tpu.memory_space<vmem>>) target(%dma_start3A_125 : memref<128x16xbf16, #tpu.memory_space<hbm>>) target_semaphore(%arg21 : memref<!tpu.dma_semaphore, #tpu.memory_space<semaphore_mem>>)
    %add3A_126 = arith.constant 256 : i32
    %add3A_127 = arith.addi %mul3A_3, %add3A_126 : i32
    %run_scoped3A_128 = arith.constant 2 : i32
    "tpu.region"() ({
      %run_scoped3A_314 = tpu.sem_alloc : memref<!tpu.dma_semaphore, #tpu.memory_space<semaphore_mem>>
      %dma_start3A_315 = arith.constant 0 : i32
      %dma_start3A_316 = arith.constant 0 : i32
      %dma_start3A_317 = tpu.memref_slice %arg12[%run_scoped3A_128, %dma_start3A_315, %dma_start3A_316] : memref<3x192x64xbf16, #tpu.memory_space<vmem>> -> memref<1x128x64xbf16, #tpu.memory_space<vmem>>
      %dma_start3A_318 = tpu.memref_squeeze %dma_start3A_317 : memref<1x128x64xbf16, #tpu.memory_space<vmem>> -> memref<128x64xbf16, #tpu.memory_space<vmem>>
      %dma_start3A_319 = arith.constant 0 : i32
      %dma_start3A_320 = tpu.memref_slice %arg9[%add3A_127, %dma_start3A_319] : memref<10240x64xbf16, #tpu.memory_space<vmem_shared>> -> memref<128x64xbf16, #tpu.memory_space<vmem_shared>>
      %dma_start3A_321 = arith.constant 0 : i32
      %dma_start3A_322 = arith.constant 0 : i32
      %dma_start3A_323 = tpu.memref_slice %arg12[%run_scoped3A_128, %dma_start3A_321, %dma_start3A_322] : memref<3x192x64xbf16, #tpu.memory_space<vmem>> -> memref<1x128x64xbf16, #tpu.memory_space<vmem>>
      %dma_start3A_324 = tpu.memref_squeeze %dma_start3A_323 : memref<1x128x64xbf16, #tpu.memory_space<vmem>> -> memref<128x64xbf16, #tpu.memory_space<vmem>>
      %dma_start3A_325 = arith.constant 0 : i32
      %dma_start3A_326 = tpu.memref_slice %arg9[%add3A_127, %dma_start3A_325] : memref<10240x64xbf16, #tpu.memory_space<vmem_shared>> -> memref<128x64xbf16, #tpu.memory_space<vmem_shared>>
      tpu.enqueue_dma source(%dma_start3A_326 : memref<128x64xbf16, #tpu.memory_space<vmem_shared>>) target(%dma_start3A_324 : memref<128x64xbf16, #tpu.memory_space<vmem>>) target_semaphore(%run_scoped3A_314 : memref<!tpu.dma_semaphore, #tpu.memory_space<semaphore_mem>>)
      %dma_wait3A_327 = arith.constant 0 : i32
      %dma_wait3A_328 = arith.constant 0 : i32
      %dma_wait3A_329 = tpu.memref_slice %arg12[%run_scoped3A_128, %dma_wait3A_327, %dma_wait3A_328] : memref<3x192x64xbf16, #tpu.memory_space<vmem>> -> memref<1x128x64xbf16, #tpu.memory_space<vmem>>
      %dma_wait3A_330 = tpu.memref_squeeze %dma_wait3A_329 : memref<1x128x64xbf16, #tpu.memory_space<vmem>> -> memref<128x64xbf16, #tpu.memory_space<vmem>>
      %dma_wait3A_331 = arith.constant 0 : i32
      %dma_wait3A_332 = tpu.memref_slice %arg9[%add3A_127, %dma_wait3A_331] : memref<10240x64xbf16, #tpu.memory_space<vmem_shared>> -> memref<128x64xbf16, #tpu.memory_space<vmem_shared>>
      %dma_wait3A_333 = arith.constant 0 : i32
      %dma_wait3A_334 = arith.constant 0 : i32
      %dma_wait3A_335 = tpu.memref_slice %arg12[%run_scoped3A_128, %dma_wait3A_333, %dma_wait3A_334] : memref<3x192x64xbf16, #tpu.memory_space<vmem>> -> memref<1x128x64xbf16, #tpu.memory_space<vmem>>
      %dma_wait3A_336 = tpu.memref_squeeze %dma_wait3A_335 : memref<1x128x64xbf16, #tpu.memory_space<vmem>> -> memref<128x64xbf16, #tpu.memory_space<vmem>>
      %dma_wait3A_337 = arith.constant 0 : i32
      %dma_wait3A_338 = tpu.memref_slice %arg9[%add3A_127, %dma_wait3A_337] : memref<10240x64xbf16, #tpu.memory_space<vmem_shared>> -> memref<128x64xbf16, #tpu.memory_space<vmem_shared>>
      tpu.wait_dma2 semaphore(%run_scoped3A_314 : memref<!tpu.dma_semaphore, #tpu.memory_space<semaphore_mem>>) src(%dma_wait3A_338 : memref<128x64xbf16, #tpu.memory_space<vmem_shared>>) dst(%dma_wait3A_336 : memref<128x64xbf16, #tpu.memory_space<vmem>>)
      tpu.yield
    }) : () -> ()
    %dma_start3A_129 = arith.constant 2 : i32
    %dma_start3A_130 = arith.constant 0 : i32
    %dma_start3A_131 = arith.constant 0 : i32
    %dma_start3A_132 = tpu.memref_slice %arg12[%dma_start3A_129, %dma_start3A_130, %dma_start3A_131] : memref<3x192x64xbf16, #tpu.memory_space<vmem>> -> memref<1x128x64xbf16, #tpu.memory_space<vmem>>
    %dma_start3A_133 = tpu.memref_squeeze %dma_start3A_132 : memref<1x128x64xbf16, #tpu.memory_space<vmem>> -> memref<128x64xbf16, #tpu.memory_space<vmem>>
    %dma_start3A_134 = arith.constant 0 : i32
    %dma_start3A_135 = tpu.memref_slice %arg7[%arg0, %add3A_127, %dma_start3A_134] : memref<2x10240x64xbf16, #tpu.memory_space<hbm>> -> memref<1x128x64xbf16, #tpu.memory_space<hbm>>
    %dma_start3A_136 = tpu.memref_squeeze %dma_start3A_135 : memref<1x128x64xbf16, #tpu.memory_space<hbm>> -> memref<128x64xbf16, #tpu.memory_space<hbm>>
    %dma_start3A_137 = arith.constant 0 : i32
    %dma_start3A_138 = tpu.memref_slice %arg7[%arg0, %add3A_127, %dma_start3A_137] : memref<2x10240x64xbf16, #tpu.memory_space<hbm>> -> memref<1x128x64xbf16, #tpu.memory_space<hbm>>
    %dma_start3A_139 = tpu.memref_squeeze %dma_start3A_138 : memref<1x128x64xbf16, #tpu.memory_space<hbm>> -> memref<128x64xbf16, #tpu.memory_space<hbm>>
    %dma_start3A_140 = arith.constant 0 : i32
    %dma_start3A_141 = arith.constant 0 : i32
    %dma_start3A_142 = tpu.memref_slice %arg12[%dma_start3A_129, %dma_start3A_140, %dma_start3A_141] : memref<3x192x64xbf16, #tpu.memory_space<vmem>> -> memref<1x128x64xbf16, #tpu.memory_space<vmem>>
    %dma_start3A_143 = tpu.memref_squeeze %dma_start3A_142 : memref<1x128x64xbf16, #tpu.memory_space<vmem>> -> memref<128x64xbf16, #tpu.memory_space<vmem>>
    tpu.enqueue_dma source(%dma_start3A_143 : memref<128x64xbf16, #tpu.memory_space<vmem>>) target(%dma_start3A_139 : memref<128x64xbf16, #tpu.memory_space<hbm>>) target_semaphore(%arg16 : memref<!tpu.dma_semaphore, #tpu.memory_space<semaphore_mem>>)
    %dma_wait3A_144 = arith.constant 0 : i32
    %dma_wait3A_145 = arith.constant 0 : i32
    %dma_wait3A_146 = tpu.memref_slice %arg8[%dma_wait3A_144, %add3A_127, %dma_wait3A_145] : memref<2x10240x16xbf16, #tpu.memory_space<hbm>> -> memref<1x128x16xbf16, #tpu.memory_space<hbm>>
    %dma_wait3A_147 = tpu.memref_squeeze %dma_wait3A_146 : memref<1x128x16xbf16, #tpu.memory_space<hbm>> -> memref<128x16xbf16, #tpu.memory_space<hbm>>
    %dma_wait3A_148 = arith.constant 0 : i32
    %dma_wait3A_149 = tpu.memref_slice %arg8[%dma_wait3A_144, %add3A_127, %dma_wait3A_148] : memref<2x10240x16xbf16, #tpu.memory_space<hbm>> -> memref<1x128x16xbf16, #tpu.memory_space<hbm>>
    %dma_wait3A_150 = tpu.memref_squeeze %dma_wait3A_149 : memref<1x128x16xbf16, #tpu.memory_space<hbm>> -> memref<128x16xbf16, #tpu.memory_space<hbm>>
    tpu.wait_dma2 semaphore(%arg21 : memref<!tpu.dma_semaphore, #tpu.memory_space<semaphore_mem>>) src(%arg19 : memref<128x16xbf16, #tpu.memory_space<vmem>>) dst(%dma_wait3A_150 : memref<128x16xbf16, #tpu.memory_space<hbm>>)
    "tpu.region"() ({
      %run_scoped3A_314 = tpu.sem_alloc : memref<!tpu.dma_semaphore, #tpu.memory_space<semaphore_mem>>
      %dma_start3A_315 = arith.constant 0 : i32
      %dma_start3A_316 = tpu.memref_slice %arg17[%add3A_127, %dma_start3A_315] : memref<10240x16xbf16, #tpu.memory_space<vmem_shared>> -> memref<128x16xbf16, #tpu.memory_space<vmem_shared>>
      %dma_start3A_317 = arith.constant 0 : i32
      %dma_start3A_318 = tpu.memref_slice %arg17[%add3A_127, %dma_start3A_317] : memref<10240x16xbf16, #tpu.memory_space<vmem_shared>> -> memref<128x16xbf16, #tpu.memory_space<vmem_shared>>
      tpu.enqueue_dma source(%dma_start3A_318 : memref<128x16xbf16, #tpu.memory_space<vmem_shared>>) target(%arg19 : memref<128x16xbf16, #tpu.memory_space<vmem>>) target_semaphore(%run_scoped3A_314 : memref<!tpu.dma_semaphore, #tpu.memory_space<semaphore_mem>>)
      %dma_wait3A_319 = arith.constant 0 : i32
      %dma_wait3A_320 = tpu.memref_slice %arg17[%add3A_127, %dma_wait3A_319] : memref<10240x16xbf16, #tpu.memory_space<vmem_shared>> -> memref<128x16xbf16, #tpu.memory_space<vmem_shared>>
      %dma_wait3A_321 = arith.constant 0 : i32
      %dma_wait3A_322 = tpu.memref_slice %arg17[%add3A_127, %dma_wait3A_321] : memref<10240x16xbf16, #tpu.memory_space<vmem_shared>> -> memref<128x16xbf16, #tpu.memory_space<vmem_shared>>
      tpu.wait_dma2 semaphore(%run_scoped3A_314 : memref<!tpu.dma_semaphore, #tpu.memory_space<semaphore_mem>>) src(%dma_wait3A_322 : memref<128x16xbf16, #tpu.memory_space<vmem_shared>>) dst(%arg19 : memref<128x16xbf16, #tpu.memory_space<vmem>>)
      tpu.yield
    }) : () -> ()
    %dma_start3A_151 = arith.constant 0 : i32
    %dma_start3A_152 = tpu.memref_slice %arg8[%arg0, %add3A_127, %dma_start3A_151] : memref<2x10240x16xbf16, #tpu.memory_space<hbm>> -> memref<1x128x16xbf16, #tpu.memory_space<hbm>>
    %dma_start3A_153 = tpu.memref_squeeze %dma_start3A_152 : memref<1x128x16xbf16, #tpu.memory_space<hbm>> -> memref<128x16xbf16, #tpu.memory_space<hbm>>
    %dma_start3A_154 = arith.constant 0 : i32
    %dma_start3A_155 = tpu.memref_slice %arg8[%arg0, %add3A_127, %dma_start3A_154] : memref<2x10240x16xbf16, #tpu.memory_space<hbm>> -> memref<1x128x16xbf16, #tpu.memory_space<hbm>>
    %dma_start3A_156 = tpu.memref_squeeze %dma_start3A_155 : memref<1x128x16xbf16, #tpu.memory_space<hbm>> -> memref<128x16xbf16, #tpu.memory_space<hbm>>
    tpu.enqueue_dma source(%arg19 : memref<128x16xbf16, #tpu.memory_space<vmem>>) target(%dma_start3A_156 : memref<128x16xbf16, #tpu.memory_space<hbm>>) target_semaphore(%arg21 : memref<!tpu.dma_semaphore, #tpu.memory_space<semaphore_mem>>)
    %add3A_157 = arith.constant 384 : i32
    %add3A_158 = arith.addi %mul3A_3, %add3A_157 : i32
    %dma_wait3A_159 = arith.constant 0 : i32
    %dma_wait3A_160 = arith.constant 0 : i32
    %dma_wait3A_161 = arith.constant 0 : i32
    %dma_wait3A_162 = arith.constant 0 : i32
    %dma_wait3A_163 = tpu.memref_slice %arg12[%dma_wait3A_159, %dma_wait3A_161, %dma_wait3A_162] : memref<3x192x64xbf16, #tpu.memory_space<vmem>> -> memref<1x128x64xbf16, #tpu.memory_space<vmem>>
    %dma_wait3A_164 = tpu.memref_squeeze %dma_wait3A_163 : memref<1x128x64xbf16, #tpu.memory_space<vmem>> -> memref<128x64xbf16, #tpu.memory_space<vmem>>
    %dma_wait3A_165 = arith.constant 0 : i32
    %dma_wait3A_166 = tpu.memref_slice %arg7[%dma_wait3A_160, %add3A_158, %dma_wait3A_165] : memref<2x10240x64xbf16, #tpu.memory_space<hbm>> -> memref<1x128x64xbf16, #tpu.memory_space<hbm>>
    %dma_wait3A_167 = tpu.memref_squeeze %dma_wait3A_166 : memref<1x128x64xbf16, #tpu.memory_space<hbm>> -> memref<128x64xbf16, #tpu.memory_space<hbm>>
    %dma_wait3A_168 = arith.constant 0 : i32
    %dma_wait3A_169 = tpu.memref_slice %arg7[%dma_wait3A_160, %add3A_158, %dma_wait3A_168] : memref<2x10240x64xbf16, #tpu.memory_space<hbm>> -> memref<1x128x64xbf16, #tpu.memory_space<hbm>>
    %dma_wait3A_170 = tpu.memref_squeeze %dma_wait3A_169 : memref<1x128x64xbf16, #tpu.memory_space<hbm>> -> memref<128x64xbf16, #tpu.memory_space<hbm>>
    %dma_wait3A_171 = arith.constant 0 : i32
    %dma_wait3A_172 = arith.constant 0 : i32
    %dma_wait3A_173 = tpu.memref_slice %arg12[%dma_wait3A_159, %dma_wait3A_171, %dma_wait3A_172] : memref<3x192x64xbf16, #tpu.memory_space<vmem>> -> memref<1x128x64xbf16, #tpu.memory_space<vmem>>
    %dma_wait3A_174 = tpu.memref_squeeze %dma_wait3A_173 : memref<1x128x64xbf16, #tpu.memory_space<vmem>> -> memref<128x64xbf16, #tpu.memory_space<vmem>>
    tpu.wait_dma2 semaphore(%arg16 : memref<!tpu.dma_semaphore, #tpu.memory_space<semaphore_mem>>) src(%dma_wait3A_174 : memref<128x64xbf16, #tpu.memory_space<vmem>>) dst(%dma_wait3A_170 : memref<128x64xbf16, #tpu.memory_space<hbm>>)
    %run_scoped3A_175 = arith.constant 0 : i32
    "tpu.region"() ({
      %run_scoped3A_314 = tpu.sem_alloc : memref<!tpu.dma_semaphore, #tpu.memory_space<semaphore_mem>>
      %dma_start3A_315 = arith.constant 0 : i32
      %dma_start3A_316 = arith.constant 0 : i32
      %dma_start3A_317 = tpu.memref_slice %arg12[%run_scoped3A_175, %dma_start3A_315, %dma_start3A_316] : memref<3x192x64xbf16, #tpu.memory_space<vmem>> -> memref<1x128x64xbf16, #tpu.memory_space<vmem>>
      %dma_start3A_318 = tpu.memref_squeeze %dma_start3A_317 : memref<1x128x64xbf16, #tpu.memory_space<vmem>> -> memref<128x64xbf16, #tpu.memory_space<vmem>>
      %dma_start3A_319 = arith.constant 0 : i32
      %dma_start3A_320 = tpu.memref_slice %arg9[%add3A_158, %dma_start3A_319] : memref<10240x64xbf16, #tpu.memory_space<vmem_shared>> -> memref<128x64xbf16, #tpu.memory_space<vmem_shared>>
      %dma_start3A_321 = arith.constant 0 : i32
      %dma_start3A_322 = arith.constant 0 : i32
      %dma_start3A_323 = tpu.memref_slice %arg12[%run_scoped3A_175, %dma_start3A_321, %dma_start3A_322] : memref<3x192x64xbf16, #tpu.memory_space<vmem>> -> memref<1x128x64xbf16, #tpu.memory_space<vmem>>
      %dma_start3A_324 = tpu.memref_squeeze %dma_start3A_323 : memref<1x128x64xbf16, #tpu.memory_space<vmem>> -> memref<128x64xbf16, #tpu.memory_space<vmem>>
      %dma_start3A_325 = arith.constant 0 : i32
      %dma_start3A_326 = tpu.memref_slice %arg9[%add3A_158, %dma_start3A_325] : memref<10240x64xbf16, #tpu.memory_space<vmem_shared>> -> memref<128x64xbf16, #tpu.memory_space<vmem_shared>>
      tpu.enqueue_dma source(%dma_start3A_326 : memref<128x64xbf16, #tpu.memory_space<vmem_shared>>) target(%dma_start3A_324 : memref<128x64xbf16, #tpu.memory_space<vmem>>) target_semaphore(%run_scoped3A_314 : memref<!tpu.dma_semaphore, #tpu.memory_space<semaphore_mem>>)
      %dma_wait3A_327 = arith.constant 0 : i32
      %dma_wait3A_328 = arith.constant 0 : i32
      %dma_wait3A_329 = tpu.memref_slice %arg12[%run_scoped3A_175, %dma_wait3A_327, %dma_wait3A_328] : memref<3x192x64xbf16, #tpu.memory_space<vmem>> -> memref<1x128x64xbf16, #tpu.memory_space<vmem>>
      %dma_wait3A_330 = tpu.memref_squeeze %dma_wait3A_329 : memref<1x128x64xbf16, #tpu.memory_space<vmem>> -> memref<128x64xbf16, #tpu.memory_space<vmem>>
      %dma_wait3A_331 = arith.constant 0 : i32
      %dma_wait3A_332 = tpu.memref_slice %arg9[%add3A_158, %dma_wait3A_331] : memref<10240x64xbf16, #tpu.memory_space<vmem_shared>> -> memref<128x64xbf16, #tpu.memory_space<vmem_shared>>
      %dma_wait3A_333 = arith.constant 0 : i32
      %dma_wait3A_334 = arith.constant 0 : i32
      %dma_wait3A_335 = tpu.memref_slice %arg12[%run_scoped3A_175, %dma_wait3A_333, %dma_wait3A_334] : memref<3x192x64xbf16, #tpu.memory_space<vmem>> -> memref<1x128x64xbf16, #tpu.memory_space<vmem>>
      %dma_wait3A_336 = tpu.memref_squeeze %dma_wait3A_335 : memref<1x128x64xbf16, #tpu.memory_space<vmem>> -> memref<128x64xbf16, #tpu.memory_space<vmem>>
      %dma_wait3A_337 = arith.constant 0 : i32
      %dma_wait3A_338 = tpu.memref_slice %arg9[%add3A_158, %dma_wait3A_337] : memref<10240x64xbf16, #tpu.memory_space<vmem_shared>> -> memref<128x64xbf16, #tpu.memory_space<vmem_shared>>
      tpu.wait_dma2 semaphore(%run_scoped3A_314 : memref<!tpu.dma_semaphore, #tpu.memory_space<semaphore_mem>>) src(%dma_wait3A_338 : memref<128x64xbf16, #tpu.memory_space<vmem_shared>>) dst(%dma_wait3A_336 : memref<128x64xbf16, #tpu.memory_space<vmem>>)
      tpu.yield
    }) : () -> ()
    %dma_start3A_176 = arith.constant 0 : i32
    %dma_start3A_177 = arith.constant 0 : i32
    %dma_start3A_178 = arith.constant 0 : i32
    %dma_start3A_179 = tpu.memref_slice %arg12[%dma_start3A_176, %dma_start3A_177, %dma_start3A_178] : memref<3x192x64xbf16, #tpu.memory_space<vmem>> -> memref<1x128x64xbf16, #tpu.memory_space<vmem>>
    %dma_start3A_180 = tpu.memref_squeeze %dma_start3A_179 : memref<1x128x64xbf16, #tpu.memory_space<vmem>> -> memref<128x64xbf16, #tpu.memory_space<vmem>>
    %dma_start3A_181 = arith.constant 0 : i32
    %dma_start3A_182 = tpu.memref_slice %arg7[%arg0, %add3A_158, %dma_start3A_181] : memref<2x10240x64xbf16, #tpu.memory_space<hbm>> -> memref<1x128x64xbf16, #tpu.memory_space<hbm>>
    %dma_start3A_183 = tpu.memref_squeeze %dma_start3A_182 : memref<1x128x64xbf16, #tpu.memory_space<hbm>> -> memref<128x64xbf16, #tpu.memory_space<hbm>>
    %dma_start3A_184 = arith.constant 0 : i32
    %dma_start3A_185 = tpu.memref_slice %arg7[%arg0, %add3A_158, %dma_start3A_184] : memref<2x10240x64xbf16, #tpu.memory_space<hbm>> -> memref<1x128x64xbf16, #tpu.memory_space<hbm>>
    %dma_start3A_186 = tpu.memref_squeeze %dma_start3A_185 : memref<1x128x64xbf16, #tpu.memory_space<hbm>> -> memref<128x64xbf16, #tpu.memory_space<hbm>>
    %dma_start3A_187 = arith.constant 0 : i32
    %dma_start3A_188 = arith.constant 0 : i32
    %dma_start3A_189 = tpu.memref_slice %arg12[%dma_start3A_176, %dma_start3A_187, %dma_start3A_188] : memref<3x192x64xbf16, #tpu.memory_space<vmem>> -> memref<1x128x64xbf16, #tpu.memory_space<vmem>>
    %dma_start3A_190 = tpu.memref_squeeze %dma_start3A_189 : memref<1x128x64xbf16, #tpu.memory_space<vmem>> -> memref<128x64xbf16, #tpu.memory_space<vmem>>
    tpu.enqueue_dma source(%dma_start3A_190 : memref<128x64xbf16, #tpu.memory_space<vmem>>) target(%dma_start3A_186 : memref<128x64xbf16, #tpu.memory_space<hbm>>) target_semaphore(%arg16 : memref<!tpu.dma_semaphore, #tpu.memory_space<semaphore_mem>>)
    %dma_wait3A_191 = arith.constant 0 : i32
    %dma_wait3A_192 = arith.constant 0 : i32
    %dma_wait3A_193 = tpu.memref_slice %arg8[%dma_wait3A_191, %add3A_158, %dma_wait3A_192] : memref<2x10240x16xbf16, #tpu.memory_space<hbm>> -> memref<1x128x16xbf16, #tpu.memory_space<hbm>>
    %dma_wait3A_194 = tpu.memref_squeeze %dma_wait3A_193 : memref<1x128x16xbf16, #tpu.memory_space<hbm>> -> memref<128x16xbf16, #tpu.memory_space<hbm>>
    %dma_wait3A_195 = arith.constant 0 : i32
    %dma_wait3A_196 = tpu.memref_slice %arg8[%dma_wait3A_191, %add3A_158, %dma_wait3A_195] : memref<2x10240x16xbf16, #tpu.memory_space<hbm>> -> memref<1x128x16xbf16, #tpu.memory_space<hbm>>
    %dma_wait3A_197 = tpu.memref_squeeze %dma_wait3A_196 : memref<1x128x16xbf16, #tpu.memory_space<hbm>> -> memref<128x16xbf16, #tpu.memory_space<hbm>>
    tpu.wait_dma2 semaphore(%arg21 : memref<!tpu.dma_semaphore, #tpu.memory_space<semaphore_mem>>) src(%arg19 : memref<128x16xbf16, #tpu.memory_space<vmem>>) dst(%dma_wait3A_197 : memref<128x16xbf16, #tpu.memory_space<hbm>>)
    "tpu.region"() ({
      %run_scoped3A_314 = tpu.sem_alloc : memref<!tpu.dma_semaphore, #tpu.memory_space<semaphore_mem>>
      %dma_start3A_315 = arith.constant 0 : i32
      %dma_start3A_316 = tpu.memref_slice %arg17[%add3A_158, %dma_start3A_315] : memref<10240x16xbf16, #tpu.memory_space<vmem_shared>> -> memref<128x16xbf16, #tpu.memory_space<vmem_shared>>
      %dma_start3A_317 = arith.constant 0 : i32
      %dma_start3A_318 = tpu.memref_slice %arg17[%add3A_158, %dma_start3A_317] : memref<10240x16xbf16, #tpu.memory_space<vmem_shared>> -> memref<128x16xbf16, #tpu.memory_space<vmem_shared>>
      tpu.enqueue_dma source(%dma_start3A_318 : memref<128x16xbf16, #tpu.memory_space<vmem_shared>>) target(%arg19 : memref<128x16xbf16, #tpu.memory_space<vmem>>) target_semaphore(%run_scoped3A_314 : memref<!tpu.dma_semaphore, #tpu.memory_space<semaphore_mem>>)
      %dma_wait3A_319 = arith.constant 0 : i32
      %dma_wait3A_320 = tpu.memref_slice %arg17[%add3A_158, %dma_wait3A_319] : memref<10240x16xbf16, #tpu.memory_space<vmem_shared>> -> memref<128x16xbf16, #tpu.memory_space<vmem_shared>>
      %dma_wait3A_321 = arith.constant 0 : i32
      %dma_wait3A_322 = tpu.memref_slice %arg17[%add3A_158, %dma_wait3A_321] : memref<10240x16xbf16, #tpu.memory_space<vmem_shared>> -> memref<128x16xbf16, #tpu.memory_space<vmem_shared>>
      tpu.wait_dma2 semaphore(%run_scoped3A_314 : memref<!tpu.dma_semaphore, #tpu.memory_space<semaphore_mem>>) src(%dma_wait3A_322 : memref<128x16xbf16, #tpu.memory_space<vmem_shared>>) dst(%arg19 : memref<128x16xbf16, #tpu.memory_space<vmem>>)
      tpu.yield
    }) : () -> ()
    %dma_start3A_198 = arith.constant 0 : i32
    %dma_start3A_199 = tpu.memref_slice %arg8[%arg0, %add3A_158, %dma_start3A_198] : memref<2x10240x16xbf16, #tpu.memory_space<hbm>> -> memref<1x128x16xbf16, #tpu.memory_space<hbm>>
    %dma_start3A_200 = tpu.memref_squeeze %dma_start3A_199 : memref<1x128x16xbf16, #tpu.memory_space<hbm>> -> memref<128x16xbf16, #tpu.memory_space<hbm>>
    %dma_start3A_201 = arith.constant 0 : i32
    %dma_start3A_202 = tpu.memref_slice %arg8[%arg0, %add3A_158, %dma_start3A_201] : memref<2x10240x16xbf16, #tpu.memory_space<hbm>> -> memref<1x128x16xbf16, #tpu.memory_space<hbm>>
    %dma_start3A_203 = tpu.memref_squeeze %dma_start3A_202 : memref<1x128x16xbf16, #tpu.memory_space<hbm>> -> memref<128x16xbf16, #tpu.memory_space<hbm>>
    tpu.enqueue_dma source(%arg19 : memref<128x16xbf16, #tpu.memory_space<vmem>>) target(%dma_start3A_203 : memref<128x16xbf16, #tpu.memory_space<hbm>>) target_semaphore(%arg21 : memref<!tpu.dma_semaphore, #tpu.memory_space<semaphore_mem>>)
    %add3A_204 = arith.constant 512 : i32
    %add3A_205 = arith.addi %mul3A_3, %add3A_204 : i32
    %dma_wait3A_206 = arith.constant 0 : i32
    %dma_wait3A_207 = arith.constant 0 : i32
    %dma_wait3A_208 = arith.constant 0 : i32
    %dma_wait3A_209 = arith.constant 0 : i32
    %dma_wait3A_210 = tpu.memref_slice %arg12[%dma_wait3A_206, %dma_wait3A_208, %dma_wait3A_209] : memref<3x192x64xbf16, #tpu.memory_space<vmem>> -> memref<1x128x64xbf16, #tpu.memory_space<vmem>>
    %dma_wait3A_211 = tpu.memref_squeeze %dma_wait3A_210 : memref<1x128x64xbf16, #tpu.memory_space<vmem>> -> memref<128x64xbf16, #tpu.memory_space<vmem>>
    %dma_wait3A_212 = arith.constant 0 : i32
    %dma_wait3A_213 = tpu.memref_slice %arg7[%dma_wait3A_207, %add3A_205, %dma_wait3A_212] : memref<2x10240x64xbf16, #tpu.memory_space<hbm>> -> memref<1x128x64xbf16, #tpu.memory_space<hbm>>
    %dma_wait3A_214 = tpu.memref_squeeze %dma_wait3A_213 : memref<1x128x64xbf16, #tpu.memory_space<hbm>> -> memref<128x64xbf16, #tpu.memory_space<hbm>>
    %dma_wait3A_215 = arith.constant 0 : i32
    %dma_wait3A_216 = tpu.memref_slice %arg7[%dma_wait3A_207, %add3A_205, %dma_wait3A_215] : memref<2x10240x64xbf16, #tpu.memory_space<hbm>> -> memref<1x128x64xbf16, #tpu.memory_space<hbm>>
    %dma_wait3A_217 = tpu.memref_squeeze %dma_wait3A_216 : memref<1x128x64xbf16, #tpu.memory_space<hbm>> -> memref<128x64xbf16, #tpu.memory_space<hbm>>
    %dma_wait3A_218 = arith.constant 0 : i32
    %dma_wait3A_219 = arith.constant 0 : i32
    %dma_wait3A_220 = tpu.memref_slice %arg12[%dma_wait3A_206, %dma_wait3A_218, %dma_wait3A_219] : memref<3x192x64xbf16, #tpu.memory_space<vmem>> -> memref<1x128x64xbf16, #tpu.memory_space<vmem>>
    %dma_wait3A_221 = tpu.memref_squeeze %dma_wait3A_220 : memref<1x128x64xbf16, #tpu.memory_space<vmem>> -> memref<128x64xbf16, #tpu.memory_space<vmem>>
    tpu.wait_dma2 semaphore(%arg16 : memref<!tpu.dma_semaphore, #tpu.memory_space<semaphore_mem>>) src(%dma_wait3A_221 : memref<128x64xbf16, #tpu.memory_space<vmem>>) dst(%dma_wait3A_217 : memref<128x64xbf16, #tpu.memory_space<hbm>>)
    %run_scoped3A_222 = arith.constant 1 : i32
    "tpu.region"() ({
      %run_scoped3A_314 = tpu.sem_alloc : memref<!tpu.dma_semaphore, #tpu.memory_space<semaphore_mem>>
      %dma_start3A_315 = arith.constant 0 : i32
      %dma_start3A_316 = arith.constant 0 : i32
      %dma_start3A_317 = tpu.memref_slice %arg12[%run_scoped3A_222, %dma_start3A_315, %dma_start3A_316] : memref<3x192x64xbf16, #tpu.memory_space<vmem>> -> memref<1x128x64xbf16, #tpu.memory_space<vmem>>
      %dma_start3A_318 = tpu.memref_squeeze %dma_start3A_317 : memref<1x128x64xbf16, #tpu.memory_space<vmem>> -> memref<128x64xbf16, #tpu.memory_space<vmem>>
      %dma_start3A_319 = arith.constant 0 : i32
      %dma_start3A_320 = tpu.memref_slice %arg9[%add3A_205, %dma_start3A_319] : memref<10240x64xbf16, #tpu.memory_space<vmem_shared>> -> memref<128x64xbf16, #tpu.memory_space<vmem_shared>>
      %dma_start3A_321 = arith.constant 0 : i32
      %dma_start3A_322 = arith.constant 0 : i32
      %dma_start3A_323 = tpu.memref_slice %arg12[%run_scoped3A_222, %dma_start3A_321, %dma_start3A_322] : memref<3x192x64xbf16, #tpu.memory_space<vmem>> -> memref<1x128x64xbf16, #tpu.memory_space<vmem>>
      %dma_start3A_324 = tpu.memref_squeeze %dma_start3A_323 : memref<1x128x64xbf16, #tpu.memory_space<vmem>> -> memref<128x64xbf16, #tpu.memory_space<vmem>>
      %dma_start3A_325 = arith.constant 0 : i32
      %dma_start3A_326 = tpu.memref_slice %arg9[%add3A_205, %dma_start3A_325] : memref<10240x64xbf16, #tpu.memory_space<vmem_shared>> -> memref<128x64xbf16, #tpu.memory_space<vmem_shared>>
      tpu.enqueue_dma source(%dma_start3A_326 : memref<128x64xbf16, #tpu.memory_space<vmem_shared>>) target(%dma_start3A_324 : memref<128x64xbf16, #tpu.memory_space<vmem>>) target_semaphore(%run_scoped3A_314 : memref<!tpu.dma_semaphore, #tpu.memory_space<semaphore_mem>>)
      %dma_wait3A_327 = arith.constant 0 : i32
      %dma_wait3A_328 = arith.constant 0 : i32
      %dma_wait3A_329 = tpu.memref_slice %arg12[%run_scoped3A_222, %dma_wait3A_327, %dma_wait3A_328] : memref<3x192x64xbf16, #tpu.memory_space<vmem>> -> memref<1x128x64xbf16, #tpu.memory_space<vmem>>
      %dma_wait3A_330 = tpu.memref_squeeze %dma_wait3A_329 : memref<1x128x64xbf16, #tpu.memory_space<vmem>> -> memref<128x64xbf16, #tpu.memory_space<vmem>>
      %dma_wait3A_331 = arith.constant 0 : i32
      %dma_wait3A_332 = tpu.memref_slice %arg9[%add3A_205, %dma_wait3A_331] : memref<10240x64xbf16, #tpu.memory_space<vmem_shared>> -> memref<128x64xbf16, #tpu.memory_space<vmem_shared>>
      %dma_wait3A_333 = arith.constant 0 : i32
      %dma_wait3A_334 = arith.constant 0 : i32
      %dma_wait3A_335 = tpu.memref_slice %arg12[%run_scoped3A_222, %dma_wait3A_333, %dma_wait3A_334] : memref<3x192x64xbf16, #tpu.memory_space<vmem>> -> memref<1x128x64xbf16, #tpu.memory_space<vmem>>
      %dma_wait3A_336 = tpu.memref_squeeze %dma_wait3A_335 : memref<1x128x64xbf16, #tpu.memory_space<vmem>> -> memref<128x64xbf16, #tpu.memory_space<vmem>>
      %dma_wait3A_337 = arith.constant 0 : i32
      %dma_wait3A_338 = tpu.memref_slice %arg9[%add3A_205, %dma_wait3A_337] : memref<10240x64xbf16, #tpu.memory_space<vmem_shared>> -> memref<128x64xbf16, #tpu.memory_space<vmem_shared>>
      tpu.wait_dma2 semaphore(%run_scoped3A_314 : memref<!tpu.dma_semaphore, #tpu.memory_space<semaphore_mem>>) src(%dma_wait3A_338 : memref<128x64xbf16, #tpu.memory_space<vmem_shared>>) dst(%dma_wait3A_336 : memref<128x64xbf16, #tpu.memory_space<vmem>>)
      tpu.yield
    }) : () -> ()
    %dma_start3A_223 = arith.constant 1 : i32
    %dma_start3A_224 = arith.constant 0 : i32
    %dma_start3A_225 = arith.constant 0 : i32
    %dma_start3A_226 = tpu.memref_slice %arg12[%dma_start3A_223, %dma_start3A_224, %dma_start3A_225] : memref<3x192x64xbf16, #tpu.memory_space<vmem>> -> memref<1x128x64xbf16, #tpu.memory_space<vmem>>
    %dma_start3A_227 = tpu.memref_squeeze %dma_start3A_226 : memref<1x128x64xbf16, #tpu.memory_space<vmem>> -> memref<128x64xbf16, #tpu.memory_space<vmem>>
    %dma_start3A_228 = arith.constant 0 : i32
    %dma_start3A_229 = tpu.memref_slice %arg7[%arg0, %add3A_205, %dma_start3A_228] : memref<2x10240x64xbf16, #tpu.memory_space<hbm>> -> memref<1x128x64xbf16, #tpu.memory_space<hbm>>
    %dma_start3A_230 = tpu.memref_squeeze %dma_start3A_229 : memref<1x128x64xbf16, #tpu.memory_space<hbm>> -> memref<128x64xbf16, #tpu.memory_space<hbm>>
    %dma_start3A_231 = arith.constant 0 : i32
    %dma_start3A_232 = tpu.memref_slice %arg7[%arg0, %add3A_205, %dma_start3A_231] : memref<2x10240x64xbf16, #tpu.memory_space<hbm>> -> memref<1x128x64xbf16, #tpu.memory_space<hbm>>
    %dma_start3A_233 = tpu.memref_squeeze %dma_start3A_232 : memref<1x128x64xbf16, #tpu.memory_space<hbm>> -> memref<128x64xbf16, #tpu.memory_space<hbm>>
    %dma_start3A_234 = arith.constant 0 : i32
    %dma_start3A_235 = arith.constant 0 : i32
    %dma_start3A_236 = tpu.memref_slice %arg12[%dma_start3A_223, %dma_start3A_234, %dma_start3A_235] : memref<3x192x64xbf16, #tpu.memory_space<vmem>> -> memref<1x128x64xbf16, #tpu.memory_space<vmem>>
    %dma_start3A_237 = tpu.memref_squeeze %dma_start3A_236 : memref<1x128x64xbf16, #tpu.memory_space<vmem>> -> memref<128x64xbf16, #tpu.memory_space<vmem>>
    tpu.enqueue_dma source(%dma_start3A_237 : memref<128x64xbf16, #tpu.memory_space<vmem>>) target(%dma_start3A_233 : memref<128x64xbf16, #tpu.memory_space<hbm>>) target_semaphore(%arg16 : memref<!tpu.dma_semaphore, #tpu.memory_space<semaphore_mem>>)
    %dma_wait3A_238 = arith.constant 0 : i32
    %dma_wait3A_239 = arith.constant 0 : i32
    %dma_wait3A_240 = tpu.memref_slice %arg8[%dma_wait3A_238, %add3A_205, %dma_wait3A_239] : memref<2x10240x16xbf16, #tpu.memory_space<hbm>> -> memref<1x128x16xbf16, #tpu.memory_space<hbm>>
    %dma_wait3A_241 = tpu.memref_squeeze %dma_wait3A_240 : memref<1x128x16xbf16, #tpu.memory_space<hbm>> -> memref<128x16xbf16, #tpu.memory_space<hbm>>
    %dma_wait3A_242 = arith.constant 0 : i32
    %dma_wait3A_243 = tpu.memref_slice %arg8[%dma_wait3A_238, %add3A_205, %dma_wait3A_242] : memref<2x10240x16xbf16, #tpu.memory_space<hbm>> -> memref<1x128x16xbf16, #tpu.memory_space<hbm>>
    %dma_wait3A_244 = tpu.memref_squeeze %dma_wait3A_243 : memref<1x128x16xbf16, #tpu.memory_space<hbm>> -> memref<128x16xbf16, #tpu.memory_space<hbm>>
    tpu.wait_dma2 semaphore(%arg21 : memref<!tpu.dma_semaphore, #tpu.memory_space<semaphore_mem>>) src(%arg19 : memref<128x16xbf16, #tpu.memory_space<vmem>>) dst(%dma_wait3A_244 : memref<128x16xbf16, #tpu.memory_space<hbm>>)
    "tpu.region"() ({
      %run_scoped3A_314 = tpu.sem_alloc : memref<!tpu.dma_semaphore, #tpu.memory_space<semaphore_mem>>
      %dma_start3A_315 = arith.constant 0 : i32
      %dma_start3A_316 = tpu.memref_slice %arg17[%add3A_205, %dma_start3A_315] : memref<10240x16xbf16, #tpu.memory_space<vmem_shared>> -> memref<128x16xbf16, #tpu.memory_space<vmem_shared>>
      %dma_start3A_317 = arith.constant 0 : i32
      %dma_start3A_318 = tpu.memref_slice %arg17[%add3A_205, %dma_start3A_317] : memref<10240x16xbf16, #tpu.memory_space<vmem_shared>> -> memref<128x16xbf16, #tpu.memory_space<vmem_shared>>
      tpu.enqueue_dma source(%dma_start3A_318 : memref<128x16xbf16, #tpu.memory_space<vmem_shared>>) target(%arg19 : memref<128x16xbf16, #tpu.memory_space<vmem>>) target_semaphore(%run_scoped3A_314 : memref<!tpu.dma_semaphore, #tpu.memory_space<semaphore_mem>>)
      %dma_wait3A_319 = arith.constant 0 : i32
      %dma_wait3A_320 = tpu.memref_slice %arg17[%add3A_205, %dma_wait3A_319] : memref<10240x16xbf16, #tpu.memory_space<vmem_shared>> -> memref<128x16xbf16, #tpu.memory_space<vmem_shared>>
      %dma_wait3A_321 = arith.constant 0 : i32
      %dma_wait3A_322 = tpu.memref_slice %arg17[%add3A_205, %dma_wait3A_321] : memref<10240x16xbf16, #tpu.memory_space<vmem_shared>> -> memref<128x16xbf16, #tpu.memory_space<vmem_shared>>
      tpu.wait_dma2 semaphore(%run_scoped3A_314 : memref<!tpu.dma_semaphore, #tpu.memory_space<semaphore_mem>>) src(%dma_wait3A_322 : memref<128x16xbf16, #tpu.memory_space<vmem_shared>>) dst(%arg19 : memref<128x16xbf16, #tpu.memory_space<vmem>>)
      tpu.yield
    }) : () -> ()
    %dma_start3A_245 = arith.constant 0 : i32
    %dma_start3A_246 = tpu.memref_slice %arg8[%arg0, %add3A_205, %dma_start3A_245] : memref<2x10240x16xbf16, #tpu.memory_space<hbm>> -> memref<1x128x16xbf16, #tpu.memory_space<hbm>>
    %dma_start3A_247 = tpu.memref_squeeze %dma_start3A_246 : memref<1x128x16xbf16, #tpu.memory_space<hbm>> -> memref<128x16xbf16, #tpu.memory_space<hbm>>
    %dma_start3A_248 = arith.constant 0 : i32
    %dma_start3A_249 = tpu.memref_slice %arg8[%arg0, %add3A_205, %dma_start3A_248] : memref<2x10240x16xbf16, #tpu.memory_space<hbm>> -> memref<1x128x16xbf16, #tpu.memory_space<hbm>>
    %dma_start3A_250 = tpu.memref_squeeze %dma_start3A_249 : memref<1x128x16xbf16, #tpu.memory_space<hbm>> -> memref<128x16xbf16, #tpu.memory_space<hbm>>
    tpu.enqueue_dma source(%arg19 : memref<128x16xbf16, #tpu.memory_space<vmem>>) target(%dma_start3A_250 : memref<128x16xbf16, #tpu.memory_space<hbm>>) target_semaphore(%arg21 : memref<!tpu.dma_semaphore, #tpu.memory_space<semaphore_mem>>)
    %dma_wait3A_251 = arith.constant 0 : i32
    %dma_wait3A_252 = arith.constant 0 : i32
    %dma_wait3A_253 = arith.constant 0 : i32
    %dma_wait3A_254 = arith.constant 0 : i32
    %dma_wait3A_255 = tpu.memref_slice %arg12[%dma_wait3A_251, %dma_wait3A_253, %dma_wait3A_254] : memref<3x192x64xbf16, #tpu.memory_space<vmem>> -> memref<1x128x64xbf16, #tpu.memory_space<vmem>>
    %dma_wait3A_256 = tpu.memref_squeeze %dma_wait3A_255 : memref<1x128x64xbf16, #tpu.memory_space<vmem>> -> memref<128x64xbf16, #tpu.memory_space<vmem>>
    %dma_wait3A_257 = arith.constant 0 : i32
    %dma_wait3A_258 = arith.constant 0 : i32
    %dma_wait3A_259 = tpu.memref_slice %arg7[%dma_wait3A_252, %dma_wait3A_257, %dma_wait3A_258] : memref<2x10240x64xbf16, #tpu.memory_space<hbm>> -> memref<1x128x64xbf16, #tpu.memory_space<hbm>>
    %dma_wait3A_260 = tpu.memref_squeeze %dma_wait3A_259 : memref<1x128x64xbf16, #tpu.memory_space<hbm>> -> memref<128x64xbf16, #tpu.memory_space<hbm>>
    %dma_wait3A_261 = arith.constant 0 : i32
    %dma_wait3A_262 = arith.constant 0 : i32
    %dma_wait3A_263 = tpu.memref_slice %arg7[%dma_wait3A_252, %dma_wait3A_261, %dma_wait3A_262] : memref<2x10240x64xbf16, #tpu.memory_space<hbm>> -> memref<1x128x64xbf16, #tpu.memory_space<hbm>>
    %dma_wait3A_264 = tpu.memref_squeeze %dma_wait3A_263 : memref<1x128x64xbf16, #tpu.memory_space<hbm>> -> memref<128x64xbf16, #tpu.memory_space<hbm>>
    %dma_wait3A_265 = arith.constant 0 : i32
    %dma_wait3A_266 = arith.constant 0 : i32
    %dma_wait3A_267 = tpu.memref_slice %arg12[%dma_wait3A_251, %dma_wait3A_265, %dma_wait3A_266] : memref<3x192x64xbf16, #tpu.memory_space<vmem>> -> memref<1x128x64xbf16, #tpu.memory_space<vmem>>
    %dma_wait3A_268 = tpu.memref_squeeze %dma_wait3A_267 : memref<1x128x64xbf16, #tpu.memory_space<vmem>> -> memref<128x64xbf16, #tpu.memory_space<vmem>>
    tpu.wait_dma2 semaphore(%arg16 : memref<!tpu.dma_semaphore, #tpu.memory_space<semaphore_mem>>) src(%dma_wait3A_268 : memref<128x64xbf16, #tpu.memory_space<vmem>>) dst(%dma_wait3A_264 : memref<128x64xbf16, #tpu.memory_space<hbm>>)
    %dma_wait3A_269 = arith.constant 0 : i32
    %dma_wait3A_270 = arith.constant 0 : i32
    %dma_wait3A_271 = arith.constant 0 : i32
    %dma_wait3A_272 = arith.constant 0 : i32
    %dma_wait3A_273 = tpu.memref_slice %arg12[%dma_wait3A_269, %dma_wait3A_271, %dma_wait3A_272] : memref<3x192x64xbf16, #tpu.memory_space<vmem>> -> memref<1x128x64xbf16, #tpu.memory_space<vmem>>
    %dma_wait3A_274 = tpu.memref_squeeze %dma_wait3A_273 : memref<1x128x64xbf16, #tpu.memory_space<vmem>> -> memref<128x64xbf16, #tpu.memory_space<vmem>>
    %dma_wait3A_275 = arith.constant 0 : i32
    %dma_wait3A_276 = arith.constant 0 : i32
    %dma_wait3A_277 = tpu.memref_slice %arg7[%dma_wait3A_270, %dma_wait3A_275, %dma_wait3A_276] : memref<2x10240x64xbf16, #tpu.memory_space<hbm>> -> memref<1x128x64xbf16, #tpu.memory_space<hbm>>
    %dma_wait3A_278 = tpu.memref_squeeze %dma_wait3A_277 : memref<1x128x64xbf16, #tpu.memory_space<hbm>> -> memref<128x64xbf16, #tpu.memory_space<hbm>>
    %dma_wait3A_279 = arith.constant 0 : i32
    %dma_wait3A_280 = arith.constant 0 : i32
    %dma_wait3A_281 = tpu.memref_slice %arg7[%dma_wait3A_270, %dma_wait3A_279, %dma_wait3A_280] : memref<2x10240x64xbf16, #tpu.memory_space<hbm>> -> memref<1x128x64xbf16, #tpu.memory_space<hbm>>
    %dma_wait3A_282 = tpu.memref_squeeze %dma_wait3A_281 : memref<1x128x64xbf16, #tpu.memory_space<hbm>> -> memref<128x64xbf16, #tpu.memory_space<hbm>>
    %dma_wait3A_283 = arith.constant 0 : i32
    %dma_wait3A_284 = arith.constant 0 : i32
    %dma_wait3A_285 = tpu.memref_slice %arg12[%dma_wait3A_269, %dma_wait3A_283, %dma_wait3A_284] : memref<3x192x64xbf16, #tpu.memory_space<vmem>> -> memref<1x128x64xbf16, #tpu.memory_space<vmem>>
    %dma_wait3A_286 = tpu.memref_squeeze %dma_wait3A_285 : memref<1x128x64xbf16, #tpu.memory_space<vmem>> -> memref<128x64xbf16, #tpu.memory_space<vmem>>
    tpu.wait_dma2 semaphore(%arg16 : memref<!tpu.dma_semaphore, #tpu.memory_space<semaphore_mem>>) src(%dma_wait3A_286 : memref<128x64xbf16, #tpu.memory_space<vmem>>) dst(%dma_wait3A_282 : memref<128x64xbf16, #tpu.memory_space<hbm>>)
    %dma_wait3A_287 = arith.constant 0 : i32
    %dma_wait3A_288 = arith.constant 0 : i32
    %dma_wait3A_289 = arith.constant 0 : i32
    %dma_wait3A_290 = arith.constant 0 : i32
    %dma_wait3A_291 = tpu.memref_slice %arg12[%dma_wait3A_287, %dma_wait3A_289, %dma_wait3A_290] : memref<3x192x64xbf16, #tpu.memory_space<vmem>> -> memref<1x128x64xbf16, #tpu.memory_space<vmem>>
    %dma_wait3A_292 = tpu.memref_squeeze %dma_wait3A_291 : memref<1x128x64xbf16, #tpu.memory_space<vmem>> -> memref<128x64xbf16, #tpu.memory_space<vmem>>
    %dma_wait3A_293 = arith.constant 0 : i32
    %dma_wait3A_294 = arith.constant 0 : i32
    %dma_wait3A_295 = tpu.memref_slice %arg7[%dma_wait3A_288, %dma_wait3A_293, %dma_wait3A_294] : memref<2x10240x64xbf16, #tpu.memory_space<hbm>> -> memref<1x128x64xbf16, #tpu.memory_space<hbm>>
    %dma_wait3A_296 = tpu.memref_squeeze %dma_wait3A_295 : memref<1x128x64xbf16, #tpu.memory_space<hbm>> -> memref<128x64xbf16, #tpu.memory_space<hbm>>
    %dma_wait3A_297 = arith.constant 0 : i32
    %dma_wait3A_298 = arith.constant 0 : i32
    %dma_wait3A_299 = tpu.memref_slice %arg7[%dma_wait3A_288, %dma_wait3A_297, %dma_wait3A_298] : memref<2x10240x64xbf16, #tpu.memory_space<hbm>> -> memref<1x128x64xbf16, #tpu.memory_space<hbm>>
    %dma_wait3A_300 = tpu.memref_squeeze %dma_wait3A_299 : memref<1x128x64xbf16, #tpu.memory_space<hbm>> -> memref<128x64xbf16, #tpu.memory_space<hbm>>
    %dma_wait3A_301 = arith.constant 0 : i32
    %dma_wait3A_302 = arith.constant 0 : i32
    %dma_wait3A_303 = tpu.memref_slice %arg12[%dma_wait3A_287, %dma_wait3A_301, %dma_wait3A_302] : memref<3x192x64xbf16, #tpu.memory_space<vmem>> -> memref<1x128x64xbf16, #tpu.memory_space<vmem>>
    %dma_wait3A_304 = tpu.memref_squeeze %dma_wait3A_303 : memref<1x128x64xbf16, #tpu.memory_space<vmem>> -> memref<128x64xbf16, #tpu.memory_space<vmem>>
    tpu.wait_dma2 semaphore(%arg16 : memref<!tpu.dma_semaphore, #tpu.memory_space<semaphore_mem>>) src(%dma_wait3A_304 : memref<128x64xbf16, #tpu.memory_space<vmem>>) dst(%dma_wait3A_300 : memref<128x64xbf16, #tpu.memory_space<hbm>>)
    %dma_wait3A_305 = arith.constant 0 : i32
    %dma_wait3A_306 = arith.constant 0 : i32
    %dma_wait3A_307 = arith.constant 0 : i32
    %dma_wait3A_308 = tpu.memref_slice %arg8[%dma_wait3A_305, %dma_wait3A_306, %dma_wait3A_307] : memref<2x10240x16xbf16, #tpu.memory_space<hbm>> -> memref<1x128x16xbf16, #tpu.memory_space<hbm>>
    %dma_wait3A_309 = tpu.memref_squeeze %dma_wait3A_308 : memref<1x128x16xbf16, #tpu.memory_space<hbm>> -> memref<128x16xbf16, #tpu.memory_space<hbm>>
    %dma_wait3A_310 = arith.constant 0 : i32
    %dma_wait3A_311 = arith.constant 0 : i32
    %dma_wait3A_312 = tpu.memref_slice %arg8[%dma_wait3A_305, %dma_wait3A_310, %dma_wait3A_311] : memref<2x10240x16xbf16, #tpu.memory_space<hbm>> -> memref<1x128x16xbf16, #tpu.memory_space<hbm>>
    %dma_wait3A_313 = tpu.memref_squeeze %dma_wait3A_312 : memref<1x128x16xbf16, #tpu.memory_space<hbm>> -> memref<128x16xbf16, #tpu.memory_space<hbm>>
    tpu.wait_dma2 semaphore(%arg21 : memref<!tpu.dma_semaphore, #tpu.memory_space<semaphore_mem>>) src(%arg19 : memref<128x16xbf16, #tpu.memory_space<vmem>>) dst(%dma_wait3A_313 : memref<128x16xbf16, #tpu.memory_space<hbm>>)
    return
  }
}

#map = affine_map<(d0, d1) -> (0, 0)>
#map1 = affine_map<(d0, d1) -> (0, 0, 0, 0)>
#map2 = affine_map<(d0, d1) -> (0, 0, 0)>
module attributes {stable_mosaic.version = 14 : i64} {
  func.func @body(%arg0: i32, %arg1: i32, %arg2: memref<10000x32xbf16, #tpu.memory_space<hbm>>, %arg3: memref<2x32x53x192xi32, #tpu.memory_space<hbm>>, %arg4: memref<128x32xbf16, #tpu.memory_space<hbm>>, %arg5: memref<2x10240x32xbf16, #tpu.memory_space<hbm>>, %arg6: memref<10240x32xbf16, #tpu.memory_space<vmem_shared>>, %arg7: memref<53x192xi32, #tpu.memory_space<vmem>>, %arg8: memref<53x192xi32, #tpu.memory_space<vmem>>, %arg9: memref<6x192x32xbf16, #tpu.memory_space<vmem>>, %arg10: memref<128x32xbf16, #tpu.memory_space<vmem>>, %arg11: memref<!tpu.dma_semaphore, #tpu.memory_space<semaphore_mem>>, %arg12: memref<!tpu.dma_semaphore, #tpu.memory_space<semaphore_mem>>, %arg13: memref<!tpu.dma_semaphore, #tpu.memory_space<semaphore_mem>>) attributes {dimension_semantics = [#tpu.dimension_semantics<core_parallel>, #tpu.dimension_semantics<subcore_parallel>], iteration_bounds = array<i64: 2, 16>, scalar_prefetch = 0 : i64, scratch_operands = 8 : i64, tpu.core_type = #tpu.core_type<sc_vector_subcore>, window_params = [{transform_indices = #map}, {transform_indices = #map1}, {transform_indices = #map}, {transform_indices = #map2}]} {
    %mul3A = arith.constant 2 : i32
    %mul3A_0 = arith.muli %arg1, %mul3A : i32
    %add3A = arith.addi %mul3A_0, %arg0 : i32
    %run_scoped3A = arith.constant 0 : i32
    "tpu.region"() ({
      %run_scoped3A_270 = tpu.sem_alloc : memref<!tpu.dma_semaphore, #tpu.memory_space<semaphore_mem>>
      %dma_start3A_271 = arith.constant 0 : i32
      %dma_start3A_272 = arith.constant 0 : i32
      %dma_start3A_273 = tpu.memref_slice %arg3[%run_scoped3A, %add3A, %dma_start3A_271, %dma_start3A_272] : memref<2x32x53x192xi32, #tpu.memory_space<hbm>> -> memref<1x1x53x192xi32, #tpu.memory_space<hbm>>
      %dma_start3A_274 = tpu.memref_squeeze %dma_start3A_273 : memref<1x1x53x192xi32, #tpu.memory_space<hbm>> -> memref<53x192xi32, #tpu.memory_space<hbm>>
      %dma_start3A_275 = arith.constant 0 : i32
      %dma_start3A_276 = arith.constant 0 : i32
      %dma_start3A_277 = tpu.memref_slice %arg3[%run_scoped3A, %add3A, %dma_start3A_275, %dma_start3A_276] : memref<2x32x53x192xi32, #tpu.memory_space<hbm>> -> memref<1x1x53x192xi32, #tpu.memory_space<hbm>>
      %dma_start3A_278 = tpu.memref_squeeze %dma_start3A_277 : memref<1x1x53x192xi32, #tpu.memory_space<hbm>> -> memref<53x192xi32, #tpu.memory_space<hbm>>
      tpu.enqueue_dma source(%dma_start3A_278 : memref<53x192xi32, #tpu.memory_space<hbm>>) target(%arg7 : memref<53x192xi32, #tpu.memory_space<vmem>>) target_semaphore(%run_scoped3A_270 : memref<!tpu.dma_semaphore, #tpu.memory_space<semaphore_mem>>)
      %dma_wait3A_279 = arith.constant 0 : i32
      %dma_wait3A_280 = arith.constant 0 : i32
      %dma_wait3A_281 = tpu.memref_slice %arg3[%run_scoped3A, %add3A, %dma_wait3A_279, %dma_wait3A_280] : memref<2x32x53x192xi32, #tpu.memory_space<hbm>> -> memref<1x1x53x192xi32, #tpu.memory_space<hbm>>
      %dma_wait3A_282 = tpu.memref_squeeze %dma_wait3A_281 : memref<1x1x53x192xi32, #tpu.memory_space<hbm>> -> memref<53x192xi32, #tpu.memory_space<hbm>>
      %dma_wait3A_283 = arith.constant 0 : i32
      %dma_wait3A_284 = arith.constant 0 : i32
      %dma_wait3A_285 = tpu.memref_slice %arg3[%run_scoped3A, %add3A, %dma_wait3A_283, %dma_wait3A_284] : memref<2x32x53x192xi32, #tpu.memory_space<hbm>> -> memref<1x1x53x192xi32, #tpu.memory_space<hbm>>
      %dma_wait3A_286 = tpu.memref_squeeze %dma_wait3A_285 : memref<1x1x53x192xi32, #tpu.memory_space<hbm>> -> memref<53x192xi32, #tpu.memory_space<hbm>>
      tpu.wait_dma2 semaphore(%run_scoped3A_270 : memref<!tpu.dma_semaphore, #tpu.memory_space<semaphore_mem>>) src(%dma_wait3A_286 : memref<53x192xi32, #tpu.memory_space<hbm>>) dst(%arg7 : memref<53x192xi32, #tpu.memory_space<vmem>>)
      tpu.yield
    }) : () -> ()
    %run_scoped3A_1 = arith.constant 1 : i32
    "tpu.region"() ({
      %run_scoped3A_270 = tpu.sem_alloc : memref<!tpu.dma_semaphore, #tpu.memory_space<semaphore_mem>>
      %dma_start3A_271 = arith.constant 0 : i32
      %dma_start3A_272 = arith.constant 0 : i32
      %dma_start3A_273 = tpu.memref_slice %arg3[%run_scoped3A_1, %add3A, %dma_start3A_271, %dma_start3A_272] : memref<2x32x53x192xi32, #tpu.memory_space<hbm>> -> memref<1x1x53x192xi32, #tpu.memory_space<hbm>>
      %dma_start3A_274 = tpu.memref_squeeze %dma_start3A_273 : memref<1x1x53x192xi32, #tpu.memory_space<hbm>> -> memref<53x192xi32, #tpu.memory_space<hbm>>
      %dma_start3A_275 = arith.constant 0 : i32
      %dma_start3A_276 = arith.constant 0 : i32
      %dma_start3A_277 = tpu.memref_slice %arg3[%run_scoped3A_1, %add3A, %dma_start3A_275, %dma_start3A_276] : memref<2x32x53x192xi32, #tpu.memory_space<hbm>> -> memref<1x1x53x192xi32, #tpu.memory_space<hbm>>
      %dma_start3A_278 = tpu.memref_squeeze %dma_start3A_277 : memref<1x1x53x192xi32, #tpu.memory_space<hbm>> -> memref<53x192xi32, #tpu.memory_space<hbm>>
      tpu.enqueue_dma source(%dma_start3A_278 : memref<53x192xi32, #tpu.memory_space<hbm>>) target(%arg8 : memref<53x192xi32, #tpu.memory_space<vmem>>) target_semaphore(%run_scoped3A_270 : memref<!tpu.dma_semaphore, #tpu.memory_space<semaphore_mem>>)
      %dma_wait3A_279 = arith.constant 0 : i32
      %dma_wait3A_280 = arith.constant 0 : i32
      %dma_wait3A_281 = tpu.memref_slice %arg3[%run_scoped3A_1, %add3A, %dma_wait3A_279, %dma_wait3A_280] : memref<2x32x53x192xi32, #tpu.memory_space<hbm>> -> memref<1x1x53x192xi32, #tpu.memory_space<hbm>>
      %dma_wait3A_282 = tpu.memref_squeeze %dma_wait3A_281 : memref<1x1x53x192xi32, #tpu.memory_space<hbm>> -> memref<53x192xi32, #tpu.memory_space<hbm>>
      %dma_wait3A_283 = arith.constant 0 : i32
      %dma_wait3A_284 = arith.constant 0 : i32
      %dma_wait3A_285 = tpu.memref_slice %arg3[%run_scoped3A_1, %add3A, %dma_wait3A_283, %dma_wait3A_284] : memref<2x32x53x192xi32, #tpu.memory_space<hbm>> -> memref<1x1x53x192xi32, #tpu.memory_space<hbm>>
      %dma_wait3A_286 = tpu.memref_squeeze %dma_wait3A_285 : memref<1x1x53x192xi32, #tpu.memory_space<hbm>> -> memref<53x192xi32, #tpu.memory_space<hbm>>
      tpu.wait_dma2 semaphore(%run_scoped3A_270 : memref<!tpu.dma_semaphore, #tpu.memory_space<semaphore_mem>>) src(%dma_wait3A_286 : memref<53x192xi32, #tpu.memory_space<hbm>>) dst(%arg8 : memref<53x192xi32, #tpu.memory_space<vmem>>)
      tpu.yield
    }) : () -> ()
    "tpu.region"() ({
      %run_scoped3A_270 = tpu.sem_alloc : memref<!tpu.dma_semaphore, #tpu.memory_space<semaphore_mem>>
      tpu.enqueue_dma source(%arg4 : memref<128x32xbf16, #tpu.memory_space<hbm>>) target(%arg10 : memref<128x32xbf16, #tpu.memory_space<vmem>>) target_semaphore(%run_scoped3A_270 : memref<!tpu.dma_semaphore, #tpu.memory_space<semaphore_mem>>)
      tpu.wait_dma2 semaphore(%run_scoped3A_270 : memref<!tpu.dma_semaphore, #tpu.memory_space<semaphore_mem>>) src(%arg4 : memref<128x32xbf16, #tpu.memory_space<hbm>>) dst(%arg10 : memref<128x32xbf16, #tpu.memory_space<vmem>>)
      tpu.yield
    }) : () -> ()
    %mul3A_2 = arith.constant 640 : i32
    %mul3A_3 = arith.muli %arg1, %mul3A_2 : i32
    %add3A_4 = arith.constant 0 : i32
    %add3A_5 = arith.addi %mul3A_3, %add3A_4 : i32
    "tpu.region"() ({
      %run_scoped3A_270 = tpu.sem_alloc : memref<!tpu.dma_semaphore, #tpu.memory_space<semaphore_mem>>
      %dma_start3A_271 = arith.constant 0 : i32
      %dma_start3A_272 = tpu.memref_slice %arg6[%add3A_5, %dma_start3A_271] : memref<10240x32xbf16, #tpu.memory_space<vmem_shared>> -> memref<128x32xbf16, #tpu.memory_space<vmem_shared>>
      %dma_start3A_273 = arith.constant 0 : i32
      %dma_start3A_274 = tpu.memref_slice %arg6[%add3A_5, %dma_start3A_273] : memref<10240x32xbf16, #tpu.memory_space<vmem_shared>> -> memref<128x32xbf16, #tpu.memory_space<vmem_shared>>
      tpu.enqueue_dma source(%arg10 : memref<128x32xbf16, #tpu.memory_space<vmem>>) target(%dma_start3A_274 : memref<128x32xbf16, #tpu.memory_space<vmem_shared>>) target_semaphore(%run_scoped3A_270 : memref<!tpu.dma_semaphore, #tpu.memory_space<semaphore_mem>>)
      %dma_wait3A_275 = arith.constant 0 : i32
      %dma_wait3A_276 = tpu.memref_slice %arg6[%add3A_5, %dma_wait3A_275] : memref<10240x32xbf16, #tpu.memory_space<vmem_shared>> -> memref<128x32xbf16, #tpu.memory_space<vmem_shared>>
      %dma_wait3A_277 = arith.constant 0 : i32
      %dma_wait3A_278 = tpu.memref_slice %arg6[%add3A_5, %dma_wait3A_277] : memref<10240x32xbf16, #tpu.memory_space<vmem_shared>> -> memref<128x32xbf16, #tpu.memory_space<vmem_shared>>
      tpu.wait_dma2 semaphore(%run_scoped3A_270 : memref<!tpu.dma_semaphore, #tpu.memory_space<semaphore_mem>>) src(%arg10 : memref<128x32xbf16, #tpu.memory_space<vmem>>) dst(%dma_wait3A_278 : memref<128x32xbf16, #tpu.memory_space<vmem_shared>>)
      tpu.yield
    }) : () -> ()
    %add3A_6 = arith.constant 128 : i32
    %add3A_7 = arith.addi %mul3A_3, %add3A_6 : i32
    "tpu.region"() ({
      %run_scoped3A_270 = tpu.sem_alloc : memref<!tpu.dma_semaphore, #tpu.memory_space<semaphore_mem>>
      %dma_start3A_271 = arith.constant 0 : i32
      %dma_start3A_272 = tpu.memref_slice %arg6[%add3A_7, %dma_start3A_271] : memref<10240x32xbf16, #tpu.memory_space<vmem_shared>> -> memref<128x32xbf16, #tpu.memory_space<vmem_shared>>
      %dma_start3A_273 = arith.constant 0 : i32
      %dma_start3A_274 = tpu.memref_slice %arg6[%add3A_7, %dma_start3A_273] : memref<10240x32xbf16, #tpu.memory_space<vmem_shared>> -> memref<128x32xbf16, #tpu.memory_space<vmem_shared>>
      tpu.enqueue_dma source(%arg10 : memref<128x32xbf16, #tpu.memory_space<vmem>>) target(%dma_start3A_274 : memref<128x32xbf16, #tpu.memory_space<vmem_shared>>) target_semaphore(%run_scoped3A_270 : memref<!tpu.dma_semaphore, #tpu.memory_space<semaphore_mem>>)
      %dma_wait3A_275 = arith.constant 0 : i32
      %dma_wait3A_276 = tpu.memref_slice %arg6[%add3A_7, %dma_wait3A_275] : memref<10240x32xbf16, #tpu.memory_space<vmem_shared>> -> memref<128x32xbf16, #tpu.memory_space<vmem_shared>>
      %dma_wait3A_277 = arith.constant 0 : i32
      %dma_wait3A_278 = tpu.memref_slice %arg6[%add3A_7, %dma_wait3A_277] : memref<10240x32xbf16, #tpu.memory_space<vmem_shared>> -> memref<128x32xbf16, #tpu.memory_space<vmem_shared>>
      tpu.wait_dma2 semaphore(%run_scoped3A_270 : memref<!tpu.dma_semaphore, #tpu.memory_space<semaphore_mem>>) src(%arg10 : memref<128x32xbf16, #tpu.memory_space<vmem>>) dst(%dma_wait3A_278 : memref<128x32xbf16, #tpu.memory_space<vmem_shared>>)
      tpu.yield
    }) : () -> ()
    %add3A_8 = arith.constant 256 : i32
    %add3A_9 = arith.addi %mul3A_3, %add3A_8 : i32
    "tpu.region"() ({
      %run_scoped3A_270 = tpu.sem_alloc : memref<!tpu.dma_semaphore, #tpu.memory_space<semaphore_mem>>
      %dma_start3A_271 = arith.constant 0 : i32
      %dma_start3A_272 = tpu.memref_slice %arg6[%add3A_9, %dma_start3A_271] : memref<10240x32xbf16, #tpu.memory_space<vmem_shared>> -> memref<128x32xbf16, #tpu.memory_space<vmem_shared>>
      %dma_start3A_273 = arith.constant 0 : i32
      %dma_start3A_274 = tpu.memref_slice %arg6[%add3A_9, %dma_start3A_273] : memref<10240x32xbf16, #tpu.memory_space<vmem_shared>> -> memref<128x32xbf16, #tpu.memory_space<vmem_shared>>
      tpu.enqueue_dma source(%arg10 : memref<128x32xbf16, #tpu.memory_space<vmem>>) target(%dma_start3A_274 : memref<128x32xbf16, #tpu.memory_space<vmem_shared>>) target_semaphore(%run_scoped3A_270 : memref<!tpu.dma_semaphore, #tpu.memory_space<semaphore_mem>>)
      %dma_wait3A_275 = arith.constant 0 : i32
      %dma_wait3A_276 = tpu.memref_slice %arg6[%add3A_9, %dma_wait3A_275] : memref<10240x32xbf16, #tpu.memory_space<vmem_shared>> -> memref<128x32xbf16, #tpu.memory_space<vmem_shared>>
      %dma_wait3A_277 = arith.constant 0 : i32
      %dma_wait3A_278 = tpu.memref_slice %arg6[%add3A_9, %dma_wait3A_277] : memref<10240x32xbf16, #tpu.memory_space<vmem_shared>> -> memref<128x32xbf16, #tpu.memory_space<vmem_shared>>
      tpu.wait_dma2 semaphore(%run_scoped3A_270 : memref<!tpu.dma_semaphore, #tpu.memory_space<semaphore_mem>>) src(%arg10 : memref<128x32xbf16, #tpu.memory_space<vmem>>) dst(%dma_wait3A_278 : memref<128x32xbf16, #tpu.memory_space<vmem_shared>>)
      tpu.yield
    }) : () -> ()
    %add3A_10 = arith.constant 384 : i32
    %add3A_11 = arith.addi %mul3A_3, %add3A_10 : i32
    "tpu.region"() ({
      %run_scoped3A_270 = tpu.sem_alloc : memref<!tpu.dma_semaphore, #tpu.memory_space<semaphore_mem>>
      %dma_start3A_271 = arith.constant 0 : i32
      %dma_start3A_272 = tpu.memref_slice %arg6[%add3A_11, %dma_start3A_271] : memref<10240x32xbf16, #tpu.memory_space<vmem_shared>> -> memref<128x32xbf16, #tpu.memory_space<vmem_shared>>
      %dma_start3A_273 = arith.constant 0 : i32
      %dma_start3A_274 = tpu.memref_slice %arg6[%add3A_11, %dma_start3A_273] : memref<10240x32xbf16, #tpu.memory_space<vmem_shared>> -> memref<128x32xbf16, #tpu.memory_space<vmem_shared>>
      tpu.enqueue_dma source(%arg10 : memref<128x32xbf16, #tpu.memory_space<vmem>>) target(%dma_start3A_274 : memref<128x32xbf16, #tpu.memory_space<vmem_shared>>) target_semaphore(%run_scoped3A_270 : memref<!tpu.dma_semaphore, #tpu.memory_space<semaphore_mem>>)
      %dma_wait3A_275 = arith.constant 0 : i32
      %dma_wait3A_276 = tpu.memref_slice %arg6[%add3A_11, %dma_wait3A_275] : memref<10240x32xbf16, #tpu.memory_space<vmem_shared>> -> memref<128x32xbf16, #tpu.memory_space<vmem_shared>>
      %dma_wait3A_277 = arith.constant 0 : i32
      %dma_wait3A_278 = tpu.memref_slice %arg6[%add3A_11, %dma_wait3A_277] : memref<10240x32xbf16, #tpu.memory_space<vmem_shared>> -> memref<128x32xbf16, #tpu.memory_space<vmem_shared>>
      tpu.wait_dma2 semaphore(%run_scoped3A_270 : memref<!tpu.dma_semaphore, #tpu.memory_space<semaphore_mem>>) src(%arg10 : memref<128x32xbf16, #tpu.memory_space<vmem>>) dst(%dma_wait3A_278 : memref<128x32xbf16, #tpu.memory_space<vmem_shared>>)
      tpu.yield
    }) : () -> ()
    %add3A_12 = arith.constant 512 : i32
    %add3A_13 = arith.addi %mul3A_3, %add3A_12 : i32
    "tpu.region"() ({
      %run_scoped3A_270 = tpu.sem_alloc : memref<!tpu.dma_semaphore, #tpu.memory_space<semaphore_mem>>
      %dma_start3A_271 = arith.constant 0 : i32
      %dma_start3A_272 = tpu.memref_slice %arg6[%add3A_13, %dma_start3A_271] : memref<10240x32xbf16, #tpu.memory_space<vmem_shared>> -> memref<128x32xbf16, #tpu.memory_space<vmem_shared>>
      %dma_start3A_273 = arith.constant 0 : i32
      %dma_start3A_274 = tpu.memref_slice %arg6[%add3A_13, %dma_start3A_273] : memref<10240x32xbf16, #tpu.memory_space<vmem_shared>> -> memref<128x32xbf16, #tpu.memory_space<vmem_shared>>
      tpu.enqueue_dma source(%arg10 : memref<128x32xbf16, #tpu.memory_space<vmem>>) target(%dma_start3A_274 : memref<128x32xbf16, #tpu.memory_space<vmem_shared>>) target_semaphore(%run_scoped3A_270 : memref<!tpu.dma_semaphore, #tpu.memory_space<semaphore_mem>>)
      %dma_wait3A_275 = arith.constant 0 : i32
      %dma_wait3A_276 = tpu.memref_slice %arg6[%add3A_13, %dma_wait3A_275] : memref<10240x32xbf16, #tpu.memory_space<vmem_shared>> -> memref<128x32xbf16, #tpu.memory_space<vmem_shared>>
      %dma_wait3A_277 = arith.constant 0 : i32
      %dma_wait3A_278 = tpu.memref_slice %arg6[%add3A_13, %dma_wait3A_277] : memref<10240x32xbf16, #tpu.memory_space<vmem_shared>> -> memref<128x32xbf16, #tpu.memory_space<vmem_shared>>
      tpu.wait_dma2 semaphore(%run_scoped3A_270 : memref<!tpu.dma_semaphore, #tpu.memory_space<semaphore_mem>>) src(%arg10 : memref<128x32xbf16, #tpu.memory_space<vmem>>) dst(%dma_wait3A_278 : memref<128x32xbf16, #tpu.memory_space<vmem_shared>>)
      tpu.yield
    }) : () -> ()
    %barrier3A = arith.constant 0 : index
    tpu.barrier barrier_id(%barrier3A)
    %dma_start3A = arith.constant 0 : i32
    %dma_start3A_14 = arith.constant 0 : i32
    %dma_start3A_15 = arith.constant 0 : i32
    %dma_start3A_16 = arith.constant 0 : i32
    %dma_start3A_17 = tpu.memref_slice %arg9[%dma_start3A_14, %dma_start3A_15, %dma_start3A_16] : memref<6x192x32xbf16, #tpu.memory_space<vmem>> -> memref<1x192x32xbf16, #tpu.memory_space<vmem>>
    %dma_start3A_18 = tpu.memref_squeeze %dma_start3A_17 : memref<1x192x32xbf16, #tpu.memory_space<vmem>> -> memref<192x32xbf16, #tpu.memory_space<vmem>>
    %dma_start3A_19 = arith.constant 0 : i32
    %dma_start3A_20 = tpu.memref_slice %arg7[%dma_start3A, %dma_start3A_19] : memref<53x192xi32, #tpu.memory_space<vmem>> -> memref<1x192xi32, #tpu.memory_space<vmem>>
    %dma_start3A_21 = tpu.memref_squeeze %dma_start3A_20 : memref<1x192xi32, #tpu.memory_space<vmem>> -> memref<192xi32, #tpu.memory_space<vmem>>
    %dma_start3A_22 = arith.constant 0 : i32
    %dma_start3A_23 = arith.constant 0 : i32
    %dma_start3A_24 = tpu.memref_slice %arg2[%dma_start3A_22, %dma_start3A_23] : memref<10000x32xbf16, #tpu.memory_space<hbm>> -> memref<10000x32xbf16, #tpu.memory_space<hbm>>
    tpu.enqueue_indirect_dma source(%dma_start3A_24 : memref<10000x32xbf16, #tpu.memory_space<hbm>>) target(%dma_start3A_18 : memref<192x32xbf16, #tpu.memory_space<vmem>>) offsets(%dma_start3A_21 : memref<192xi32, #tpu.memory_space<vmem>>) semaphore(%arg11 : memref<!tpu.dma_semaphore, #tpu.memory_space<semaphore_mem>>)
    %dma_start3A_25 = arith.constant 1 : i32
    %dma_start3A_26 = arith.constant 1 : i32
    %dma_start3A_27 = arith.constant 0 : i32
    %dma_start3A_28 = arith.constant 0 : i32
    %dma_start3A_29 = tpu.memref_slice %arg9[%dma_start3A_26, %dma_start3A_27, %dma_start3A_28] : memref<6x192x32xbf16, #tpu.memory_space<vmem>> -> memref<1x192x32xbf16, #tpu.memory_space<vmem>>
    %dma_start3A_30 = tpu.memref_squeeze %dma_start3A_29 : memref<1x192x32xbf16, #tpu.memory_space<vmem>> -> memref<192x32xbf16, #tpu.memory_space<vmem>>
    %dma_start3A_31 = arith.constant 0 : i32
    %dma_start3A_32 = tpu.memref_slice %arg7[%dma_start3A_25, %dma_start3A_31] : memref<53x192xi32, #tpu.memory_space<vmem>> -> memref<1x192xi32, #tpu.memory_space<vmem>>
    %dma_start3A_33 = tpu.memref_squeeze %dma_start3A_32 : memref<1x192xi32, #tpu.memory_space<vmem>> -> memref<192xi32, #tpu.memory_space<vmem>>
    %dma_start3A_34 = arith.constant 0 : i32
    %dma_start3A_35 = arith.constant 0 : i32
    %dma_start3A_36 = tpu.memref_slice %arg2[%dma_start3A_34, %dma_start3A_35] : memref<10000x32xbf16, #tpu.memory_space<hbm>> -> memref<10000x32xbf16, #tpu.memory_space<hbm>>
    tpu.enqueue_indirect_dma source(%dma_start3A_36 : memref<10000x32xbf16, #tpu.memory_space<hbm>>) target(%dma_start3A_30 : memref<192x32xbf16, #tpu.memory_space<vmem>>) offsets(%dma_start3A_33 : memref<192xi32, #tpu.memory_space<vmem>>) semaphore(%arg11 : memref<!tpu.dma_semaphore, #tpu.memory_space<semaphore_mem>>)
    %dma_start3A_37 = arith.constant 2 : i32
    %dma_start3A_38 = arith.constant 2 : i32
    %dma_start3A_39 = arith.constant 0 : i32
    %dma_start3A_40 = arith.constant 0 : i32
    %dma_start3A_41 = tpu.memref_slice %arg9[%dma_start3A_38, %dma_start3A_39, %dma_start3A_40] : memref<6x192x32xbf16, #tpu.memory_space<vmem>> -> memref<1x192x32xbf16, #tpu.memory_space<vmem>>
    %dma_start3A_42 = tpu.memref_squeeze %dma_start3A_41 : memref<1x192x32xbf16, #tpu.memory_space<vmem>> -> memref<192x32xbf16, #tpu.memory_space<vmem>>
    %dma_start3A_43 = arith.constant 0 : i32
    %dma_start3A_44 = tpu.memref_slice %arg7[%dma_start3A_37, %dma_start3A_43] : memref<53x192xi32, #tpu.memory_space<vmem>> -> memref<1x192xi32, #tpu.memory_space<vmem>>
    %dma_start3A_45 = tpu.memref_squeeze %dma_start3A_44 : memref<1x192xi32, #tpu.memory_space<vmem>> -> memref<192xi32, #tpu.memory_space<vmem>>
    %dma_start3A_46 = arith.constant 0 : i32
    %dma_start3A_47 = arith.constant 0 : i32
    %dma_start3A_48 = tpu.memref_slice %arg2[%dma_start3A_46, %dma_start3A_47] : memref<10000x32xbf16, #tpu.memory_space<hbm>> -> memref<10000x32xbf16, #tpu.memory_space<hbm>>
    tpu.enqueue_indirect_dma source(%dma_start3A_48 : memref<10000x32xbf16, #tpu.memory_space<hbm>>) target(%dma_start3A_42 : memref<192x32xbf16, #tpu.memory_space<vmem>>) offsets(%dma_start3A_45 : memref<192xi32, #tpu.memory_space<vmem>>) semaphore(%arg11 : memref<!tpu.dma_semaphore, #tpu.memory_space<semaphore_mem>>)
    %dma_start3A_49 = arith.constant 3 : i32
    %dma_start3A_50 = arith.constant 3 : i32
    %dma_start3A_51 = arith.constant 0 : i32
    %dma_start3A_52 = arith.constant 0 : i32
    %dma_start3A_53 = tpu.memref_slice %arg9[%dma_start3A_50, %dma_start3A_51, %dma_start3A_52] : memref<6x192x32xbf16, #tpu.memory_space<vmem>> -> memref<1x192x32xbf16, #tpu.memory_space<vmem>>
    %dma_start3A_54 = tpu.memref_squeeze %dma_start3A_53 : memref<1x192x32xbf16, #tpu.memory_space<vmem>> -> memref<192x32xbf16, #tpu.memory_space<vmem>>
    %dma_start3A_55 = arith.constant 0 : i32
    %dma_start3A_56 = tpu.memref_slice %arg7[%dma_start3A_49, %dma_start3A_55] : memref<53x192xi32, #tpu.memory_space<vmem>> -> memref<1x192xi32, #tpu.memory_space<vmem>>
    %dma_start3A_57 = tpu.memref_squeeze %dma_start3A_56 : memref<1x192xi32, #tpu.memory_space<vmem>> -> memref<192xi32, #tpu.memory_space<vmem>>
    %dma_start3A_58 = arith.constant 0 : i32
    %dma_start3A_59 = arith.constant 0 : i32
    %dma_start3A_60 = tpu.memref_slice %arg2[%dma_start3A_58, %dma_start3A_59] : memref<10000x32xbf16, #tpu.memory_space<hbm>> -> memref<10000x32xbf16, #tpu.memory_space<hbm>>
    tpu.enqueue_indirect_dma source(%dma_start3A_60 : memref<10000x32xbf16, #tpu.memory_space<hbm>>) target(%dma_start3A_54 : memref<192x32xbf16, #tpu.memory_space<vmem>>) offsets(%dma_start3A_57 : memref<192xi32, #tpu.memory_space<vmem>>) semaphore(%arg11 : memref<!tpu.dma_semaphore, #tpu.memory_space<semaphore_mem>>)
    %dma_start3A_61 = arith.constant 4 : i32
    %dma_start3A_62 = arith.constant 4 : i32
    %dma_start3A_63 = arith.constant 0 : i32
    %dma_start3A_64 = arith.constant 0 : i32
    %dma_start3A_65 = tpu.memref_slice %arg9[%dma_start3A_62, %dma_start3A_63, %dma_start3A_64] : memref<6x192x32xbf16, #tpu.memory_space<vmem>> -> memref<1x192x32xbf16, #tpu.memory_space<vmem>>
    %dma_start3A_66 = tpu.memref_squeeze %dma_start3A_65 : memref<1x192x32xbf16, #tpu.memory_space<vmem>> -> memref<192x32xbf16, #tpu.memory_space<vmem>>
    %dma_start3A_67 = arith.constant 0 : i32
    %dma_start3A_68 = tpu.memref_slice %arg7[%dma_start3A_61, %dma_start3A_67] : memref<53x192xi32, #tpu.memory_space<vmem>> -> memref<1x192xi32, #tpu.memory_space<vmem>>
    %dma_start3A_69 = tpu.memref_squeeze %dma_start3A_68 : memref<1x192xi32, #tpu.memory_space<vmem>> -> memref<192xi32, #tpu.memory_space<vmem>>
    %dma_start3A_70 = arith.constant 0 : i32
    %dma_start3A_71 = arith.constant 0 : i32
    %dma_start3A_72 = tpu.memref_slice %arg2[%dma_start3A_70, %dma_start3A_71] : memref<10000x32xbf16, #tpu.memory_space<hbm>> -> memref<10000x32xbf16, #tpu.memory_space<hbm>>
    tpu.enqueue_indirect_dma source(%dma_start3A_72 : memref<10000x32xbf16, #tpu.memory_space<hbm>>) target(%dma_start3A_66 : memref<192x32xbf16, #tpu.memory_space<vmem>>) offsets(%dma_start3A_69 : memref<192xi32, #tpu.memory_space<vmem>>) semaphore(%arg11 : memref<!tpu.dma_semaphore, #tpu.memory_space<semaphore_mem>>)
    %scan3A = arith.constant 0 : i32
    %scan3A_73 = arith.constant 0 : i32
    %scan3A_74 = arith.constant 53 : i32
    %scan3A_75 = arith.addi %scan3A_73, %scan3A_74 : i32
    %scan3A_76 = arith.constant 1 : i32
    scf.for %scan3A_270 = %scan3A_73 to %scan3A_75 step %scan3A_76  : i32 {
      %rem3A = arith.constant 6 : i32
      %rem3A_271 = arith.remsi %scan3A_270, %rem3A : i32
      %add3A_272 = arith.constant 6 : i32
      %add3A_273 = arith.addi %scan3A_270, %add3A_272 : i32
      %sub3A = arith.constant 1 : i32
      %sub3A_274 = arith.subi %add3A_273, %sub3A : i32
      %rem3A_275 = arith.constant 6 : i32
      %rem3A_276 = arith.remsi %sub3A_274, %rem3A_275 : i32
      %dma_wait3A_277 = arith.constant 0 : i32
      %dma_wait3A_278 = arith.constant 0 : i32
      %dma_wait3A_279 = tpu.memref_slice %arg9[%rem3A_271, %dma_wait3A_277, %dma_wait3A_278] : memref<6x192x32xbf16, #tpu.memory_space<vmem>> -> memref<1x192x32xbf16, #tpu.memory_space<vmem>>
      %dma_wait3A_280 = tpu.memref_squeeze %dma_wait3A_279 : memref<1x192x32xbf16, #tpu.memory_space<vmem>> -> memref<192x32xbf16, #tpu.memory_space<vmem>>
      %dma_wait3A_281 = arith.constant 0 : i32
      %dma_wait3A_282 = tpu.memref_slice %arg7[%scan3A_270, %dma_wait3A_281] : memref<53x192xi32, #tpu.memory_space<vmem>> -> memref<1x192xi32, #tpu.memory_space<vmem>>
      %dma_wait3A_283 = tpu.memref_squeeze %dma_wait3A_282 : memref<1x192xi32, #tpu.memory_space<vmem>> -> memref<192xi32, #tpu.memory_space<vmem>>
      %dma_wait3A_284 = arith.constant 0 : i32
      %dma_wait3A_285 = arith.constant 0 : i32
      %dma_wait3A_286 = tpu.memref_slice %arg2[%dma_wait3A_284, %dma_wait3A_285] : memref<10000x32xbf16, #tpu.memory_space<hbm>> -> memref<10000x32xbf16, #tpu.memory_space<hbm>>
      tpu.wait_indirect_dma semaphore(%arg11 : memref<!tpu.dma_semaphore, #tpu.memory_space<semaphore_mem>>) src(%dma_wait3A_286 : memref<10000x32xbf16, #tpu.memory_space<hbm>>) dst(%dma_wait3A_280 : memref<192x32xbf16, #tpu.memory_space<vmem>>)
      %dma_start3A_287 = arith.constant 0 : i32
      %dma_start3A_288 = arith.constant 0 : i32
      %dma_start3A_289 = tpu.memref_slice %arg9[%rem3A_271, %dma_start3A_287, %dma_start3A_288] : memref<6x192x32xbf16, #tpu.memory_space<vmem>> -> memref<1x192x32xbf16, #tpu.memory_space<vmem>>
      %dma_start3A_290 = tpu.memref_squeeze %dma_start3A_289 : memref<1x192x32xbf16, #tpu.memory_space<vmem>> -> memref<192x32xbf16, #tpu.memory_space<vmem>>
      %dma_start3A_291 = arith.constant 0 : i32
      %dma_start3A_292 = tpu.memref_slice %arg8[%scan3A_270, %dma_start3A_291] : memref<53x192xi32, #tpu.memory_space<vmem>> -> memref<1x192xi32, #tpu.memory_space<vmem>>
      %dma_start3A_293 = tpu.memref_squeeze %dma_start3A_292 : memref<1x192xi32, #tpu.memory_space<vmem>> -> memref<192xi32, #tpu.memory_space<vmem>>
      %dma_start3A_294 = arith.constant 0 : i32
      %dma_start3A_295 = arith.constant 0 : i32
      %dma_start3A_296 = tpu.memref_slice %arg6[%dma_start3A_294, %dma_start3A_295] : memref<10240x32xbf16, #tpu.memory_space<vmem_shared>> -> memref<10240x32xbf16, #tpu.memory_space<vmem_shared>>
      tpu.enqueue_indirect_dma source(%dma_start3A_290 : memref<192x32xbf16, #tpu.memory_space<vmem>>) target(%dma_start3A_296 : memref<10240x32xbf16, #tpu.memory_space<vmem_shared>>) offsets(%dma_start3A_293 : memref<192xi32, #tpu.memory_space<vmem>>) semaphore(%arg12 : memref<!tpu.dma_semaphore, #tpu.memory_space<semaphore_mem>>) {add = true}
      %ge3A = arith.constant 1 : i32
      %ge3A_297 = arith.cmpi sge, %scan3A_270, %ge3A : i32
      %convert_element_type3A = arith.extui %ge3A_297 : i1 to i32
      %cond3A = arith.constant 0 : i32
      %cond3A_298 = arith.cmpi ne, %convert_element_type3A, %cond3A : i32
      scf.if %cond3A_298 {
        %dma_wait3A_307 = arith.constant 0 : i32
        %dma_wait3A_308 = arith.constant 0 : i32
        %dma_wait3A_309 = arith.constant 0 : i32
        %dma_wait3A_310 = arith.constant 0 : i32
        %dma_wait3A_311 = tpu.memref_slice %arg9[%dma_wait3A_307, %dma_wait3A_309, %dma_wait3A_310] : memref<6x192x32xbf16, #tpu.memory_space<vmem>> -> memref<1x192x32xbf16, #tpu.memory_space<vmem>>
        %dma_wait3A_312 = tpu.memref_squeeze %dma_wait3A_311 : memref<1x192x32xbf16, #tpu.memory_space<vmem>> -> memref<192x32xbf16, #tpu.memory_space<vmem>>
        %dma_wait3A_313 = arith.constant 0 : i32
        %dma_wait3A_314 = tpu.memref_slice %arg8[%dma_wait3A_308, %dma_wait3A_313] : memref<53x192xi32, #tpu.memory_space<vmem>> -> memref<1x192xi32, #tpu.memory_space<vmem>>
        %dma_wait3A_315 = tpu.memref_squeeze %dma_wait3A_314 : memref<1x192xi32, #tpu.memory_space<vmem>> -> memref<192xi32, #tpu.memory_space<vmem>>
        %dma_wait3A_316 = arith.constant 0 : i32
        %dma_wait3A_317 = arith.constant 0 : i32
        %dma_wait3A_318 = tpu.memref_slice %arg6[%dma_wait3A_316, %dma_wait3A_317] : memref<10240x32xbf16, #tpu.memory_space<vmem_shared>> -> memref<10240x32xbf16, #tpu.memory_space<vmem_shared>>
        tpu.wait_indirect_dma semaphore(%arg12 : memref<!tpu.dma_semaphore, #tpu.memory_space<semaphore_mem>>) src(%dma_wait3A_312 : memref<192x32xbf16, #tpu.memory_space<vmem>>) dst(%dma_wait3A_318 : memref<10240x32xbf16, #tpu.memory_space<vmem_shared>>)
      } else {
      }
      %add3A_299 = arith.constant 6 : i32
      %add3A_300 = arith.addi %scan3A_270, %add3A_299 : i32
      %sub3A_301 = arith.constant 1 : i32
      %sub3A_302 = arith.subi %add3A_300, %sub3A_301 : i32
      %lt3A = arith.constant 53 : i32
      %lt3A_303 = arith.cmpi slt, %sub3A_302, %lt3A : i32
      %convert_element_type3A_304 = arith.extui %lt3A_303 : i1 to i32
      %cond3A_305 = arith.constant 0 : i32
      %cond3A_306 = arith.cmpi ne, %convert_element_type3A_304, %cond3A_305 : i32
      scf.if %cond3A_306 {
        %add3A_307 = arith.constant 6 : i32
        %add3A_308 = arith.addi %scan3A_270, %add3A_307 : i32
        %sub3A_309 = arith.constant 1 : i32
        %sub3A_310 = arith.subi %add3A_308, %sub3A_309 : i32
        %dma_start3A_311 = arith.constant 0 : i32
        %dma_start3A_312 = arith.constant 0 : i32
        %dma_start3A_313 = tpu.memref_slice %arg9[%rem3A_276, %dma_start3A_311, %dma_start3A_312] : memref<6x192x32xbf16, #tpu.memory_space<vmem>> -> memref<1x192x32xbf16, #tpu.memory_space<vmem>>
        %dma_start3A_314 = tpu.memref_squeeze %dma_start3A_313 : memref<1x192x32xbf16, #tpu.memory_space<vmem>> -> memref<192x32xbf16, #tpu.memory_space<vmem>>
        %dma_start3A_315 = arith.constant 0 : i32
        %dma_start3A_316 = tpu.memref_slice %arg7[%sub3A_310, %dma_start3A_315] : memref<53x192xi32, #tpu.memory_space<vmem>> -> memref<1x192xi32, #tpu.memory_space<vmem>>
        %dma_start3A_317 = tpu.memref_squeeze %dma_start3A_316 : memref<1x192xi32, #tpu.memory_space<vmem>> -> memref<192xi32, #tpu.memory_space<vmem>>
        %dma_start3A_318 = arith.constant 0 : i32
        %dma_start3A_319 = arith.constant 0 : i32
        %dma_start3A_320 = tpu.memref_slice %arg2[%dma_start3A_318, %dma_start3A_319] : memref<10000x32xbf16, #tpu.memory_space<hbm>> -> memref<10000x32xbf16, #tpu.memory_space<hbm>>
        tpu.enqueue_indirect_dma source(%dma_start3A_320 : memref<10000x32xbf16, #tpu.memory_space<hbm>>) target(%dma_start3A_314 : memref<192x32xbf16, #tpu.memory_space<vmem>>) offsets(%dma_start3A_317 : memref<192xi32, #tpu.memory_space<vmem>>) semaphore(%arg11 : memref<!tpu.dma_semaphore, #tpu.memory_space<semaphore_mem>>)
      } else {
      }
    }
    %scan3A_77 = arith.constant 53 : i32
    %dma_wait3A = arith.constant 0 : i32
    %dma_wait3A_78 = arith.constant 0 : i32
    %dma_wait3A_79 = arith.constant 0 : i32
    %dma_wait3A_80 = arith.constant 0 : i32
    %dma_wait3A_81 = tpu.memref_slice %arg9[%dma_wait3A, %dma_wait3A_79, %dma_wait3A_80] : memref<6x192x32xbf16, #tpu.memory_space<vmem>> -> memref<1x192x32xbf16, #tpu.memory_space<vmem>>
    %dma_wait3A_82 = tpu.memref_squeeze %dma_wait3A_81 : memref<1x192x32xbf16, #tpu.memory_space<vmem>> -> memref<192x32xbf16, #tpu.memory_space<vmem>>
    %dma_wait3A_83 = arith.constant 0 : i32
    %dma_wait3A_84 = tpu.memref_slice %arg8[%dma_wait3A_78, %dma_wait3A_83] : memref<53x192xi32, #tpu.memory_space<vmem>> -> memref<1x192xi32, #tpu.memory_space<vmem>>
    %dma_wait3A_85 = tpu.memref_squeeze %dma_wait3A_84 : memref<1x192xi32, #tpu.memory_space<vmem>> -> memref<192xi32, #tpu.memory_space<vmem>>
    %dma_wait3A_86 = arith.constant 0 : i32
    %dma_wait3A_87 = arith.constant 0 : i32
    %dma_wait3A_88 = tpu.memref_slice %arg6[%dma_wait3A_86, %dma_wait3A_87] : memref<10240x32xbf16, #tpu.memory_space<vmem_shared>> -> memref<10240x32xbf16, #tpu.memory_space<vmem_shared>>
    tpu.wait_indirect_dma semaphore(%arg12 : memref<!tpu.dma_semaphore, #tpu.memory_space<semaphore_mem>>) src(%dma_wait3A_82 : memref<192x32xbf16, #tpu.memory_space<vmem>>) dst(%dma_wait3A_88 : memref<10240x32xbf16, #tpu.memory_space<vmem_shared>>)
    %barrier3A_89 = arith.constant 0 : index
    tpu.barrier barrier_id(%barrier3A_89)
    %add3A_90 = arith.constant 0 : i32
    %add3A_91 = arith.addi %mul3A_3, %add3A_90 : i32
    %run_scoped3A_92 = arith.constant 0 : i32
    "tpu.region"() ({
      %run_scoped3A_270 = tpu.sem_alloc : memref<!tpu.dma_semaphore, #tpu.memory_space<semaphore_mem>>
      %dma_start3A_271 = arith.constant 0 : i32
      %dma_start3A_272 = arith.constant 0 : i32
      %dma_start3A_273 = tpu.memref_slice %arg9[%run_scoped3A_92, %dma_start3A_271, %dma_start3A_272] : memref<6x192x32xbf16, #tpu.memory_space<vmem>> -> memref<1x128x32xbf16, #tpu.memory_space<vmem>>
      %dma_start3A_274 = tpu.memref_squeeze %dma_start3A_273 : memref<1x128x32xbf16, #tpu.memory_space<vmem>> -> memref<128x32xbf16, #tpu.memory_space<vmem>>
      %dma_start3A_275 = arith.constant 0 : i32
      %dma_start3A_276 = tpu.memref_slice %arg6[%add3A_91, %dma_start3A_275] : memref<10240x32xbf16, #tpu.memory_space<vmem_shared>> -> memref<128x32xbf16, #tpu.memory_space<vmem_shared>>
      %dma_start3A_277 = arith.constant 0 : i32
      %dma_start3A_278 = arith.constant 0 : i32
      %dma_start3A_279 = tpu.memref_slice %arg9[%run_scoped3A_92, %dma_start3A_277, %dma_start3A_278] : memref<6x192x32xbf16, #tpu.memory_space<vmem>> -> memref<1x128x32xbf16, #tpu.memory_space<vmem>>
      %dma_start3A_280 = tpu.memref_squeeze %dma_start3A_279 : memref<1x128x32xbf16, #tpu.memory_space<vmem>> -> memref<128x32xbf16, #tpu.memory_space<vmem>>
      %dma_start3A_281 = arith.constant 0 : i32
      %dma_start3A_282 = tpu.memref_slice %arg6[%add3A_91, %dma_start3A_281] : memref<10240x32xbf16, #tpu.memory_space<vmem_shared>> -> memref<128x32xbf16, #tpu.memory_space<vmem_shared>>
      tpu.enqueue_dma source(%dma_start3A_282 : memref<128x32xbf16, #tpu.memory_space<vmem_shared>>) target(%dma_start3A_280 : memref<128x32xbf16, #tpu.memory_space<vmem>>) target_semaphore(%run_scoped3A_270 : memref<!tpu.dma_semaphore, #tpu.memory_space<semaphore_mem>>)
      %dma_wait3A_283 = arith.constant 0 : i32
      %dma_wait3A_284 = arith.constant 0 : i32
      %dma_wait3A_285 = tpu.memref_slice %arg9[%run_scoped3A_92, %dma_wait3A_283, %dma_wait3A_284] : memref<6x192x32xbf16, #tpu.memory_space<vmem>> -> memref<1x128x32xbf16, #tpu.memory_space<vmem>>
      %dma_wait3A_286 = tpu.memref_squeeze %dma_wait3A_285 : memref<1x128x32xbf16, #tpu.memory_space<vmem>> -> memref<128x32xbf16, #tpu.memory_space<vmem>>
      %dma_wait3A_287 = arith.constant 0 : i32
      %dma_wait3A_288 = tpu.memref_slice %arg6[%add3A_91, %dma_wait3A_287] : memref<10240x32xbf16, #tpu.memory_space<vmem_shared>> -> memref<128x32xbf16, #tpu.memory_space<vmem_shared>>
      %dma_wait3A_289 = arith.constant 0 : i32
      %dma_wait3A_290 = arith.constant 0 : i32
      %dma_wait3A_291 = tpu.memref_slice %arg9[%run_scoped3A_92, %dma_wait3A_289, %dma_wait3A_290] : memref<6x192x32xbf16, #tpu.memory_space<vmem>> -> memref<1x128x32xbf16, #tpu.memory_space<vmem>>
      %dma_wait3A_292 = tpu.memref_squeeze %dma_wait3A_291 : memref<1x128x32xbf16, #tpu.memory_space<vmem>> -> memref<128x32xbf16, #tpu.memory_space<vmem>>
      %dma_wait3A_293 = arith.constant 0 : i32
      %dma_wait3A_294 = tpu.memref_slice %arg6[%add3A_91, %dma_wait3A_293] : memref<10240x32xbf16, #tpu.memory_space<vmem_shared>> -> memref<128x32xbf16, #tpu.memory_space<vmem_shared>>
      tpu.wait_dma2 semaphore(%run_scoped3A_270 : memref<!tpu.dma_semaphore, #tpu.memory_space<semaphore_mem>>) src(%dma_wait3A_294 : memref<128x32xbf16, #tpu.memory_space<vmem_shared>>) dst(%dma_wait3A_292 : memref<128x32xbf16, #tpu.memory_space<vmem>>)
      tpu.yield
    }) : () -> ()
    %dma_start3A_93 = arith.constant 0 : i32
    %dma_start3A_94 = arith.constant 0 : i32
    %dma_start3A_95 = arith.constant 0 : i32
    %dma_start3A_96 = tpu.memref_slice %arg9[%dma_start3A_93, %dma_start3A_94, %dma_start3A_95] : memref<6x192x32xbf16, #tpu.memory_space<vmem>> -> memref<1x128x32xbf16, #tpu.memory_space<vmem>>
    %dma_start3A_97 = tpu.memref_squeeze %dma_start3A_96 : memref<1x128x32xbf16, #tpu.memory_space<vmem>> -> memref<128x32xbf16, #tpu.memory_space<vmem>>
    %dma_start3A_98 = arith.constant 0 : i32
    %dma_start3A_99 = tpu.memref_slice %arg5[%arg0, %add3A_91, %dma_start3A_98] : memref<2x10240x32xbf16, #tpu.memory_space<hbm>> -> memref<1x128x32xbf16, #tpu.memory_space<hbm>>
    %dma_start3A_100 = tpu.memref_squeeze %dma_start3A_99 : memref<1x128x32xbf16, #tpu.memory_space<hbm>> -> memref<128x32xbf16, #tpu.memory_space<hbm>>
    %dma_start3A_101 = arith.constant 0 : i32
    %dma_start3A_102 = tpu.memref_slice %arg5[%arg0, %add3A_91, %dma_start3A_101] : memref<2x10240x32xbf16, #tpu.memory_space<hbm>> -> memref<1x128x32xbf16, #tpu.memory_space<hbm>>
    %dma_start3A_103 = tpu.memref_squeeze %dma_start3A_102 : memref<1x128x32xbf16, #tpu.memory_space<hbm>> -> memref<128x32xbf16, #tpu.memory_space<hbm>>
    %dma_start3A_104 = arith.constant 0 : i32
    %dma_start3A_105 = arith.constant 0 : i32
    %dma_start3A_106 = tpu.memref_slice %arg9[%dma_start3A_93, %dma_start3A_104, %dma_start3A_105] : memref<6x192x32xbf16, #tpu.memory_space<vmem>> -> memref<1x128x32xbf16, #tpu.memory_space<vmem>>
    %dma_start3A_107 = tpu.memref_squeeze %dma_start3A_106 : memref<1x128x32xbf16, #tpu.memory_space<vmem>> -> memref<128x32xbf16, #tpu.memory_space<vmem>>
    tpu.enqueue_dma source(%dma_start3A_107 : memref<128x32xbf16, #tpu.memory_space<vmem>>) target(%dma_start3A_103 : memref<128x32xbf16, #tpu.memory_space<hbm>>) target_semaphore(%arg13 : memref<!tpu.dma_semaphore, #tpu.memory_space<semaphore_mem>>)
    %add3A_108 = arith.constant 128 : i32
    %add3A_109 = arith.addi %mul3A_3, %add3A_108 : i32
    %run_scoped3A_110 = arith.constant 1 : i32
    "tpu.region"() ({
      %run_scoped3A_270 = tpu.sem_alloc : memref<!tpu.dma_semaphore, #tpu.memory_space<semaphore_mem>>
      %dma_start3A_271 = arith.constant 0 : i32
      %dma_start3A_272 = arith.constant 0 : i32
      %dma_start3A_273 = tpu.memref_slice %arg9[%run_scoped3A_110, %dma_start3A_271, %dma_start3A_272] : memref<6x192x32xbf16, #tpu.memory_space<vmem>> -> memref<1x128x32xbf16, #tpu.memory_space<vmem>>
      %dma_start3A_274 = tpu.memref_squeeze %dma_start3A_273 : memref<1x128x32xbf16, #tpu.memory_space<vmem>> -> memref<128x32xbf16, #tpu.memory_space<vmem>>
      %dma_start3A_275 = arith.constant 0 : i32
      %dma_start3A_276 = tpu.memref_slice %arg6[%add3A_109, %dma_start3A_275] : memref<10240x32xbf16, #tpu.memory_space<vmem_shared>> -> memref<128x32xbf16, #tpu.memory_space<vmem_shared>>
      %dma_start3A_277 = arith.constant 0 : i32
      %dma_start3A_278 = arith.constant 0 : i32
      %dma_start3A_279 = tpu.memref_slice %arg9[%run_scoped3A_110, %dma_start3A_277, %dma_start3A_278] : memref<6x192x32xbf16, #tpu.memory_space<vmem>> -> memref<1x128x32xbf16, #tpu.memory_space<vmem>>
      %dma_start3A_280 = tpu.memref_squeeze %dma_start3A_279 : memref<1x128x32xbf16, #tpu.memory_space<vmem>> -> memref<128x32xbf16, #tpu.memory_space<vmem>>
      %dma_start3A_281 = arith.constant 0 : i32
      %dma_start3A_282 = tpu.memref_slice %arg6[%add3A_109, %dma_start3A_281] : memref<10240x32xbf16, #tpu.memory_space<vmem_shared>> -> memref<128x32xbf16, #tpu.memory_space<vmem_shared>>
      tpu.enqueue_dma source(%dma_start3A_282 : memref<128x32xbf16, #tpu.memory_space<vmem_shared>>) target(%dma_start3A_280 : memref<128x32xbf16, #tpu.memory_space<vmem>>) target_semaphore(%run_scoped3A_270 : memref<!tpu.dma_semaphore, #tpu.memory_space<semaphore_mem>>)
      %dma_wait3A_283 = arith.constant 0 : i32
      %dma_wait3A_284 = arith.constant 0 : i32
      %dma_wait3A_285 = tpu.memref_slice %arg9[%run_scoped3A_110, %dma_wait3A_283, %dma_wait3A_284] : memref<6x192x32xbf16, #tpu.memory_space<vmem>> -> memref<1x128x32xbf16, #tpu.memory_space<vmem>>
      %dma_wait3A_286 = tpu.memref_squeeze %dma_wait3A_285 : memref<1x128x32xbf16, #tpu.memory_space<vmem>> -> memref<128x32xbf16, #tpu.memory_space<vmem>>
      %dma_wait3A_287 = arith.constant 0 : i32
      %dma_wait3A_288 = tpu.memref_slice %arg6[%add3A_109, %dma_wait3A_287] : memref<10240x32xbf16, #tpu.memory_space<vmem_shared>> -> memref<128x32xbf16, #tpu.memory_space<vmem_shared>>
      %dma_wait3A_289 = arith.constant 0 : i32
      %dma_wait3A_290 = arith.constant 0 : i32
      %dma_wait3A_291 = tpu.memref_slice %arg9[%run_scoped3A_110, %dma_wait3A_289, %dma_wait3A_290] : memref<6x192x32xbf16, #tpu.memory_space<vmem>> -> memref<1x128x32xbf16, #tpu.memory_space<vmem>>
      %dma_wait3A_292 = tpu.memref_squeeze %dma_wait3A_291 : memref<1x128x32xbf16, #tpu.memory_space<vmem>> -> memref<128x32xbf16, #tpu.memory_space<vmem>>
      %dma_wait3A_293 = arith.constant 0 : i32
      %dma_wait3A_294 = tpu.memref_slice %arg6[%add3A_109, %dma_wait3A_293] : memref<10240x32xbf16, #tpu.memory_space<vmem_shared>> -> memref<128x32xbf16, #tpu.memory_space<vmem_shared>>
      tpu.wait_dma2 semaphore(%run_scoped3A_270 : memref<!tpu.dma_semaphore, #tpu.memory_space<semaphore_mem>>) src(%dma_wait3A_294 : memref<128x32xbf16, #tpu.memory_space<vmem_shared>>) dst(%dma_wait3A_292 : memref<128x32xbf16, #tpu.memory_space<vmem>>)
      tpu.yield
    }) : () -> ()
    %dma_start3A_111 = arith.constant 1 : i32
    %dma_start3A_112 = arith.constant 0 : i32
    %dma_start3A_113 = arith.constant 0 : i32
    %dma_start3A_114 = tpu.memref_slice %arg9[%dma_start3A_111, %dma_start3A_112, %dma_start3A_113] : memref<6x192x32xbf16, #tpu.memory_space<vmem>> -> memref<1x128x32xbf16, #tpu.memory_space<vmem>>
    %dma_start3A_115 = tpu.memref_squeeze %dma_start3A_114 : memref<1x128x32xbf16, #tpu.memory_space<vmem>> -> memref<128x32xbf16, #tpu.memory_space<vmem>>
    %dma_start3A_116 = arith.constant 0 : i32
    %dma_start3A_117 = tpu.memref_slice %arg5[%arg0, %add3A_109, %dma_start3A_116] : memref<2x10240x32xbf16, #tpu.memory_space<hbm>> -> memref<1x128x32xbf16, #tpu.memory_space<hbm>>
    %dma_start3A_118 = tpu.memref_squeeze %dma_start3A_117 : memref<1x128x32xbf16, #tpu.memory_space<hbm>> -> memref<128x32xbf16, #tpu.memory_space<hbm>>
    %dma_start3A_119 = arith.constant 0 : i32
    %dma_start3A_120 = tpu.memref_slice %arg5[%arg0, %add3A_109, %dma_start3A_119] : memref<2x10240x32xbf16, #tpu.memory_space<hbm>> -> memref<1x128x32xbf16, #tpu.memory_space<hbm>>
    %dma_start3A_121 = tpu.memref_squeeze %dma_start3A_120 : memref<1x128x32xbf16, #tpu.memory_space<hbm>> -> memref<128x32xbf16, #tpu.memory_space<hbm>>
    %dma_start3A_122 = arith.constant 0 : i32
    %dma_start3A_123 = arith.constant 0 : i32
    %dma_start3A_124 = tpu.memref_slice %arg9[%dma_start3A_111, %dma_start3A_122, %dma_start3A_123] : memref<6x192x32xbf16, #tpu.memory_space<vmem>> -> memref<1x128x32xbf16, #tpu.memory_space<vmem>>
    %dma_start3A_125 = tpu.memref_squeeze %dma_start3A_124 : memref<1x128x32xbf16, #tpu.memory_space<vmem>> -> memref<128x32xbf16, #tpu.memory_space<vmem>>
    tpu.enqueue_dma source(%dma_start3A_125 : memref<128x32xbf16, #tpu.memory_space<vmem>>) target(%dma_start3A_121 : memref<128x32xbf16, #tpu.memory_space<hbm>>) target_semaphore(%arg13 : memref<!tpu.dma_semaphore, #tpu.memory_space<semaphore_mem>>)
    %add3A_126 = arith.constant 256 : i32
    %add3A_127 = arith.addi %mul3A_3, %add3A_126 : i32
    %run_scoped3A_128 = arith.constant 2 : i32
    "tpu.region"() ({
      %run_scoped3A_270 = tpu.sem_alloc : memref<!tpu.dma_semaphore, #tpu.memory_space<semaphore_mem>>
      %dma_start3A_271 = arith.constant 0 : i32
      %dma_start3A_272 = arith.constant 0 : i32
      %dma_start3A_273 = tpu.memref_slice %arg9[%run_scoped3A_128, %dma_start3A_271, %dma_start3A_272] : memref<6x192x32xbf16, #tpu.memory_space<vmem>> -> memref<1x128x32xbf16, #tpu.memory_space<vmem>>
      %dma_start3A_274 = tpu.memref_squeeze %dma_start3A_273 : memref<1x128x32xbf16, #tpu.memory_space<vmem>> -> memref<128x32xbf16, #tpu.memory_space<vmem>>
      %dma_start3A_275 = arith.constant 0 : i32
      %dma_start3A_276 = tpu.memref_slice %arg6[%add3A_127, %dma_start3A_275] : memref<10240x32xbf16, #tpu.memory_space<vmem_shared>> -> memref<128x32xbf16, #tpu.memory_space<vmem_shared>>
      %dma_start3A_277 = arith.constant 0 : i32
      %dma_start3A_278 = arith.constant 0 : i32
      %dma_start3A_279 = tpu.memref_slice %arg9[%run_scoped3A_128, %dma_start3A_277, %dma_start3A_278] : memref<6x192x32xbf16, #tpu.memory_space<vmem>> -> memref<1x128x32xbf16, #tpu.memory_space<vmem>>
      %dma_start3A_280 = tpu.memref_squeeze %dma_start3A_279 : memref<1x128x32xbf16, #tpu.memory_space<vmem>> -> memref<128x32xbf16, #tpu.memory_space<vmem>>
      %dma_start3A_281 = arith.constant 0 : i32
      %dma_start3A_282 = tpu.memref_slice %arg6[%add3A_127, %dma_start3A_281] : memref<10240x32xbf16, #tpu.memory_space<vmem_shared>> -> memref<128x32xbf16, #tpu.memory_space<vmem_shared>>
      tpu.enqueue_dma source(%dma_start3A_282 : memref<128x32xbf16, #tpu.memory_space<vmem_shared>>) target(%dma_start3A_280 : memref<128x32xbf16, #tpu.memory_space<vmem>>) target_semaphore(%run_scoped3A_270 : memref<!tpu.dma_semaphore, #tpu.memory_space<semaphore_mem>>)
      %dma_wait3A_283 = arith.constant 0 : i32
      %dma_wait3A_284 = arith.constant 0 : i32
      %dma_wait3A_285 = tpu.memref_slice %arg9[%run_scoped3A_128, %dma_wait3A_283, %dma_wait3A_284] : memref<6x192x32xbf16, #tpu.memory_space<vmem>> -> memref<1x128x32xbf16, #tpu.memory_space<vmem>>
      %dma_wait3A_286 = tpu.memref_squeeze %dma_wait3A_285 : memref<1x128x32xbf16, #tpu.memory_space<vmem>> -> memref<128x32xbf16, #tpu.memory_space<vmem>>
      %dma_wait3A_287 = arith.constant 0 : i32
      %dma_wait3A_288 = tpu.memref_slice %arg6[%add3A_127, %dma_wait3A_287] : memref<10240x32xbf16, #tpu.memory_space<vmem_shared>> -> memref<128x32xbf16, #tpu.memory_space<vmem_shared>>
      %dma_wait3A_289 = arith.constant 0 : i32
      %dma_wait3A_290 = arith.constant 0 : i32
      %dma_wait3A_291 = tpu.memref_slice %arg9[%run_scoped3A_128, %dma_wait3A_289, %dma_wait3A_290] : memref<6x192x32xbf16, #tpu.memory_space<vmem>> -> memref<1x128x32xbf16, #tpu.memory_space<vmem>>
      %dma_wait3A_292 = tpu.memref_squeeze %dma_wait3A_291 : memref<1x128x32xbf16, #tpu.memory_space<vmem>> -> memref<128x32xbf16, #tpu.memory_space<vmem>>
      %dma_wait3A_293 = arith.constant 0 : i32
      %dma_wait3A_294 = tpu.memref_slice %arg6[%add3A_127, %dma_wait3A_293] : memref<10240x32xbf16, #tpu.memory_space<vmem_shared>> -> memref<128x32xbf16, #tpu.memory_space<vmem_shared>>
      tpu.wait_dma2 semaphore(%run_scoped3A_270 : memref<!tpu.dma_semaphore, #tpu.memory_space<semaphore_mem>>) src(%dma_wait3A_294 : memref<128x32xbf16, #tpu.memory_space<vmem_shared>>) dst(%dma_wait3A_292 : memref<128x32xbf16, #tpu.memory_space<vmem>>)
      tpu.yield
    }) : () -> ()
    %dma_start3A_129 = arith.constant 2 : i32
    %dma_start3A_130 = arith.constant 0 : i32
    %dma_start3A_131 = arith.constant 0 : i32
    %dma_start3A_132 = tpu.memref_slice %arg9[%dma_start3A_129, %dma_start3A_130, %dma_start3A_131] : memref<6x192x32xbf16, #tpu.memory_space<vmem>> -> memref<1x128x32xbf16, #tpu.memory_space<vmem>>
    %dma_start3A_133 = tpu.memref_squeeze %dma_start3A_132 : memref<1x128x32xbf16, #tpu.memory_space<vmem>> -> memref<128x32xbf16, #tpu.memory_space<vmem>>
    %dma_start3A_134 = arith.constant 0 : i32
    %dma_start3A_135 = tpu.memref_slice %arg5[%arg0, %add3A_127, %dma_start3A_134] : memref<2x10240x32xbf16, #tpu.memory_space<hbm>> -> memref<1x128x32xbf16, #tpu.memory_space<hbm>>
    %dma_start3A_136 = tpu.memref_squeeze %dma_start3A_135 : memref<1x128x32xbf16, #tpu.memory_space<hbm>> -> memref<128x32xbf16, #tpu.memory_space<hbm>>
    %dma_start3A_137 = arith.constant 0 : i32
    %dma_start3A_138 = tpu.memref_slice %arg5[%arg0, %add3A_127, %dma_start3A_137] : memref<2x10240x32xbf16, #tpu.memory_space<hbm>> -> memref<1x128x32xbf16, #tpu.memory_space<hbm>>
    %dma_start3A_139 = tpu.memref_squeeze %dma_start3A_138 : memref<1x128x32xbf16, #tpu.memory_space<hbm>> -> memref<128x32xbf16, #tpu.memory_space<hbm>>
    %dma_start3A_140 = arith.constant 0 : i32
    %dma_start3A_141 = arith.constant 0 : i32
    %dma_start3A_142 = tpu.memref_slice %arg9[%dma_start3A_129, %dma_start3A_140, %dma_start3A_141] : memref<6x192x32xbf16, #tpu.memory_space<vmem>> -> memref<1x128x32xbf16, #tpu.memory_space<vmem>>
    %dma_start3A_143 = tpu.memref_squeeze %dma_start3A_142 : memref<1x128x32xbf16, #tpu.memory_space<vmem>> -> memref<128x32xbf16, #tpu.memory_space<vmem>>
    tpu.enqueue_dma source(%dma_start3A_143 : memref<128x32xbf16, #tpu.memory_space<vmem>>) target(%dma_start3A_139 : memref<128x32xbf16, #tpu.memory_space<hbm>>) target_semaphore(%arg13 : memref<!tpu.dma_semaphore, #tpu.memory_space<semaphore_mem>>)
    %add3A_144 = arith.constant 384 : i32
    %add3A_145 = arith.addi %mul3A_3, %add3A_144 : i32
    %run_scoped3A_146 = arith.constant 3 : i32
    "tpu.region"() ({
      %run_scoped3A_270 = tpu.sem_alloc : memref<!tpu.dma_semaphore, #tpu.memory_space<semaphore_mem>>
      %dma_start3A_271 = arith.constant 0 : i32
      %dma_start3A_272 = arith.constant 0 : i32
      %dma_start3A_273 = tpu.memref_slice %arg9[%run_scoped3A_146, %dma_start3A_271, %dma_start3A_272] : memref<6x192x32xbf16, #tpu.memory_space<vmem>> -> memref<1x128x32xbf16, #tpu.memory_space<vmem>>
      %dma_start3A_274 = tpu.memref_squeeze %dma_start3A_273 : memref<1x128x32xbf16, #tpu.memory_space<vmem>> -> memref<128x32xbf16, #tpu.memory_space<vmem>>
      %dma_start3A_275 = arith.constant 0 : i32
      %dma_start3A_276 = tpu.memref_slice %arg6[%add3A_145, %dma_start3A_275] : memref<10240x32xbf16, #tpu.memory_space<vmem_shared>> -> memref<128x32xbf16, #tpu.memory_space<vmem_shared>>
      %dma_start3A_277 = arith.constant 0 : i32
      %dma_start3A_278 = arith.constant 0 : i32
      %dma_start3A_279 = tpu.memref_slice %arg9[%run_scoped3A_146, %dma_start3A_277, %dma_start3A_278] : memref<6x192x32xbf16, #tpu.memory_space<vmem>> -> memref<1x128x32xbf16, #tpu.memory_space<vmem>>
      %dma_start3A_280 = tpu.memref_squeeze %dma_start3A_279 : memref<1x128x32xbf16, #tpu.memory_space<vmem>> -> memref<128x32xbf16, #tpu.memory_space<vmem>>
      %dma_start3A_281 = arith.constant 0 : i32
      %dma_start3A_282 = tpu.memref_slice %arg6[%add3A_145, %dma_start3A_281] : memref<10240x32xbf16, #tpu.memory_space<vmem_shared>> -> memref<128x32xbf16, #tpu.memory_space<vmem_shared>>
      tpu.enqueue_dma source(%dma_start3A_282 : memref<128x32xbf16, #tpu.memory_space<vmem_shared>>) target(%dma_start3A_280 : memref<128x32xbf16, #tpu.memory_space<vmem>>) target_semaphore(%run_scoped3A_270 : memref<!tpu.dma_semaphore, #tpu.memory_space<semaphore_mem>>)
      %dma_wait3A_283 = arith.constant 0 : i32
      %dma_wait3A_284 = arith.constant 0 : i32
      %dma_wait3A_285 = tpu.memref_slice %arg9[%run_scoped3A_146, %dma_wait3A_283, %dma_wait3A_284] : memref<6x192x32xbf16, #tpu.memory_space<vmem>> -> memref<1x128x32xbf16, #tpu.memory_space<vmem>>
      %dma_wait3A_286 = tpu.memref_squeeze %dma_wait3A_285 : memref<1x128x32xbf16, #tpu.memory_space<vmem>> -> memref<128x32xbf16, #tpu.memory_space<vmem>>
      %dma_wait3A_287 = arith.constant 0 : i32
      %dma_wait3A_288 = tpu.memref_slice %arg6[%add3A_145, %dma_wait3A_287] : memref<10240x32xbf16, #tpu.memory_space<vmem_shared>> -> memref<128x32xbf16, #tpu.memory_space<vmem_shared>>
      %dma_wait3A_289 = arith.constant 0 : i32
      %dma_wait3A_290 = arith.constant 0 : i32
      %dma_wait3A_291 = tpu.memref_slice %arg9[%run_scoped3A_146, %dma_wait3A_289, %dma_wait3A_290] : memref<6x192x32xbf16, #tpu.memory_space<vmem>> -> memref<1x128x32xbf16, #tpu.memory_space<vmem>>
      %dma_wait3A_292 = tpu.memref_squeeze %dma_wait3A_291 : memref<1x128x32xbf16, #tpu.memory_space<vmem>> -> memref<128x32xbf16, #tpu.memory_space<vmem>>
      %dma_wait3A_293 = arith.constant 0 : i32
      %dma_wait3A_294 = tpu.memref_slice %arg6[%add3A_145, %dma_wait3A_293] : memref<10240x32xbf16, #tpu.memory_space<vmem_shared>> -> memref<128x32xbf16, #tpu.memory_space<vmem_shared>>
      tpu.wait_dma2 semaphore(%run_scoped3A_270 : memref<!tpu.dma_semaphore, #tpu.memory_space<semaphore_mem>>) src(%dma_wait3A_294 : memref<128x32xbf16, #tpu.memory_space<vmem_shared>>) dst(%dma_wait3A_292 : memref<128x32xbf16, #tpu.memory_space<vmem>>)
      tpu.yield
    }) : () -> ()
    %dma_start3A_147 = arith.constant 3 : i32
    %dma_start3A_148 = arith.constant 0 : i32
    %dma_start3A_149 = arith.constant 0 : i32
    %dma_start3A_150 = tpu.memref_slice %arg9[%dma_start3A_147, %dma_start3A_148, %dma_start3A_149] : memref<6x192x32xbf16, #tpu.memory_space<vmem>> -> memref<1x128x32xbf16, #tpu.memory_space<vmem>>
    %dma_start3A_151 = tpu.memref_squeeze %dma_start3A_150 : memref<1x128x32xbf16, #tpu.memory_space<vmem>> -> memref<128x32xbf16, #tpu.memory_space<vmem>>
    %dma_start3A_152 = arith.constant 0 : i32
    %dma_start3A_153 = tpu.memref_slice %arg5[%arg0, %add3A_145, %dma_start3A_152] : memref<2x10240x32xbf16, #tpu.memory_space<hbm>> -> memref<1x128x32xbf16, #tpu.memory_space<hbm>>
    %dma_start3A_154 = tpu.memref_squeeze %dma_start3A_153 : memref<1x128x32xbf16, #tpu.memory_space<hbm>> -> memref<128x32xbf16, #tpu.memory_space<hbm>>
    %dma_start3A_155 = arith.constant 0 : i32
    %dma_start3A_156 = tpu.memref_slice %arg5[%arg0, %add3A_145, %dma_start3A_155] : memref<2x10240x32xbf16, #tpu.memory_space<hbm>> -> memref<1x128x32xbf16, #tpu.memory_space<hbm>>
    %dma_start3A_157 = tpu.memref_squeeze %dma_start3A_156 : memref<1x128x32xbf16, #tpu.memory_space<hbm>> -> memref<128x32xbf16, #tpu.memory_space<hbm>>
    %dma_start3A_158 = arith.constant 0 : i32
    %dma_start3A_159 = arith.constant 0 : i32
    %dma_start3A_160 = tpu.memref_slice %arg9[%dma_start3A_147, %dma_start3A_158, %dma_start3A_159] : memref<6x192x32xbf16, #tpu.memory_space<vmem>> -> memref<1x128x32xbf16, #tpu.memory_space<vmem>>
    %dma_start3A_161 = tpu.memref_squeeze %dma_start3A_160 : memref<1x128x32xbf16, #tpu.memory_space<vmem>> -> memref<128x32xbf16, #tpu.memory_space<vmem>>
    tpu.enqueue_dma source(%dma_start3A_161 : memref<128x32xbf16, #tpu.memory_space<vmem>>) target(%dma_start3A_157 : memref<128x32xbf16, #tpu.memory_space<hbm>>) target_semaphore(%arg13 : memref<!tpu.dma_semaphore, #tpu.memory_space<semaphore_mem>>)
    %add3A_162 = arith.constant 512 : i32
    %add3A_163 = arith.addi %mul3A_3, %add3A_162 : i32
    %run_scoped3A_164 = arith.constant 4 : i32
    "tpu.region"() ({
      %run_scoped3A_270 = tpu.sem_alloc : memref<!tpu.dma_semaphore, #tpu.memory_space<semaphore_mem>>
      %dma_start3A_271 = arith.constant 0 : i32
      %dma_start3A_272 = arith.constant 0 : i32
      %dma_start3A_273 = tpu.memref_slice %arg9[%run_scoped3A_164, %dma_start3A_271, %dma_start3A_272] : memref<6x192x32xbf16, #tpu.memory_space<vmem>> -> memref<1x128x32xbf16, #tpu.memory_space<vmem>>
      %dma_start3A_274 = tpu.memref_squeeze %dma_start3A_273 : memref<1x128x32xbf16, #tpu.memory_space<vmem>> -> memref<128x32xbf16, #tpu.memory_space<vmem>>
      %dma_start3A_275 = arith.constant 0 : i32
      %dma_start3A_276 = tpu.memref_slice %arg6[%add3A_163, %dma_start3A_275] : memref<10240x32xbf16, #tpu.memory_space<vmem_shared>> -> memref<128x32xbf16, #tpu.memory_space<vmem_shared>>
      %dma_start3A_277 = arith.constant 0 : i32
      %dma_start3A_278 = arith.constant 0 : i32
      %dma_start3A_279 = tpu.memref_slice %arg9[%run_scoped3A_164, %dma_start3A_277, %dma_start3A_278] : memref<6x192x32xbf16, #tpu.memory_space<vmem>> -> memref<1x128x32xbf16, #tpu.memory_space<vmem>>
      %dma_start3A_280 = tpu.memref_squeeze %dma_start3A_279 : memref<1x128x32xbf16, #tpu.memory_space<vmem>> -> memref<128x32xbf16, #tpu.memory_space<vmem>>
      %dma_start3A_281 = arith.constant 0 : i32
      %dma_start3A_282 = tpu.memref_slice %arg6[%add3A_163, %dma_start3A_281] : memref<10240x32xbf16, #tpu.memory_space<vmem_shared>> -> memref<128x32xbf16, #tpu.memory_space<vmem_shared>>
      tpu.enqueue_dma source(%dma_start3A_282 : memref<128x32xbf16, #tpu.memory_space<vmem_shared>>) target(%dma_start3A_280 : memref<128x32xbf16, #tpu.memory_space<vmem>>) target_semaphore(%run_scoped3A_270 : memref<!tpu.dma_semaphore, #tpu.memory_space<semaphore_mem>>)
      %dma_wait3A_283 = arith.constant 0 : i32
      %dma_wait3A_284 = arith.constant 0 : i32
      %dma_wait3A_285 = tpu.memref_slice %arg9[%run_scoped3A_164, %dma_wait3A_283, %dma_wait3A_284] : memref<6x192x32xbf16, #tpu.memory_space<vmem>> -> memref<1x128x32xbf16, #tpu.memory_space<vmem>>
      %dma_wait3A_286 = tpu.memref_squeeze %dma_wait3A_285 : memref<1x128x32xbf16, #tpu.memory_space<vmem>> -> memref<128x32xbf16, #tpu.memory_space<vmem>>
      %dma_wait3A_287 = arith.constant 0 : i32
      %dma_wait3A_288 = tpu.memref_slice %arg6[%add3A_163, %dma_wait3A_287] : memref<10240x32xbf16, #tpu.memory_space<vmem_shared>> -> memref<128x32xbf16, #tpu.memory_space<vmem_shared>>
      %dma_wait3A_289 = arith.constant 0 : i32
      %dma_wait3A_290 = arith.constant 0 : i32
      %dma_wait3A_291 = tpu.memref_slice %arg9[%run_scoped3A_164, %dma_wait3A_289, %dma_wait3A_290] : memref<6x192x32xbf16, #tpu.memory_space<vmem>> -> memref<1x128x32xbf16, #tpu.memory_space<vmem>>
      %dma_wait3A_292 = tpu.memref_squeeze %dma_wait3A_291 : memref<1x128x32xbf16, #tpu.memory_space<vmem>> -> memref<128x32xbf16, #tpu.memory_space<vmem>>
      %dma_wait3A_293 = arith.constant 0 : i32
      %dma_wait3A_294 = tpu.memref_slice %arg6[%add3A_163, %dma_wait3A_293] : memref<10240x32xbf16, #tpu.memory_space<vmem_shared>> -> memref<128x32xbf16, #tpu.memory_space<vmem_shared>>
      tpu.wait_dma2 semaphore(%run_scoped3A_270 : memref<!tpu.dma_semaphore, #tpu.memory_space<semaphore_mem>>) src(%dma_wait3A_294 : memref<128x32xbf16, #tpu.memory_space<vmem_shared>>) dst(%dma_wait3A_292 : memref<128x32xbf16, #tpu.memory_space<vmem>>)
      tpu.yield
    }) : () -> ()
    %dma_start3A_165 = arith.constant 4 : i32
    %dma_start3A_166 = arith.constant 0 : i32
    %dma_start3A_167 = arith.constant 0 : i32
    %dma_start3A_168 = tpu.memref_slice %arg9[%dma_start3A_165, %dma_start3A_166, %dma_start3A_167] : memref<6x192x32xbf16, #tpu.memory_space<vmem>> -> memref<1x128x32xbf16, #tpu.memory_space<vmem>>
    %dma_start3A_169 = tpu.memref_squeeze %dma_start3A_168 : memref<1x128x32xbf16, #tpu.memory_space<vmem>> -> memref<128x32xbf16, #tpu.memory_space<vmem>>
    %dma_start3A_170 = arith.constant 0 : i32
    %dma_start3A_171 = tpu.memref_slice %arg5[%arg0, %add3A_163, %dma_start3A_170] : memref<2x10240x32xbf16, #tpu.memory_space<hbm>> -> memref<1x128x32xbf16, #tpu.memory_space<hbm>>
    %dma_start3A_172 = tpu.memref_squeeze %dma_start3A_171 : memref<1x128x32xbf16, #tpu.memory_space<hbm>> -> memref<128x32xbf16, #tpu.memory_space<hbm>>
    %dma_start3A_173 = arith.constant 0 : i32
    %dma_start3A_174 = tpu.memref_slice %arg5[%arg0, %add3A_163, %dma_start3A_173] : memref<2x10240x32xbf16, #tpu.memory_space<hbm>> -> memref<1x128x32xbf16, #tpu.memory_space<hbm>>
    %dma_start3A_175 = tpu.memref_squeeze %dma_start3A_174 : memref<1x128x32xbf16, #tpu.memory_space<hbm>> -> memref<128x32xbf16, #tpu.memory_space<hbm>>
    %dma_start3A_176 = arith.constant 0 : i32
    %dma_start3A_177 = arith.constant 0 : i32
    %dma_start3A_178 = tpu.memref_slice %arg9[%dma_start3A_165, %dma_start3A_176, %dma_start3A_177] : memref<6x192x32xbf16, #tpu.memory_space<vmem>> -> memref<1x128x32xbf16, #tpu.memory_space<vmem>>
    %dma_start3A_179 = tpu.memref_squeeze %dma_start3A_178 : memref<1x128x32xbf16, #tpu.memory_space<vmem>> -> memref<128x32xbf16, #tpu.memory_space<vmem>>
    tpu.enqueue_dma source(%dma_start3A_179 : memref<128x32xbf16, #tpu.memory_space<vmem>>) target(%dma_start3A_175 : memref<128x32xbf16, #tpu.memory_space<hbm>>) target_semaphore(%arg13 : memref<!tpu.dma_semaphore, #tpu.memory_space<semaphore_mem>>)
    %dma_wait3A_180 = arith.constant 0 : i32
    %dma_wait3A_181 = arith.constant 0 : i32
    %dma_wait3A_182 = arith.constant 0 : i32
    %dma_wait3A_183 = arith.constant 0 : i32
    %dma_wait3A_184 = tpu.memref_slice %arg9[%dma_wait3A_180, %dma_wait3A_182, %dma_wait3A_183] : memref<6x192x32xbf16, #tpu.memory_space<vmem>> -> memref<1x128x32xbf16, #tpu.memory_space<vmem>>
    %dma_wait3A_185 = tpu.memref_squeeze %dma_wait3A_184 : memref<1x128x32xbf16, #tpu.memory_space<vmem>> -> memref<128x32xbf16, #tpu.memory_space<vmem>>
    %dma_wait3A_186 = arith.constant 0 : i32
    %dma_wait3A_187 = arith.constant 0 : i32
    %dma_wait3A_188 = tpu.memref_slice %arg5[%dma_wait3A_181, %dma_wait3A_186, %dma_wait3A_187] : memref<2x10240x32xbf16, #tpu.memory_space<hbm>> -> memref<1x128x32xbf16, #tpu.memory_space<hbm>>
    %dma_wait3A_189 = tpu.memref_squeeze %dma_wait3A_188 : memref<1x128x32xbf16, #tpu.memory_space<hbm>> -> memref<128x32xbf16, #tpu.memory_space<hbm>>
    %dma_wait3A_190 = arith.constant 0 : i32
    %dma_wait3A_191 = arith.constant 0 : i32
    %dma_wait3A_192 = tpu.memref_slice %arg5[%dma_wait3A_181, %dma_wait3A_190, %dma_wait3A_191] : memref<2x10240x32xbf16, #tpu.memory_space<hbm>> -> memref<1x128x32xbf16, #tpu.memory_space<hbm>>
    %dma_wait3A_193 = tpu.memref_squeeze %dma_wait3A_192 : memref<1x128x32xbf16, #tpu.memory_space<hbm>> -> memref<128x32xbf16, #tpu.memory_space<hbm>>
    %dma_wait3A_194 = arith.constant 0 : i32
    %dma_wait3A_195 = arith.constant 0 : i32
    %dma_wait3A_196 = tpu.memref_slice %arg9[%dma_wait3A_180, %dma_wait3A_194, %dma_wait3A_195] : memref<6x192x32xbf16, #tpu.memory_space<vmem>> -> memref<1x128x32xbf16, #tpu.memory_space<vmem>>
    %dma_wait3A_197 = tpu.memref_squeeze %dma_wait3A_196 : memref<1x128x32xbf16, #tpu.memory_space<vmem>> -> memref<128x32xbf16, #tpu.memory_space<vmem>>
    tpu.wait_dma2 semaphore(%arg13 : memref<!tpu.dma_semaphore, #tpu.memory_space<semaphore_mem>>) src(%dma_wait3A_197 : memref<128x32xbf16, #tpu.memory_space<vmem>>) dst(%dma_wait3A_193 : memref<128x32xbf16, #tpu.memory_space<hbm>>)
    %dma_wait3A_198 = arith.constant 0 : i32
    %dma_wait3A_199 = arith.constant 0 : i32
    %dma_wait3A_200 = arith.constant 0 : i32
    %dma_wait3A_201 = arith.constant 0 : i32
    %dma_wait3A_202 = tpu.memref_slice %arg9[%dma_wait3A_198, %dma_wait3A_200, %dma_wait3A_201] : memref<6x192x32xbf16, #tpu.memory_space<vmem>> -> memref<1x128x32xbf16, #tpu.memory_space<vmem>>
    %dma_wait3A_203 = tpu.memref_squeeze %dma_wait3A_202 : memref<1x128x32xbf16, #tpu.memory_space<vmem>> -> memref<128x32xbf16, #tpu.memory_space<vmem>>
    %dma_wait3A_204 = arith.constant 0 : i32
    %dma_wait3A_205 = arith.constant 0 : i32
    %dma_wait3A_206 = tpu.memref_slice %arg5[%dma_wait3A_199, %dma_wait3A_204, %dma_wait3A_205] : memref<2x10240x32xbf16, #tpu.memory_space<hbm>> -> memref<1x128x32xbf16, #tpu.memory_space<hbm>>
    %dma_wait3A_207 = tpu.memref_squeeze %dma_wait3A_206 : memref<1x128x32xbf16, #tpu.memory_space<hbm>> -> memref<128x32xbf16, #tpu.memory_space<hbm>>
    %dma_wait3A_208 = arith.constant 0 : i32
    %dma_wait3A_209 = arith.constant 0 : i32
    %dma_wait3A_210 = tpu.memref_slice %arg5[%dma_wait3A_199, %dma_wait3A_208, %dma_wait3A_209] : memref<2x10240x32xbf16, #tpu.memory_space<hbm>> -> memref<1x128x32xbf16, #tpu.memory_space<hbm>>
    %dma_wait3A_211 = tpu.memref_squeeze %dma_wait3A_210 : memref<1x128x32xbf16, #tpu.memory_space<hbm>> -> memref<128x32xbf16, #tpu.memory_space<hbm>>
    %dma_wait3A_212 = arith.constant 0 : i32
    %dma_wait3A_213 = arith.constant 0 : i32
    %dma_wait3A_214 = tpu.memref_slice %arg9[%dma_wait3A_198, %dma_wait3A_212, %dma_wait3A_213] : memref<6x192x32xbf16, #tpu.memory_space<vmem>> -> memref<1x128x32xbf16, #tpu.memory_space<vmem>>
    %dma_wait3A_215 = tpu.memref_squeeze %dma_wait3A_214 : memref<1x128x32xbf16, #tpu.memory_space<vmem>> -> memref<128x32xbf16, #tpu.memory_space<vmem>>
    tpu.wait_dma2 semaphore(%arg13 : memref<!tpu.dma_semaphore, #tpu.memory_space<semaphore_mem>>) src(%dma_wait3A_215 : memref<128x32xbf16, #tpu.memory_space<vmem>>) dst(%dma_wait3A_211 : memref<128x32xbf16, #tpu.memory_space<hbm>>)
    %dma_wait3A_216 = arith.constant 0 : i32
    %dma_wait3A_217 = arith.constant 0 : i32
    %dma_wait3A_218 = arith.constant 0 : i32
    %dma_wait3A_219 = arith.constant 0 : i32
    %dma_wait3A_220 = tpu.memref_slice %arg9[%dma_wait3A_216, %dma_wait3A_218, %dma_wait3A_219] : memref<6x192x32xbf16, #tpu.memory_space<vmem>> -> memref<1x128x32xbf16, #tpu.memory_space<vmem>>
    %dma_wait3A_221 = tpu.memref_squeeze %dma_wait3A_220 : memref<1x128x32xbf16, #tpu.memory_space<vmem>> -> memref<128x32xbf16, #tpu.memory_space<vmem>>
    %dma_wait3A_222 = arith.constant 0 : i32
    %dma_wait3A_223 = arith.constant 0 : i32
    %dma_wait3A_224 = tpu.memref_slice %arg5[%dma_wait3A_217, %dma_wait3A_222, %dma_wait3A_223] : memref<2x10240x32xbf16, #tpu.memory_space<hbm>> -> memref<1x128x32xbf16, #tpu.memory_space<hbm>>
    %dma_wait3A_225 = tpu.memref_squeeze %dma_wait3A_224 : memref<1x128x32xbf16, #tpu.memory_space<hbm>> -> memref<128x32xbf16, #tpu.memory_space<hbm>>
    %dma_wait3A_226 = arith.constant 0 : i32
    %dma_wait3A_227 = arith.constant 0 : i32
    %dma_wait3A_228 = tpu.memref_slice %arg5[%dma_wait3A_217, %dma_wait3A_226, %dma_wait3A_227] : memref<2x10240x32xbf16, #tpu.memory_space<hbm>> -> memref<1x128x32xbf16, #tpu.memory_space<hbm>>
    %dma_wait3A_229 = tpu.memref_squeeze %dma_wait3A_228 : memref<1x128x32xbf16, #tpu.memory_space<hbm>> -> memref<128x32xbf16, #tpu.memory_space<hbm>>
    %dma_wait3A_230 = arith.constant 0 : i32
    %dma_wait3A_231 = arith.constant 0 : i32
    %dma_wait3A_232 = tpu.memref_slice %arg9[%dma_wait3A_216, %dma_wait3A_230, %dma_wait3A_231] : memref<6x192x32xbf16, #tpu.memory_space<vmem>> -> memref<1x128x32xbf16, #tpu.memory_space<vmem>>
    %dma_wait3A_233 = tpu.memref_squeeze %dma_wait3A_232 : memref<1x128x32xbf16, #tpu.memory_space<vmem>> -> memref<128x32xbf16, #tpu.memory_space<vmem>>
    tpu.wait_dma2 semaphore(%arg13 : memref<!tpu.dma_semaphore, #tpu.memory_space<semaphore_mem>>) src(%dma_wait3A_233 : memref<128x32xbf16, #tpu.memory_space<vmem>>) dst(%dma_wait3A_229 : memref<128x32xbf16, #tpu.memory_space<hbm>>)
    %dma_wait3A_234 = arith.constant 0 : i32
    %dma_wait3A_235 = arith.constant 0 : i32
    %dma_wait3A_236 = arith.constant 0 : i32
    %dma_wait3A_237 = arith.constant 0 : i32
    %dma_wait3A_238 = tpu.memref_slice %arg9[%dma_wait3A_234, %dma_wait3A_236, %dma_wait3A_237] : memref<6x192x32xbf16, #tpu.memory_space<vmem>> -> memref<1x128x32xbf16, #tpu.memory_space<vmem>>
    %dma_wait3A_239 = tpu.memref_squeeze %dma_wait3A_238 : memref<1x128x32xbf16, #tpu.memory_space<vmem>> -> memref<128x32xbf16, #tpu.memory_space<vmem>>
    %dma_wait3A_240 = arith.constant 0 : i32
    %dma_wait3A_241 = arith.constant 0 : i32
    %dma_wait3A_242 = tpu.memref_slice %arg5[%dma_wait3A_235, %dma_wait3A_240, %dma_wait3A_241] : memref<2x10240x32xbf16, #tpu.memory_space<hbm>> -> memref<1x128x32xbf16, #tpu.memory_space<hbm>>
    %dma_wait3A_243 = tpu.memref_squeeze %dma_wait3A_242 : memref<1x128x32xbf16, #tpu.memory_space<hbm>> -> memref<128x32xbf16, #tpu.memory_space<hbm>>
    %dma_wait3A_244 = arith.constant 0 : i32
    %dma_wait3A_245 = arith.constant 0 : i32
    %dma_wait3A_246 = tpu.memref_slice %arg5[%dma_wait3A_235, %dma_wait3A_244, %dma_wait3A_245] : memref<2x10240x32xbf16, #tpu.memory_space<hbm>> -> memref<1x128x32xbf16, #tpu.memory_space<hbm>>
    %dma_wait3A_247 = tpu.memref_squeeze %dma_wait3A_246 : memref<1x128x32xbf16, #tpu.memory_space<hbm>> -> memref<128x32xbf16, #tpu.memory_space<hbm>>
    %dma_wait3A_248 = arith.constant 0 : i32
    %dma_wait3A_249 = arith.constant 0 : i32
    %dma_wait3A_250 = tpu.memref_slice %arg9[%dma_wait3A_234, %dma_wait3A_248, %dma_wait3A_249] : memref<6x192x32xbf16, #tpu.memory_space<vmem>> -> memref<1x128x32xbf16, #tpu.memory_space<vmem>>
    %dma_wait3A_251 = tpu.memref_squeeze %dma_wait3A_250 : memref<1x128x32xbf16, #tpu.memory_space<vmem>> -> memref<128x32xbf16, #tpu.memory_space<vmem>>
    tpu.wait_dma2 semaphore(%arg13 : memref<!tpu.dma_semaphore, #tpu.memory_space<semaphore_mem>>) src(%dma_wait3A_251 : memref<128x32xbf16, #tpu.memory_space<vmem>>) dst(%dma_wait3A_247 : memref<128x32xbf16, #tpu.memory_space<hbm>>)
    %dma_wait3A_252 = arith.constant 0 : i32
    %dma_wait3A_253 = arith.constant 0 : i32
    %dma_wait3A_254 = arith.constant 0 : i32
    %dma_wait3A_255 = arith.constant 0 : i32
    %dma_wait3A_256 = tpu.memref_slice %arg9[%dma_wait3A_252, %dma_wait3A_254, %dma_wait3A_255] : memref<6x192x32xbf16, #tpu.memory_space<vmem>> -> memref<1x128x32xbf16, #tpu.memory_space<vmem>>
    %dma_wait3A_257 = tpu.memref_squeeze %dma_wait3A_256 : memref<1x128x32xbf16, #tpu.memory_space<vmem>> -> memref<128x32xbf16, #tpu.memory_space<vmem>>
    %dma_wait3A_258 = arith.constant 0 : i32
    %dma_wait3A_259 = arith.constant 0 : i32
    %dma_wait3A_260 = tpu.memref_slice %arg5[%dma_wait3A_253, %dma_wait3A_258, %dma_wait3A_259] : memref<2x10240x32xbf16, #tpu.memory_space<hbm>> -> memref<1x128x32xbf16, #tpu.memory_space<hbm>>
    %dma_wait3A_261 = tpu.memref_squeeze %dma_wait3A_260 : memref<1x128x32xbf16, #tpu.memory_space<hbm>> -> memref<128x32xbf16, #tpu.memory_space<hbm>>
    %dma_wait3A_262 = arith.constant 0 : i32
    %dma_wait3A_263 = arith.constant 0 : i32
    %dma_wait3A_264 = tpu.memref_slice %arg5[%dma_wait3A_253, %dma_wait3A_262, %dma_wait3A_263] : memref<2x10240x32xbf16, #tpu.memory_space<hbm>> -> memref<1x128x32xbf16, #tpu.memory_space<hbm>>
    %dma_wait3A_265 = tpu.memref_squeeze %dma_wait3A_264 : memref<1x128x32xbf16, #tpu.memory_space<hbm>> -> memref<128x32xbf16, #tpu.memory_space<hbm>>
    %dma_wait3A_266 = arith.constant 0 : i32
    %dma_wait3A_267 = arith.constant 0 : i32
    %dma_wait3A_268 = tpu.memref_slice %arg9[%dma_wait3A_252, %dma_wait3A_266, %dma_wait3A_267] : memref<6x192x32xbf16, #tpu.memory_space<vmem>> -> memref<1x128x32xbf16, #tpu.memory_space<vmem>>
    %dma_wait3A_269 = tpu.memref_squeeze %dma_wait3A_268 : memref<1x128x32xbf16, #tpu.memory_space<vmem>> -> memref<128x32xbf16, #tpu.memory_space<vmem>>
    tpu.wait_dma2 semaphore(%arg13 : memref<!tpu.dma_semaphore, #tpu.memory_space<semaphore_mem>>) src(%dma_wait3A_269 : memref<128x32xbf16, #tpu.memory_space<vmem>>) dst(%dma_wait3A_265 : memref<128x32xbf16, #tpu.memory_space<hbm>>)
    return
  }
}

module attributes {stable_mosaic.version = 14 : i64} {
  func.func @_proj1_body(%arg0: memref<10000x128xf32, #tpu.memory_space<vmem>>, %arg1: memref<128x64xf32, #tpu.memory_space<vmem>>, %arg2: memref<128x64xf32, #tpu.memory_space<vmem>>, %arg3: memref<10000x64xbf16, #tpu.memory_space<vmem>>, %arg4: memref<10000x64xf32, #tpu.memory_space<vmem>>) attributes {dimension_semantics = [], scalar_prefetch = 0 : i64, scratch_operands = 0 : i64, tpu.core_type = #tpu.core_type<tc>} {
    %get3A = arith.constant 0 : index
    %get3A_0 = arith.constant 0 : index
    %get3A_1 = vector.load %arg0[%get3A, %get3A_0] : memref<10000x128xf32, #tpu.memory_space<vmem>>, vector<10000x128xf32>
    %get3A_2 = arith.constant 0 : index
    %get3A_3 = arith.constant 0 : index
    %get3A_4 = vector.load %arg1[%get3A_2, %get3A_3] : memref<128x64xf32, #tpu.memory_space<vmem>>, vector<128x64xf32>
    %dot_general3A = arith.constant dense<0.000000e+00> : vector<10000x64xf32>
    %dot_general3A_5 = tpu.matmul %get3A_1, %get3A_4, %dot_general3A {dimension_numbers = #tpu.dot_dimension_numbers<[1], [0], [0], [1], [0, 0, 1, 1], [], []>, transpose_lhs_hint = false} : vector<10000x128xf32>, vector<128x64xf32>, vector<10000x64xf32> -> vector<10000x64xf32>
    %convert_element_type3A = arith.truncf %dot_general3A_5 : vector<10000x64xf32> to vector<10000x64xbf16>
    %swap3A = arith.constant 0 : index
    %swap3A_6 = arith.constant 0 : index
    %swap3A_7 = vector.load %arg3[%swap3A, %swap3A_6] : memref<10000x64xbf16, #tpu.memory_space<vmem>>, vector<10000x64xbf16>
    tpu.vector_store %arg3[%swap3A, %swap3A_6], %convert_element_type3A {strides = array<i32>} : memref<10000x64xbf16, #tpu.memory_space<vmem>>, vector<10000x64xbf16>,
    %get3A_8 = arith.constant 0 : index
    %get3A_9 = arith.constant 0 : index
    %get3A_10 = vector.load %arg2[%get3A_8, %get3A_9] : memref<128x64xf32, #tpu.memory_space<vmem>>, vector<128x64xf32>
    %dot_general3A_11 = arith.constant dense<0.000000e+00> : vector<10000x64xf32>
    %dot_general3A_12 = tpu.matmul %get3A_1, %get3A_10, %dot_general3A_11 {dimension_numbers = #tpu.dot_dimension_numbers<[1], [0], [0], [1], [0, 0, 1, 1], [], []>, transpose_lhs_hint = false} : vector<10000x128xf32>, vector<128x64xf32>, vector<10000x64xf32> -> vector<10000x64xf32>
    %swap3A_13 = arith.constant 0 : index
    %swap3A_14 = arith.constant 0 : index
    %swap3A_15 = vector.load %arg4[%swap3A_13, %swap3A_14] : memref<10000x64xf32, #tpu.memory_space<vmem>>, vector<10000x64xf32>
    tpu.vector_store %arg4[%swap3A_13, %swap3A_14], %dot_general3A_12 {strides = array<i32>} : memref<10000x64xf32, #tpu.memory_space<vmem>>, vector<10000x64xf32>,
    return
  }
}

module attributes {stable_mosaic.version = 14 : i64} {
  func.func @_comb1_body(%arg0: memref<2x10240x64xbf16, #tpu.memory_space<vmem>>, %arg1: memref<2x10240x16xbf16, #tpu.memory_space<vmem>>, %arg2: memref<10000x64xf32, #tpu.memory_space<vmem>>, %arg3: memref<1x64xf32, #tpu.memory_space<vmem>>, %arg4: memref<64x32xf32, #tpu.memory_space<vmem>>, %arg5: memref<64x32xf32, #tpu.memory_space<vmem>>, %arg6: memref<10000x32xbf16, #tpu.memory_space<vmem>>, %arg7: memref<10000x32xf32, #tpu.memory_space<vmem>>) attributes {dimension_semantics = [], scalar_prefetch = 0 : i64, scratch_operands = 0 : i64, tpu.core_type = #tpu.core_type<tc>} {
    %get3A = arith.constant 0 : index
    %get3A_0 = arith.constant 0 : index
    %get3A_1 = arith.constant 0 : index
    %get3A_2 = vector.load %arg1[%get3A, %get3A_0, %get3A_1] : memref<2x10240x16xbf16, #tpu.memory_space<vmem>>, vector<1x10240x16xbf16>
    %get3A_3 = vector.shape_cast %get3A_2 : vector<1x10240x16xbf16> to vector<10240x16xbf16>
    %convert_element_type3A = arith.extf %get3A_3 : vector<10240x16xbf16> to vector<10240x16xf32>
    %get3A_4 = arith.constant 1 : index
    %get3A_5 = arith.constant 0 : index
    %get3A_6 = arith.constant 0 : index
    %get3A_7 = vector.load %arg1[%get3A_4, %get3A_5, %get3A_6] : memref<2x10240x16xbf16, #tpu.memory_space<vmem>>, vector<1x10240x16xbf16>
    %get3A_8 = vector.shape_cast %get3A_7 : vector<1x10240x16xbf16> to vector<10240x16xbf16>
    %convert_element_type3A_9 = arith.extf %get3A_8 : vector<10240x16xbf16> to vector<10240x16xf32>
    %add3A = arith.addf %convert_element_type3A, %convert_element_type3A_9 : vector<10240x16xf32>
    %max3A = arith.constant 1.000000e+00 : f32
    %max3A_10 = vector.broadcast %max3A : f32 to vector<10240x16xf32>
    %max3A_11 = arith.maximumf %add3A, %max3A_10 : vector<10240x16xf32>
    %get3A_12 = arith.constant 0 : index
    %get3A_13 = arith.constant 0 : index
    %get3A_14 = arith.constant 0 : index
    %get3A_15 = vector.load %arg0[%get3A_12, %get3A_13, %get3A_14] : memref<2x10240x64xbf16, #tpu.memory_space<vmem>>, vector<1x10240x64xbf16>
    %get3A_16 = vector.shape_cast %get3A_15 : vector<1x10240x64xbf16> to vector<10240x64xbf16>
    %convert_element_type3A_17 = arith.extf %get3A_16 : vector<10240x64xbf16> to vector<10240x64xf32>
    %get3A_18 = arith.constant 1 : index
    %get3A_19 = arith.constant 0 : index
    %get3A_20 = arith.constant 0 : index
    %get3A_21 = vector.load %arg0[%get3A_18, %get3A_19, %get3A_20] : memref<2x10240x64xbf16, #tpu.memory_space<vmem>>, vector<1x10240x64xbf16>
    %get3A_22 = vector.shape_cast %get3A_21 : vector<1x10240x64xbf16> to vector<10240x64xbf16>
    %convert_element_type3A_23 = arith.extf %get3A_22 : vector<10240x64xbf16> to vector<10240x64xf32>
    %add3A_24 = arith.addf %convert_element_type3A_17, %convert_element_type3A_23 : vector<10240x64xf32>
    %div3A = arith.constant 1.000000e+00 : f32
    %div3A_25 = vector.broadcast %div3A : f32 to vector<10240x16xf32>
    %div3A_26 = arith.divf %div3A_25, %max3A_11 : vector<10240x16xf32>
    %slice3A = vector.extract_strided_slice %div3A_26 {offsets = [0, 0], sizes = [10240, 1], strides = [1, 1]} : vector<10240x16xf32> to vector<10240x1xf32>
    %mul3A = vector.broadcast %slice3A : vector<10240x1xf32> to vector<10240x64xf32>
    %mul3A_27 = arith.mulf %add3A_24, %mul3A : vector<10240x64xf32>
    %slice3A_28 = vector.extract_strided_slice %mul3A_27 {offsets = [0, 0], sizes = [10000, 64], strides = [1, 1]} : vector<10240x64xf32> to vector<10000x64xf32>
    %get3A_29 = arith.constant 0 : index
    %get3A_30 = arith.constant 0 : index
    %get3A_31 = vector.load %arg3[%get3A_29, %get3A_30] : memref<1x64xf32, #tpu.memory_space<vmem>>, vector<1x64xf32>
    %add3A_32 = vector.broadcast %get3A_31 : vector<1x64xf32> to vector<10000x64xf32>
    %add3A_33 = arith.addf %slice3A_28, %add3A_32 : vector<10000x64xf32>
    %get3A_34 = arith.constant 0 : index
    %get3A_35 = arith.constant 0 : index
    %get3A_36 = vector.load %arg2[%get3A_34, %get3A_35] : memref<10000x64xf32, #tpu.memory_space<vmem>>, vector<10000x64xf32>
    %add3A_37 = arith.addf %add3A_33, %get3A_36 : vector<10000x64xf32>
    %max3A_38 = arith.constant 0.000000e+00 : f32
    %max3A_39 = vector.broadcast %max3A_38 : f32 to vector<10000x64xf32>
    %max3A_40 = arith.maximumf %add3A_37, %max3A_39 : vector<10000x64xf32>
    %get3A_41 = arith.constant 0 : index
    %get3A_42 = arith.constant 0 : index
    %get3A_43 = vector.load %arg4[%get3A_41, %get3A_42] : memref<64x32xf32, #tpu.memory_space<vmem>>, vector<64x32xf32>
    %dot_general3A = arith.constant dense<0.000000e+00> : vector<10000x32xf32>
    %dot_general3A_44 = tpu.matmul %max3A_40, %get3A_43, %dot_general3A {dimension_numbers = #tpu.dot_dimension_numbers<[1], [0], [0], [1], [0, 0, 1, 1], [], []>, transpose_lhs_hint = false} : vector<10000x64xf32>, vector<64x32xf32>, vector<10000x32xf32> -> vector<10000x32xf32>
    %convert_element_type3A_45 = arith.truncf %dot_general3A_44 : vector<10000x32xf32> to vector<10000x32xbf16>
    %swap3A = arith.constant 0 : index
    %swap3A_46 = arith.constant 0 : index
    %swap3A_47 = vector.load %arg6[%swap3A, %swap3A_46] : memref<10000x32xbf16, #tpu.memory_space<vmem>>, vector<10000x32xbf16>
    tpu.vector_store %arg6[%swap3A, %swap3A_46], %convert_element_type3A_45 {strides = array<i32>} : memref<10000x32xbf16, #tpu.memory_space<vmem>>, vector<10000x32xbf16>,
    %get3A_48 = arith.constant 0 : index
    %get3A_49 = arith.constant 0 : index
    %get3A_50 = vector.load %arg5[%get3A_48, %get3A_49] : memref<64x32xf32, #tpu.memory_space<vmem>>, vector<64x32xf32>
    %dot_general3A_51 = arith.constant dense<0.000000e+00> : vector<10000x32xf32>
    %dot_general3A_52 = tpu.matmul %max3A_40, %get3A_50, %dot_general3A_51 {dimension_numbers = #tpu.dot_dimension_numbers<[1], [0], [0], [1], [0, 0, 1, 1], [], []>, transpose_lhs_hint = false} : vector<10000x64xf32>, vector<64x32xf32>, vector<10000x32xf32> -> vector<10000x32xf32>
    %swap3A_53 = arith.constant 0 : index
    %swap3A_54 = arith.constant 0 : index
    %swap3A_55 = vector.load %arg7[%swap3A_53, %swap3A_54] : memref<10000x32xf32, #tpu.memory_space<vmem>>, vector<10000x32xf32>
    tpu.vector_store %arg7[%swap3A_53, %swap3A_54], %dot_general3A_52 {strides = array<i32>} : memref<10000x32xf32, #tpu.memory_space<vmem>>, vector<10000x32xf32>,
    return
  }
}

module attributes {stable_mosaic.version = 14 : i64} {
  func.func @_comb2_body(%arg0: memref<2x10240x32xbf16, #tpu.memory_space<vmem>>, %arg1: memref<2x10240x16xbf16, #tpu.memory_space<vmem>>, %arg2: memref<10000x32xf32, #tpu.memory_space<vmem>>, %arg3: memref<1x32xf32, #tpu.memory_space<vmem>>, %arg4: memref<32x4xf32, #tpu.memory_space<vmem>>, %arg5: memref<1x4xf32, #tpu.memory_space<vmem>>, %arg6: memref<10000x32xf32, #tpu.memory_space<vmem>>, %arg7: memref<10000x4xf32, #tpu.memory_space<vmem>>) attributes {dimension_semantics = [], scalar_prefetch = 0 : i64, scratch_operands = 0 : i64, tpu.core_type = #tpu.core_type<tc>} {
    %get3A = arith.constant 0 : index
    %get3A_0 = arith.constant 0 : index
    %get3A_1 = arith.constant 0 : index
    %get3A_2 = vector.load %arg1[%get3A, %get3A_0, %get3A_1] : memref<2x10240x16xbf16, #tpu.memory_space<vmem>>, vector<1x10240x16xbf16>
    %get3A_3 = vector.shape_cast %get3A_2 : vector<1x10240x16xbf16> to vector<10240x16xbf16>
    %convert_element_type3A = arith.extf %get3A_3 : vector<10240x16xbf16> to vector<10240x16xf32>
    %get3A_4 = arith.constant 1 : index
    %get3A_5 = arith.constant 0 : index
    %get3A_6 = arith.constant 0 : index
    %get3A_7 = vector.load %arg1[%get3A_4, %get3A_5, %get3A_6] : memref<2x10240x16xbf16, #tpu.memory_space<vmem>>, vector<1x10240x16xbf16>
    %get3A_8 = vector.shape_cast %get3A_7 : vector<1x10240x16xbf16> to vector<10240x16xbf16>
    %convert_element_type3A_9 = arith.extf %get3A_8 : vector<10240x16xbf16> to vector<10240x16xf32>
    %add3A = arith.addf %convert_element_type3A, %convert_element_type3A_9 : vector<10240x16xf32>
    %max3A = arith.constant 1.000000e+00 : f32
    %max3A_10 = vector.broadcast %max3A : f32 to vector<10240x16xf32>
    %max3A_11 = arith.maximumf %add3A, %max3A_10 : vector<10240x16xf32>
    %get3A_12 = arith.constant 0 : index
    %get3A_13 = arith.constant 0 : index
    %get3A_14 = arith.constant 0 : index
    %get3A_15 = vector.load %arg0[%get3A_12, %get3A_13, %get3A_14] : memref<2x10240x32xbf16, #tpu.memory_space<vmem>>, vector<1x10240x32xbf16>
    %get3A_16 = vector.shape_cast %get3A_15 : vector<1x10240x32xbf16> to vector<10240x32xbf16>
    %convert_element_type3A_17 = arith.extf %get3A_16 : vector<10240x32xbf16> to vector<10240x32xf32>
    %get3A_18 = arith.constant 1 : index
    %get3A_19 = arith.constant 0 : index
    %get3A_20 = arith.constant 0 : index
    %get3A_21 = vector.load %arg0[%get3A_18, %get3A_19, %get3A_20] : memref<2x10240x32xbf16, #tpu.memory_space<vmem>>, vector<1x10240x32xbf16>
    %get3A_22 = vector.shape_cast %get3A_21 : vector<1x10240x32xbf16> to vector<10240x32xbf16>
    %convert_element_type3A_23 = arith.extf %get3A_22 : vector<10240x32xbf16> to vector<10240x32xf32>
    %add3A_24 = arith.addf %convert_element_type3A_17, %convert_element_type3A_23 : vector<10240x32xf32>
    %div3A = arith.constant 1.000000e+00 : f32
    %div3A_25 = vector.broadcast %div3A : f32 to vector<10240x16xf32>
    %div3A_26 = arith.divf %div3A_25, %max3A_11 : vector<10240x16xf32>
    %slice3A = vector.extract_strided_slice %div3A_26 {offsets = [0, 0], sizes = [10240, 1], strides = [1, 1]} : vector<10240x16xf32> to vector<10240x1xf32>
    %mul3A = vector.broadcast %slice3A : vector<10240x1xf32> to vector<10240x32xf32>
    %mul3A_27 = arith.mulf %add3A_24, %mul3A : vector<10240x32xf32>
    %slice3A_28 = vector.extract_strided_slice %mul3A_27 {offsets = [0, 0], sizes = [10000, 32], strides = [1, 1]} : vector<10240x32xf32> to vector<10000x32xf32>
    %get3A_29 = arith.constant 0 : index
    %get3A_30 = arith.constant 0 : index
    %get3A_31 = vector.load %arg3[%get3A_29, %get3A_30] : memref<1x32xf32, #tpu.memory_space<vmem>>, vector<1x32xf32>
    %add3A_32 = vector.broadcast %get3A_31 : vector<1x32xf32> to vector<10000x32xf32>
    %add3A_33 = arith.addf %slice3A_28, %add3A_32 : vector<10000x32xf32>
    %get3A_34 = arith.constant 0 : index
    %get3A_35 = arith.constant 0 : index
    %get3A_36 = vector.load %arg2[%get3A_34, %get3A_35] : memref<10000x32xf32, #tpu.memory_space<vmem>>, vector<10000x32xf32>
    %add3A_37 = arith.addf %add3A_33, %get3A_36 : vector<10000x32xf32>
    %max3A_38 = arith.constant 0.000000e+00 : f32
    %max3A_39 = vector.broadcast %max3A_38 : f32 to vector<10000x32xf32>
    %max3A_40 = arith.maximumf %add3A_37, %max3A_39 : vector<10000x32xf32>
    %swap3A = arith.constant 0 : index
    %swap3A_41 = arith.constant 0 : index
    %swap3A_42 = vector.load %arg6[%swap3A, %swap3A_41] : memref<10000x32xf32, #tpu.memory_space<vmem>>, vector<10000x32xf32>
    tpu.vector_store %arg6[%swap3A, %swap3A_41], %max3A_40 {strides = array<i32>} : memref<10000x32xf32, #tpu.memory_space<vmem>>, vector<10000x32xf32>,
    %get3A_43 = arith.constant 0 : index
    %get3A_44 = arith.constant 0 : index
    %get3A_45 = vector.load %arg4[%get3A_43, %get3A_44] : memref<32x4xf32, #tpu.memory_space<vmem>>, vector<32x4xf32>
    %dot_general3A = arith.constant dense<0.000000e+00> : vector<10000x4xf32>
    %dot_general3A_46 = tpu.matmul %max3A_40, %get3A_45, %dot_general3A {dimension_numbers = #tpu.dot_dimension_numbers<[1], [0], [0], [1], [0, 0, 1, 1], [], []>, transpose_lhs_hint = false} : vector<10000x32xf32>, vector<32x4xf32>, vector<10000x4xf32> -> vector<10000x4xf32>
    %get3A_47 = arith.constant 0 : index
    %get3A_48 = arith.constant 0 : index
    %get3A_49 = vector.load %arg5[%get3A_47, %get3A_48] : memref<1x4xf32, #tpu.memory_space<vmem>>, vector<1x4xf32>
    %add3A_50 = vector.broadcast %get3A_49 : vector<1x4xf32> to vector<10000x4xf32>
    %add3A_51 = arith.addf %dot_general3A_46, %add3A_50 : vector<10000x4xf32>
    %swap3A_52 = arith.constant 0 : index
    %swap3A_53 = arith.constant 0 : index
    %swap3A_54 = vector.load %arg7[%swap3A_52, %swap3A_53] : memref<10000x4xf32, #tpu.memory_space<vmem>>, vector<10000x4xf32>
    tpu.vector_store %arg7[%swap3A_52, %swap3A_53], %add3A_51 {strides = array<i32>} : memref<10000x4xf32, #tpu.memory_space<vmem>>, vector<10000x4xf32>,
    return
  }
}

</mosaic_0001>

<sc_bundles>
// kernel: kernel.10.cloned.1.call-start
scs
__scs_entry_jumppad:
0x0: {  	(pc) =	sbr.rel $0x88, $3  }
0x1: {  	(tag) =	ssettag $0x0;
	lr =	simm.s32 $0x1  }
0x2: {  	[smem:$0x3F97] =	sst lr;
	_ =	strace $0xD0000000  }
0x3: {  	_ = 	snop  }
0x4: {  	_ = 	snop  }
0x5: {  	_ = 	snop  }
0x6: {  	_ = 	snop  }
0x7: {  	_ = 	snop  }
__scs_overlays_trampoline_lowered:
0x8: {  	[smem:$0x3FA6] =	sst s0  }
0x9: {  	[smem:$0x3FA7] =	sst s1  }
0xa: {  	[smem:$0x3FA8] =	sst s2  }
0xb: {  	[smem:$0x3FA9] =	sst s3  }
0xc: {  	[smem:$0x3FAA] =	sst s4  }
0xd: {  	[smem:$0x3FAB] =	sst s5  }
0xe: {  	[smem:$0x3FAC] =	sst s6  }
0xf: {  	[smem:$0x3FAD] =	sst s7  }
0x10: {  	[smem:$0x3FAE] =	sst s8  }
0x11: {  	[smem:$0x3FAF] =	sst s9;
	s0 =	simm.s32 @!p0 $0x0  }
0x12: {  	s1 =	sld [smem:$0x3F95];
	s0 =	simm.s32 @p0 $0x1  }
0x13: {  	[smem:$0x3FB0] =	sst s0;
	s0 =	simm.s32 @!p1 $0x0  }
0x14: {  	s2 =	sld [smem:$0x3F94];
	s0 =	simm.s32 @p1 $0x1  }
0x15: {  	[smem:$0x3FB1] =	sst s0;
	s0 =	simm.s32 @!p2 $0x0  }
0x16: {  	s3 =	sld [smem:$0x3FDB];
	s0 =	simm.s32 @p2 $0x1  }
0x17: {  	s4 =	simm.s32 $0x1BF5;
	[smem:$0x3FB3] =	sst s0  }
0x18: {  	s0 =	sld [smem:$0x3F96];
	_ =	swait.ge [sflag:s4], $0x0  }
0x19: {  	s7 =	sld [smem:$0x3F97]  }
0x1a: {  	s8 =	sadd.s32 $0xFFFFE003, lr  }
0x1b: {  	s9 =	sadd.s32 $0xFFFFFEF7, lr;
	s5 =	simm.s32 $0xFFFFFFFF;
	p2 =	slt.u32 s8, $0xFFFFF086  }
0x1c: {  	p1 =	slt.u32 s9, $0xF7A;
	s5 =	simm.s32 @!p2 $0x0  }
0x1d: {  	s5 =	simm.s32 @p1 $0x1;
	p0 =	seq.s32 s7, s2  }
0x1e: {  	s7 =	smul.u32 @!p0 $0xF7A, s2;
	p2 =	seq.s32 @!p0 s5, $0x0  }
0x1f: {  	s9 =	smul.u32 $0xF7A, s1;
	s8 =	simm.s32 @!p0 $0x1BF5;
	p2 =	por !p2, p0  }
0x20: {  	[sflag:s8] =	ssyncset.s32 @!p0 $0xFFFFF086;
	s6 =	sadd.s32 @!p0 s3, s7;
	s7 =	simm.s32 @!p0 $0x108  }
0x21: {  	s3 =	sadd.s32 s3, s9;
	s6 =	sadd.s32 @!p0 $0x88, s6;
	s7 =	simm.s32 @p2 $0x1082  }
0x22: {  	[simem:s7], [sflag:s8] =	dma.local @!p0 [hbm:s6], $0xF7A  }
0x23: {  	s9 =	sor.u32 $0xD0000000, s2;
	s6 =	simm.s32 $0x108;
	_ =	swait.ge @!p0 [sflag:s8], $0x0  }
0x24: {  	s3 =	sadd.s32 $0x88, s3;
	s6 =	simm.s32 @!p1 $0x1082;
	[sflag:s4] =	ssyncset.s32 $0xFFFFF086  }
0x25: {  	[simem:s6], [sflag:s4] =	dma.local [hbm:s3], $0xF7A  }
0x26: {  	[smem:$0x3F97] =	sst s1;
	(tag) =	ssettag s2;
	_ =	strace s9  }
0x27: {  	s1 =	sld [smem:$0x3FA7]  }
0x28: {  	s2 =	sld [smem:$0x3FA8]  }
0x29: {  	s4 =	sld [smem:$0x3FAA]  }
0x2a: {  	p0 =	seq.s32 s5, $0x0;
	s5 =	sld [smem:$0x3FAB]  }
0x2b: {  	s6 =	sld [smem:$0x3FAC]  }
0x2c: {  	s7 =	sld [smem:$0x3FAD]  }
0x2d: {  	s3 =	simm.s32 $0x108;
	s8 =	sld [smem:$0x3FAE]  }
0x2e: {  	s3 =	simm.s32 @!p0 $0x1082;
	s9 =	sld [smem:$0x3FAF]  }
0x2f: {  	lr =	sadd.s32 s0, s3;
	s0 =	sld [smem:$0x3FA6]  }
0x30: {  	s3 =	sld [smem:$0x3FA9]  }
0x31: {  	[smem:$0x3FB2] =	sst s10  }
0x32: {  	s10 =	sld [smem:$0x3FB0];
	_ =	sdelay $0x3  }
0x33: {  	p0 =	seq.s32 s10, $0x1;
	s10 =	sld [smem:$0x3FB2];
	_ =	sdelay $0x3  }
0x34: {  	[smem:$0x3FB2] =	sst s10  }
0x35: {  	s10 =	sld [smem:$0x3FB1];
	_ =	sdelay $0x3  }
0x36: {  	p1 =	seq.s32 s10, $0x1;
	s10 =	sld [smem:$0x3FB2];
	_ =	sdelay $0x3  }
0x37: {  	[smem:$0x3FB2] =	sst s10  }
0x38: {  	s10 =	sld [smem:$0x3FB3]  }
0x39: {  	_ = 	snop;
	(pc) =	sbr.ind lr, $3  }
0x3a: {  	_ = 	snop  }
0x3b: {  	_ = 	snop  }
0x3c: {  	p2 =	seq.s32 s10, $0x1;
	s10 =	sld [smem:$0x3FB2]  }
0x3d: {  	_ =	shalt  }
0x3e: {  	_ =	shalt  }
0x3f: {  	_ =	shalt  }
0x40: {  	_ =	shalt  }
0x41: {  	_ =	shalt  }
0x42: {  	_ =	shalt  }
0x43: {  	_ =	shalt  }
0x44: {  	_ =	shalt  }
0x45: {  	_ =	shalt  }
0x46: {  	_ =	shalt  }
0x47: {  	_ =	shalt  }
0x48: {  	_ =	shalt  }
0x49: {  	_ =	shalt  }
0x4a: {  	_ =	shalt  }
0x4b: {  	_ =	shalt  }
0x4c: {  	_ =	shalt  }
0x4d: {  	_ =	shalt  }
0x4e: {  	_ =	shalt  }
0x4f: {  	_ =	shalt  }
0x50: {  	_ =	shalt  }
0x51: {  	_ =	shalt  }
0x52: {  	_ =	shalt  }
0x53: {  	_ =	shalt  }
0x54: {  	_ =	shalt  }
0x55: {  	_ =	shalt  }
0x56: {  	_ =	shalt  }
0x57: {  	_ =	shalt  }
0x58: {  	_ =	shalt  }
0x59: {  	_ =	shalt  }
0x5a: {  	_ =	shalt  }
0x5b: {  	_ =	shalt  }
0x5c: {  	_ =	shalt  }
0x5d: {  	_ =	shalt  }
0x5e: {  	_ =	shalt  }
0x5f: {  	_ =	shalt  }
0x60: {  	_ =	shalt  }
0x61: {  	_ =	shalt  }
0x62: {  	_ =	shalt  }
0x63: {  	_ =	shalt  }
0x64: {  	_ =	shalt  }
0x65: {  	_ =	shalt  }
0x66: {  	_ =	shalt  }
0x67: {  	_ =	shalt  }
0x68: {  	_ =	shalt  }
0x69: {  	_ =	shalt  }
0x6a: {  	_ =	shalt  }
0x6b: {  	_ =	shalt  }
0x6c: {  	_ =	shalt  }
0x6d: {  	_ =	shalt  }
0x6e: {  	_ =	shalt  }
0x6f: {  	_ =	shalt  }
0x70: {  	_ =	shalt  }
0x71: {  	_ =	shalt  }
0x72: {  	_ =	shalt  }
0x73: {  	_ =	shalt  }
0x74: {  	_ =	shalt  }
0x75: {  	_ =	shalt  }
0x76: {  	_ =	shalt  }
0x77: {  	_ =	shalt  }
0x78: {  	_ =	shalt  }
0x79: {  	_ =	shalt  }
0x7a: {  	_ =	shalt  }
0x7b: {  	_ =	shalt  }
0x7c: {  	_ =	shalt  }
0x7d: {  	_ =	shalt  }
0x7e: {  	_ =	shalt  }
0x7f: {  	_ =	shalt  }
0x80: {  	_ =	shalt  }
0x81: {  	_ =	shalt  }
0x82: {  	_ =	shalt  }
0x83: {  	_ =	shalt  }
0x84: {  	_ =	shalt  }
0x85: {  	_ =	shalt  }
0x86: {  	_ =	shalt  }
0x87: {  	_ =	shalt  }
.Lfunc_end0:
.L_simem_size_0:
called_computation.1_lowered:
.L_overlay_start_0:
0x88: {  	s2 =	sld [smem:$0x3FD9]  }
0x89: {  	s3 =	sld [smem:$0x3FFE];
	_ =	sdelay $0x1  }
0x8a: {  	s1 =	srdreg.scid  }
0x8b: {  	s0 =	sand.u32 $0x1, s1  }
0x8c: {  	s14 =	sshll.u32 s0, $0xA;
	s2 =	sadd.s32 s3, s2  }
0x8d: {  	s2 =	sadd.s32 s2, s14  }
0x8e: {  	[smem:$0x3FBE] =	sst s2  }
0x8f: {  	_ = 	snop  }
0x90: {  	s2 =	sld [smem:$0x3FD0];
	_ =	sdelay $0x2  }
0x91: {  	s15 =	simm.s32 $0xA;
	s4 =	simm.s32 $0x10  }
0x92: {  	[smem:s4], [sflag:s15] =	dma.local [hbm:s2], $0x1  }
0x93: {  	_ =	swait.eq [sflag:s15], $0x1  }
0x94: {  	[sflag:s15] =	ssyncset.done $0x0  }
0x95: {  	[sflag:s15] =	ssyncadd.s32 $0xFFFFFFFF  }
0x96: {  	s16 =	sld [smem:$0x10];
	(tm) =	ssettm $0x1  }
0x97: {  	s17 =	sld [smem:$0x3FFB];
	_ =	sdelay $0x3  }
0x98: {  	_ =	strace s17  }
0x99: {  	s3 =	sld [smem:$0x3FFC];
	_ =	sdelay $0x3  }
0x9a: {  	_ =	strace s3  }
0x9b: {  	s3 =	sld [smem:$0x3FFD];
	_ =	sdelay $0x3  }
0x9c: {  	_ =	strace s3  }
0x9d: {  	_ =	strace $0x8FFFFFFF  }
0x9e: {  	s18 =	sld [smem:$0x3FDB];
	_ =	sdelay $0x1  }
0x9f: {  	s19 =	simm.s32 $_scs_section_size  }
0xa0: {  	s5 =	simm.s32 $_size__tile_overlayer_lowered;
	s6 =	simm.s32 $_tile_overlayer_lowered  }
0xa1: {  	s22 =	simm.s32 $0x1BFF;
	s21 =	sshll.u32 s6, $0x1;
	s3 =	sadd.s32 s19, s18  }
0xa2: {  	s7 =	simm.s32 $0x0;
	s20 =	sshll.u32 s5, $0x1;
	s5 =	sadd.s32 s21, s3  }
0xa3: {  	[timem:s7], [sflag:s22] =	dma.local [hbm:s5], s20  }
0xa4: {  	_ =	swait.ge [sflag:s22], s20  }
0xa5: {  	s4 =	ssub.s32 $0x0, s20;
	[sflag:s22] =	ssyncset.done $0x0  }
0xa6: {  	[sflag:s22] =	ssyncadd.s32 s4;
	_ =	sdelay $0x1  }
0xa7: {  	s23 =	simm.s32 $0x1B8B  }
0xa8: {  	_ =	swait.ge [sflag:s23], $0x1  }
0xa9: {  	[sflag:s23] =	ssyncset.done $0x0  }
0xaa: {  	s25 =	simm.s32 $0x1B8E;
	s24 =	sld [smem:$0x3FFE];
	[sflag:s23] =	ssyncadd.s32 $0xFFFFFFFF  }
0xab: {  	s26 =	simm.s32 $execute0_lowered;
	[smem:$0x3FD2] =	sst s25  }
0xac: {  	s5 =	sshll.u32 s26, $0x1;
	_ =	strace $0x80000049;
	[dreg:$0x1] =	wrdreg $0xFFFFFFFF  }
0xad: {  	s28 =	simm.s32 $_size_execute0_lowered;
	s3 =	sadd.s32 s3, s5;
	[dreg:$0x0] =	wrdreg $0x0  }
0xae: {  	s5 =	sshll.u32 s28, $0x1;
	[dreg:$0x2] =	wrdreg s3  }
0xaf: {  	[dreg:$0x3] =	wrdreg s5  }
0xb0: {  	[dreg:$0x4] =	wrdreg $0xC0  }
0xb1: {  	_ =	task [dreg:s7], $0x5FFFF  }
0xb2: {  	[dreg:$0x1] =	wrdreg $0xFFFFFFFF  }
0xb3: {  	[dreg:$0x0] =	wrdreg $0x60  }
0xb4: {  	[dreg:$0x2] =	wrdreg s16  }
0xb5: {  	[dreg:$0x3] =	wrdreg s24  }
0xb6: {  	[dreg:$0x4] =	wrdreg $0x0  }
0xb7: {  	[dreg:$0x5] =	wrdreg $0x9  }
0xb8: {  	_ =	task.clear_ibuf [dreg:s7], $0x6FFFF;
	_ =	strace $0x90000049  }
0xb9: {  	s29 =	simm.s32 $0x9;
	_ =	strace $0x8000004B  }
0xba: {  	_ =	swait.ge [sflag:s29], $0x1  }
0xbb: {  	[sflag:s29] =	ssyncadd.s32 $0xFFFFFFFF  }
0xbc: {  	_ =	strace $0x9000004B  }
0xbd: {  	_ =	sfence  }
0xbe: {  	s30 =	sld [smem:$0x0];
	_ =	sdelay $0x2  }
0xbf: {  	s31 =	sshll.u32 s1, $0xD;
	s1 =	sshrl.u32 s1, $0x2  }
0xc0: {  	s3 =	sand.u32 $0x4000, s31;
	s1 =	sadd.s32 s1, s30  }
0xc1: {  	s0 =	sor.u32 s3, s0;
	s1 =	sshll.u32 s1, $0x11  }
0xc2: {  	s0 =	sor.u32 s1, s0  }
0xc3: {  	s0 =	sadd.s32 $0x8F2B, s0  }
0xc4: {  	[sflag:s0] =	ssyncadd.remote.s32 $0x1  }
0xc5: {  	_ =	sfence.sel $0xFFFF  }
0xc6: {  	[dreg:$0x0] =	wrdreg $0xFFFFFFFF;
	(pc) =	sbr.abs _section_cstart, $3  }
0xc7: {  	[dreg:$0x1] =	wrdreg $0xFFFFFFFF  }
0xc8: {  	_ =	task.clear_ibuf [dreg:s7], $0x2FFFF;
	_ =	strace $0x9FFFFFFF  }
0xc9: {  	(tm) =	ssettm $0x7FFFFFFF  }
tec
execute0_lowered:
.L_overlay_start_1:
0x0: {  	(tag) =	ssettag $0x1  }
0x1: {  	s1 =	rddreg [dreg:$0x0];
	s0 =	srdreg.scid  }
0x2: {  	s7 =	stileid.u32;
	s2 =	rddreg [dreg:$0x1]  }
0x3: {  	s3 =	rddreg [dreg:$0x2];
	s19 =	simm.s32 $0x2800;
	s20 =	simm.s32 $0x4  }
0x4: {  	s21 =	simm.s32 $0xBF80;
	s28 =	simm.s32 $0x8F80;
	s30 =	simm.s32 $0x9B80  }
0x5: {  	s29 =	simm.s32 $0x0;
	s0 =	sand.u32 $0x1, s0;
	s4 =	sshll.u32 s7, $0x1  }
0x6: {  	s7 =	smul.u32 $0x5000, s7;
	s8 =	sadd.s32 $0x30000, s2;
	s5 =	sor.u32 s0, s4  }
0x7: {  	s4 =	simm.s32 $0x0;
	s6 =	ssub.s32 $0x2, s0;
	s0 =	smul.u32 $0x50000, s0  }
0x8: {  	s5 =	smul.u32 $0x27C0, s5;
	[smem:$0x7FF] =	sst s4;
	s22 =	sshrl.u32 s6, $0x1  }
0x9: {  	s24 =	sshrl.u32 s7, $0x1;
	s25 =	sadd.s32 $0x1000, s7;
	s15 =	sadd.s32 $0x2000, s7  }
0xa: {  	s16 =	sadd.s32 $0x3000, s7;
	s17 =	sadd.s32 $0x4000, s7;
	_ =	strace $0x8000004A  }
0xb: {  	[dreg:$0x4] =	wrdreg s8;
	s6 =	ssub.s32 s6, s22;
	s8 =	sadd.s32 s24, s3  }
0xc: {  	s9 =	sshrl.u32 s25, $0x1;
	s10 =	sshrl.u32 s15, $0x1;
	s11 =	sshrl.u32 s16, $0x1  }
0xd: {  	s7 =	sadd.s32 s7, s0;
	s12 =	sshrl.u32 s17, $0x1;
	s26 =	sadd.s32 s0, s15  }
0xe: {  	s31 =	sadd.s32 s0, s16;
	s22 =	simm.s32 $0xC0;
	s24 =	simm.s32 $0x2  }
0xf: {  	s5 =	sshrl.u32 s5, $0x3;
	s9 =	sadd.s32 s9, s3;
	s10 =	sadd.s32 s10, s3  }
0x10: {  	s11 =	sadd.s32 s11, s3;
	s7 =	sshrl.u32 s7, $0x4;
	s5 =	sadd.s32 s5, s2  }
0x11: {  	s12 =	sadd.s32 s12, s3;
	s18 =	smax.u32 s6, $0x1;
	s23 =	sadd.s32 $0x2E00, s5  }
0x12: {  	s2 =	sadd.s32 $0x16C00, s2;
	s5 =	sadd.s32 $0xCD00, s5;
	[dreg:$0x5] =	wrdreg s23  }
0x13: {  	s7 =	sadd.s32 s2, s7;
	[dreg:$0x6] =	wrdreg s5;
	s5 =	sadd.s32 s0, s25  }
0x14: {  	[dreg:$0x7] =	wrdreg s7;
	s0 =	sadd.s32 s0, s17;
	s7 =	sshrl.u32 s31, $0x4  }
0x15: {  	s23 =	simm.s32 $0x7780;
	s25 =	simm.s32 $0x8380;
	s5 =	sshrl.u32 s5, $0x4  }
0x16: {  	s0 =	sshrl.u32 s0, $0x4;
	s16 =	sadd.s32 s2, s7;
	s14 =	sadd.s32 s2, s5  }
0x17: {  	s5 =	sshrl.u32 s26, $0x4;
	s17 =	sadd.s32 s2, s0;
	s0 =	simm.s32 $0x1  }
0x18: {  	s26 =	simm.s32 $0x3;
	s15 =	sadd.s32 s2, s5;
	s2 =	simm.s32 $0xA780  }
.LBB2_1:
0x19: {  	s5 =	rddreg [dreg:$0x5]  }
0x1a: {  	[tilespmem:s19], [sflag:$0x4] =	stream.linear.gather [hbm4b:s5+s4], $0x27C0, $0x38;
	[tilespmem:$0xC780] =	vst v63  }
0x1b: {  	_ =	swait.ge [sflag:s20], $0x27C0  }
0x1c: {  	[sflag:s20] =	ssyncset.done $0x0  }
0x1d: {  	s31 =	simm.s32 $0x4FC0;
	s6 =	rddreg [dreg:$0x6];
	[sflag:s20] =	ssyncadd.s32 $0xFFFFD840  }
0x1e: {  	[tilespmem:s31], [sflag:$0x4] =	stream.linear.gather [hbm4b:s6+s4], $0x27C0, $0x38;
	[tilespmem:$0xC780] =	vst v63  }
0x1f: {  	_ =	swait.ge [sflag:s20], $0x27C0  }
0x20: {  	[sflag:s20] =	ssyncset.done $0x0  }
0x21: {  	s7 =	rddreg [dreg:$0x4];
	[sflag:s20] =	ssyncadd.s32 $0xFFFFD840  }
0x22: {  	[tilespmem:s21], [sflag:$0x4] =	stream.linear.gather [hbm4b:s7+s4], $0x800, $0x38;
	[tilespmem:$0xC780] =	vst v63  }
0x23: {  	_ =	swait.ge [sflag:s20], $0x800  }
0x24: {  	[sflag:s20] =	ssyncset.done $0x0  }
0x25: {  	[sflag:s20] =	ssyncadd.s32 $0xFFFFF800  }
0x26: {  	[spmem:s8] =	stream.linear.scatter [tilespmem:s21], [sflag:$0x4], $0x800, $0x38;
	[tilespmem:$0xC780] =	vst v63  }
0x27: {  	_ =	swait.ge [sflag:s20], $0x800  }
0x28: {  	[sflag:s20] =	ssyncset.done $0x0  }
0x29: {  	[sflag:s20] =	ssyncadd.s32 $0xFFFFF800  }
0x2a: {  	[spmem:s9] =	stream.linear.scatter [tilespmem:s21], [sflag:$0x4], $0x800, $0x38;
	[tilespmem:$0xC780] =	vst v63  }
0x2b: {  	_ =	swait.ge [sflag:s20], $0x800  }
0x2c: {  	[sflag:s20] =	ssyncset.done $0x0  }
0x2d: {  	[sflag:s20] =	ssyncadd.s32 $0xFFFFF800  }
0x2e: {  	[spmem:s10] =	stream.linear.scatter [tilespmem:s21], [sflag:$0x4], $0x800, $0x38;
	[tilespmem:$0xC780] =	vst v63  }
0x2f: {  	_ =	swait.ge [sflag:s20], $0x800  }
0x30: {  	[sflag:s20] =	ssyncset.done $0x0  }
0x31: {  	[sflag:s20] =	ssyncadd.s32 $0xFFFFF800  }
0x32: {  	[spmem:s11] =	stream.linear.scatter [tilespmem:s21], [sflag:$0x4], $0x800, $0x38;
	[tilespmem:$0xC780] =	vst v63  }
0x33: {  	_ =	swait.ge [sflag:s20], $0x800  }
0x34: {  	[sflag:s20] =	ssyncset.done $0x0  }
0x35: {  	[sflag:s20] =	ssyncadd.s32 $0xFFFFF800  }
0x36: {  	[spmem:s12] =	stream.linear.scatter [tilespmem:s21], [sflag:$0x4], $0x800, $0x38;
	[tilespmem:$0xC780] =	vst v63  }
0x37: {  	_ =	swait.ge [sflag:s20], $0x800  }
0x38: {  	[sflag:s20] =	ssyncset.done $0x0  }
0x39: {  	[sflag:s20] =	ssyncadd.s32 $0xFFFFF800  }
0x3a: {  	[bflag:$0x0] =	sbarrier.arrive $0xFFFF  }
0x3b: {  	[tilespmem:s23], [sflag:$0x1] =	stream.indirect.gather [hbm4b:s1+s22], $0x10, s19, s22, $0xb8;
	[tilespmem:$0xC780] =	vst v63  }
0x3c: {  	s13 =	simm.s32 $0x28C0  }
0x3d: {  	[tilespmem:s25], [sflag:$0x1] =	stream.indirect.gather [hbm4b:s1+s22], $0x10, s13, s22, $0xb8;
	[tilespmem:$0xC780] =	vst v63  }
0x3e: {  	s6 =	simm.s32 $0x2980  }
0x3f: {  	[tilespmem:s28], [sflag:$0x1] =	stream.indirect.gather [hbm4b:s1+s22], $0x10, s6, s22, $0xb8;
	[tilespmem:$0xC780] =	vst v63  }
0x40: {  	s7 =	simm.s32 $0x2A40  }
0x41: {  	[tilespmem:s30], [sflag:$0x1] =	stream.indirect.gather [hbm4b:s1+s22], $0x10, s7, s22, $0xb8;
	[tilespmem:$0xC780] =	vst v63  }
0x42: {  	s5 =	simm.s32 $0x2BC0;
	s13 =	simm.s32 $0x2B00;
	s6 =	simm.s32 $0x0  }
0x43: {  	[tilespmem:s2], [sflag:$0x1] =	stream.indirect.gather [hbm4b:s1+s22], $0x10, s13, s22, $0xb8;
	[tilespmem:$0xC780] =	vst v63  }
.LBB2_2:
0x44: {  	s7 =	smul.u32 $0xAB, s6;
	_ =	sdelay $0x1  }
0x45: {  	s13 =	sshrl.u32 s7, $0xA  }
0x46: {  	s13 =	sand.u32 $0x3F, s13  }
0x47: {  	s13 =	smul.u32 $0x6, s13  }
0x48: {  	p0 =	seq.s32 s6, $0x0  }
0x49: {  	p1 =	sgt.u32 @!p0 s6, $0x2F;
	s13 =	ssub.s32 s6, s13  }
0x4a: {  	p1 =	por p0, !p1;
	s13 =	sand.u32 $0xFF, s13  }
0x4b: {  	s7 =	sadd.s32 @p1 $0x357, s7;
	s13 =	smul.u32 $0x3000, s13  }
0x4c: {  	_ =	swait.ge [sflag:s0], $0xC00;
	s7 =	sshrl.u32 @p1 s7, $0xA  }
0x4d: {  	[sflag:s0] =	ssyncset.done $0x0;
	s7 =	sand.u32 @p1 $0x3F, s7;
	s13 =	sshrl.u32 s13, $0x2  }
0x4e: {  	[sflag:s0] =	ssyncadd.s32 $0xFFFFF400;
	s7 =	smul.u32 @p1 $0x6, s7;
	s13 =	sadd.s32 $0x7780, s13  }
0x4f: {  	[spmem:s3] =	stream.indirect.scatter.add.bf16 [tilespmem:s13], [sflag:$0x2], $0x10, s31, s22, $0xb8;
	[tilespmem:$0xC780] =	vst v63  }
0x50: {  	s7 =	ssub.s32 @p1 s6, s7;
	s13 =	simm.s32 @!p0 $0x2  }
0x51: {  	s7 =	sadd.s32 @p1 $0x5, s7;
	_ =	swait.ge @!p0 [sflag:s13], $0xC00  }
0x52: {  	s6 =	sadd.s32 $0x1, s6;
	s7 =	sand.u32 @p1 $0xFF, s7;
	[sflag:s13] =	ssyncset.done @!p0 $0x0  }
0x53: {  	s7 =	smul.u32 @p1 $0x3000, s7;
	[sflag:s13] =	ssyncadd.s32 @!p0 $0xFFFFF400;
	p0 =	sne.s32 s6, $0x35  }
.Ltmp0:
0x54: {  	_ = 	snop;
	(pc) =	sbr.rel @p0 .LBB2_2-.Ltmp0, $4  }
0x55: {  	s7 =	sshrl.u32 @p1 s7, $0x2  }
0x56: {  	s7 =	sadd.s32 @p1 $0x7780, s7  }
0x57: {  	[tilespmem:s7], [sflag:$0x1] =	stream.indirect.gather @p1 [hbm4b:s1+s22], $0x10, s5, s22, $0xb8;
	[tilespmem:$0xC780] =	vst v63  }
0x58: {  	s31 =	sadd.s32 $0xC0, s31;
	s5 =	sadd.s32 $0xC0, s5  }
0x59: {  	_ =	swait.ge [sflag:s24], $0xC00  }
0x5a: {  	[sflag:s24] =	ssyncset.done $0x0  }
0x5b: {  	[sflag:s24] =	ssyncadd.s32 $0xFFFFF400  }
0x5c: {  	[bflag:$0x0] =	sbarrier.arrive $0xFFFF  }
0x5d: {  	[tilespmem:s23], [sflag:$0x4] =	stream.linear.gather [spmem:s8], $0x800, $0x38;
	[tilespmem:$0xC780] =	vst v63  }
0x5e: {  	_ =	swait.ge [sflag:s20], $0x800  }
0x5f: {  	[sflag:s20] =	ssyncset.done $0x0  }
0x60: {  	s5 =	rddreg [dreg:$0x7];
	[sflag:s20] =	ssyncadd.s32 $0xFFFFF800  }
0x61: {  	[hbm4b:s5+s4] =	stream.linear.scatter [tilespmem:s23], [sflag:$0x3], $0x800, $0x38;
	[tilespmem:$0xC780] =	vst v63  }
0x62: {  	_ = 	snop  }
0x63: {  	[tilespmem:s25], [sflag:$0x4] =	stream.linear.gather [spmem:s9], $0x800, $0x38;
	[tilespmem:$0xC780] =	vst v63  }
0x64: {  	_ =	swait.ge [sflag:s20], $0x800  }
0x65: {  	[sflag:s20] =	ssyncset.done $0x0  }
0x66: {  	[sflag:s20] =	ssyncadd.s32 $0xFFFFF800  }
0x67: {  	[hbm4b:s14+s4] =	stream.linear.scatter [tilespmem:s25], [sflag:$0x3], $0x800, $0x38;
	[tilespmem:$0xC780] =	vst v63  }
0x68: {  	_ = 	snop  }
0x69: {  	[tilespmem:s28], [sflag:$0x4] =	stream.linear.gather [spmem:s10], $0x800, $0x38;
	[tilespmem:$0xC780] =	vst v63  }
0x6a: {  	_ =	swait.ge [sflag:s20], $0x800  }
0x6b: {  	[sflag:s20] =	ssyncset.done $0x0  }
0x6c: {  	[sflag:s20] =	ssyncadd.s32 $0xFFFFF800  }
0x6d: {  	[hbm4b:s15+s4] =	stream.linear.scatter [tilespmem:s28], [sflag:$0x3], $0x800, $0x38;
	[tilespmem:$0xC780] =	vst v63  }
0x6e: {  	_ = 	snop  }
0x6f: {  	[tilespmem:s30], [sflag:$0x4] =	stream.linear.gather [spmem:s11], $0x800, $0x38;
	[tilespmem:$0xC780] =	vst v63  }
0x70: {  	_ =	swait.ge [sflag:s20], $0x800  }
0x71: {  	[sflag:s20] =	ssyncset.done $0x0  }
0x72: {  	[sflag:s20] =	ssyncadd.s32 $0xFFFFF800  }
0x73: {  	[hbm4b:s16+s4] =	stream.linear.scatter [tilespmem:s30], [sflag:$0x3], $0x800, $0x38;
	[tilespmem:$0xC780] =	vst v63  }
0x74: {  	_ = 	snop  }
0x75: {  	[tilespmem:s2], [sflag:$0x4] =	stream.linear.gather [spmem:s12], $0x800, $0x38;
	[tilespmem:$0xC780] =	vst v63  }
0x76: {  	_ =	swait.ge [sflag:s20], $0x800  }
0x77: {  	[sflag:s20] =	ssyncset.done $0x0  }
0x78: {  	[sflag:s20] =	ssyncadd.s32 $0xFFFFF800  }
0x79: {  	[hbm4b:s17+s4] =	stream.linear.scatter [tilespmem:s2], [sflag:$0x3], $0x800, $0x38;
	[tilespmem:$0xC780] =	vst v63  }
0x7a: {  	_ =	swait.ge [sflag:s26], $0x800  }
0x7b: {  	[sflag:s26] =	ssyncset.done $0x0  }
0x7c: {  	[sflag:s26] =	ssyncadd.s32 $0xFFFFF800  }
0x7d: {  	_ =	swait.ge [sflag:s26], $0x800  }
0x7e: {  	[sflag:s26] =	ssyncset.done $0x0  }
0x7f: {  	[sflag:s26] =	ssyncadd.s32 $0xFFFFF800  }
0x80: {  	_ =	swait.ge [sflag:s26], $0x800  }
0x81: {  	[sflag:s26] =	ssyncset.done $0x0  }
0x82: {  	s29 =	sadd.s32 $0x1, s29;
	[sflag:s26] =	ssyncadd.s32 $0xFFFFF800  }
0x83: {  	p0 =	sne.s32 s29, s18;
	_ =	swait.ge [sflag:s26], $0x800  }
.Ltmp1:
0x84: {  	[sflag:s26] =	ssyncset.done $0x0;
	(pc) =	sbr.rel @p0 .LBB2_1-.Ltmp1, $4  }
0x85: {  	[sflag:s26] =	ssyncadd.s32 $0xFFFFF800  }
0x86: {  	_ =	swait.ge [sflag:s26], $0x800  }
0x87: {  	[sflag:s26] =	ssyncset.done $0x0  }
0x88: {  	[sflag:s26] =	ssyncadd.s32 $0xFFFFF800  }
0x89: {  	_ =	sfence.sel $0x180000  }
0x8a: {  	[bflag:$0x0] =	sbarrier.arrive $0xFFFF  }
0x8b: {  	_ =	strace $0x9000004A  }
0x8c: {  	s0 =	stileid.u32;
	[bflag:$0x2] =	sbarrier.arrive $0xFFFF  }
0x8d: {  	p0 =	sne.s32 s0, $0x0;
	s0 =	rddreg [dreg:$0x3]  }
0x8e: {  	s0 =	sadd.s32 @!p0 $0x100000, s0  }
0x8f: {  	[sflag:s0] =	ssyncadd.tile.s32 @!p0 $0x1;
	_ =	shalt  }
.Lfunc_end2:
_tile_overlayer_lowered:
.L_overlay_start_2:
0x90: {  	(tag) =	ssettag $0x2  }
0x91: {  	s0 =	rddreg [dreg:$0x0];
	s2 =	stileid.u32  }
0x92: {  	s1 =	rddreg [dreg:$0x1];
	p0 =	sne.s32 s2, $0x0  }
0x93: {  	s3 =	rddreg [dreg:$0x2];
	[bflag:$0x3] =	sbarrier.arrive $0xFFFF;
	s2 =	simm.s32 @!p0 $0x1C04  }
0x94: {  	[timem:s3], [sflag:s2] =	dma.local @!p0 [hbm:s0], s1  }
0x95: {  	s0 =	simm.s32 @!p0 $0x4  }
0x96: {  	_ =	swait.ge @!p0 [sflag:s0], s1  }
0x97: {  	s1 =	ssub.s32 @!p0 $0x0, s1;
	[sflag:s0] =	ssyncset.done @!p0 $0x0  }
0x98: {  	[sflag:s0] =	ssyncadd.s32 @!p0 s1  }
0x99: {  	[bflag:$0x3] =	sbarrier.arrive $0xFFFF  }
0x9a: {  	_ =	shalt  }

// kernel: kernel.7.cloned.1.call-start
scs
__scs_entry_jumppad:
0x0: {  	(pc) =	sbr.rel $0x88, $3  }
0x1: {  	(tag) =	ssettag $0x0;
	lr =	simm.s32 $0x1  }
0x2: {  	[smem:$0x3F97] =	sst lr;
	_ =	strace $0xD0000000  }
0x3: {  	_ = 	snop  }
0x4: {  	_ = 	snop  }
0x5: {  	_ = 	snop  }
0x6: {  	_ = 	snop  }
0x7: {  	_ = 	snop  }
__scs_overlays_trampoline_lowered:
0x8: {  	[smem:$0x3FA6] =	sst s0  }
0x9: {  	[smem:$0x3FA7] =	sst s1  }
0xa: {  	[smem:$0x3FA8] =	sst s2  }
0xb: {  	[smem:$0x3FA9] =	sst s3  }
0xc: {  	[smem:$0x3FAA] =	sst s4  }
0xd: {  	[smem:$0x3FAB] =	sst s5  }
0xe: {  	[smem:$0x3FAC] =	sst s6  }
0xf: {  	[smem:$0x3FAD] =	sst s7  }
0x10: {  	[smem:$0x3FAE] =	sst s8  }
0x11: {  	[smem:$0x3FAF] =	sst s9;
	s0 =	simm.s32 @!p0 $0x0  }
0x12: {  	s1 =	sld [smem:$0x3F95];
	s0 =	simm.s32 @p0 $0x1  }
0x13: {  	[smem:$0x3FB0] =	sst s0;
	s0 =	simm.s32 @!p1 $0x0  }
0x14: {  	s2 =	sld [smem:$0x3F94];
	s0 =	simm.s32 @p1 $0x1  }
0x15: {  	[smem:$0x3FB1] =	sst s0;
	s0 =	simm.s32 @!p2 $0x0  }
0x16: {  	s3 =	sld [smem:$0x3FDB];
	s0 =	simm.s32 @p2 $0x1  }
0x17: {  	s4 =	simm.s32 $0x1BF5;
	[smem:$0x3FB3] =	sst s0  }
0x18: {  	s0 =	sld [smem:$0x3F96];
	_ =	swait.ge [sflag:s4], $0x0  }
0x19: {  	s7 =	sld [smem:$0x3F97]  }
0x1a: {  	s8 =	sadd.s32 $0xFFFFE003, lr  }
0x1b: {  	s9 =	sadd.s32 $0xFFFFFEF7, lr;
	s5 =	simm.s32 $0xFFFFFFFF;
	p2 =	slt.u32 s8, $0xFFFFF086  }
0x1c: {  	p1 =	slt.u32 s9, $0xF7A;
	s5 =	simm.s32 @!p2 $0x0  }
0x1d: {  	s5 =	simm.s32 @p1 $0x1;
	p0 =	seq.s32 s7, s2  }
0x1e: {  	s7 =	smul.u32 @!p0 $0xF7A, s2;
	p2 =	seq.s32 @!p0 s5, $0x0  }
0x1f: {  	s9 =	smul.u32 $0xF7A, s1;
	s8 =	simm.s32 @!p0 $0x1BF5;
	p2 =	por !p2, p0  }
0x20: {  	[sflag:s8] =	ssyncset.s32 @!p0 $0xFFFFF086;
	s6 =	sadd.s32 @!p0 s3, s7;
	s7 =	simm.s32 @!p0 $0x108  }
0x21: {  	s3 =	sadd.s32 s3, s9;
	s6 =	sadd.s32 @!p0 $0x88, s6;
	s7 =	simm.s32 @p2 $0x1082  }
0x22: {  	[simem:s7], [sflag:s8] =	dma.local @!p0 [hbm:s6], $0xF7A  }
0x23: {  	s9 =	sor.u32 $0xD0000000, s2;
	s6 =	simm.s32 $0x108;
	_ =	swait.ge @!p0 [sflag:s8], $0x0  }
0x24: {  	s3 =	sadd.s32 $0x88, s3;
	s6 =	simm.s32 @!p1 $0x1082;
	[sflag:s4] =	ssyncset.s32 $0xFFFFF086  }
0x25: {  	[simem:s6], [sflag:s4] =	dma.local [hbm:s3], $0xF7A  }
0x26: {  	[smem:$0x3F97] =	sst s1;
	(tag) =	ssettag s2;
	_ =	strace s9  }
0x27: {  	s1 =	sld [smem:$0x3FA7]  }
0x28: {  	s2 =	sld [smem:$0x3FA8]  }
0x29: {  	s4 =	sld [smem:$0x3FAA]  }
0x2a: {  	p0 =	seq.s32 s5, $0x0;
	s5 =	sld [smem:$0x3FAB]  }
0x2b: {  	s6 =	sld [smem:$0x3FAC]  }
0x2c: {  	s7 =	sld [smem:$0x3FAD]  }
0x2d: {  	s3 =	simm.s32 $0x108;
	s8 =	sld [smem:$0x3FAE]  }
0x2e: {  	s3 =	simm.s32 @!p0 $0x1082;
	s9 =	sld [smem:$0x3FAF]  }
0x2f: {  	lr =	sadd.s32 s0, s3;
	s0 =	sld [smem:$0x3FA6]  }
0x30: {  	s3 =	sld [smem:$0x3FA9]  }
0x31: {  	[smem:$0x3FB2] =	sst s10  }
0x32: {  	s10 =	sld [smem:$0x3FB0];
	_ =	sdelay $0x3  }
0x33: {  	p0 =	seq.s32 s10, $0x1;
	s10 =	sld [smem:$0x3FB2];
	_ =	sdelay $0x3  }
0x34: {  	[smem:$0x3FB2] =	sst s10  }
0x35: {  	s10 =	sld [smem:$0x3FB1];
	_ =	sdelay $0x3  }
0x36: {  	p1 =	seq.s32 s10, $0x1;
	s10 =	sld [smem:$0x3FB2];
	_ =	sdelay $0x3  }
0x37: {  	[smem:$0x3FB2] =	sst s10  }
0x38: {  	s10 =	sld [smem:$0x3FB3]  }
0x39: {  	_ = 	snop;
	(pc) =	sbr.ind lr, $3  }
0x3a: {  	_ = 	snop  }
0x3b: {  	_ = 	snop  }
0x3c: {  	p2 =	seq.s32 s10, $0x1;
	s10 =	sld [smem:$0x3FB2]  }
0x3d: {  	_ =	shalt  }
0x3e: {  	_ =	shalt  }
0x3f: {  	_ =	shalt  }
0x40: {  	_ =	shalt  }
0x41: {  	_ =	shalt  }
0x42: {  	_ =	shalt  }
0x43: {  	_ =	shalt  }
0x44: {  	_ =	shalt  }
0x45: {  	_ =	shalt  }
0x46: {  	_ =	shalt  }
0x47: {  	_ =	shalt  }
0x48: {  	_ =	shalt  }
0x49: {  	_ =	shalt  }
0x4a: {  	_ =	shalt  }
0x4b: {  	_ =	shalt  }
0x4c: {  	_ =	shalt  }
0x4d: {  	_ =	shalt  }
0x4e: {  	_ =	shalt  }
0x4f: {  	_ =	shalt  }
0x50: {  	_ =	shalt  }
0x51: {  	_ =	shalt  }
0x52: {  	_ =	shalt  }
0x53: {  	_ =	shalt  }
0x54: {  	_ =	shalt  }
0x55: {  	_ =	shalt  }
0x56: {  	_ =	shalt  }
0x57: {  	_ =	shalt  }
0x58: {  	_ =	shalt  }
0x59: {  	_ =	shalt  }
0x5a: {  	_ =	shalt  }
0x5b: {  	_ =	shalt  }
0x5c: {  	_ =	shalt  }
0x5d: {  	_ =	shalt  }
0x5e: {  	_ =	shalt  }
0x5f: {  	_ =	shalt  }
0x60: {  	_ =	shalt  }
0x61: {  	_ =	shalt  }
0x62: {  	_ =	shalt  }
0x63: {  	_ =	shalt  }
0x64: {  	_ =	shalt  }
0x65: {  	_ =	shalt  }
0x66: {  	_ =	shalt  }
0x67: {  	_ =	shalt  }
0x68: {  	_ =	shalt  }
0x69: {  	_ =	shalt  }
0x6a: {  	_ =	shalt  }
0x6b: {  	_ =	shalt  }
0x6c: {  	_ =	shalt  }
0x6d: {  	_ =	shalt  }
0x6e: {  	_ =	shalt  }
0x6f: {  	_ =	shalt  }
0x70: {  	_ =	shalt  }
0x71: {  	_ =	shalt  }
0x72: {  	_ =	shalt  }
0x73: {  	_ =	shalt  }
0x74: {  	_ =	shalt  }
0x75: {  	_ =	shalt  }
0x76: {  	_ =	shalt  }
0x77: {  	_ =	shalt  }
0x78: {  	_ =	shalt  }
0x79: {  	_ =	shalt  }
0x7a: {  	_ =	shalt  }
0x7b: {  	_ =	shalt  }
0x7c: {  	_ =	shalt  }
0x7d: {  	_ =	shalt  }
0x7e: {  	_ =	shalt  }
0x7f: {  	_ =	shalt  }
0x80: {  	_ =	shalt  }
0x81: {  	_ =	shalt  }
0x82: {  	_ =	shalt  }
0x83: {  	_ =	shalt  }
0x84: {  	_ =	shalt  }
0x85: {  	_ =	shalt  }
0x86: {  	_ =	shalt  }
0x87: {  	_ =	shalt  }
.Lfunc_end0:
.L_simem_size_0:
called_computation_lowered:
.L_overlay_start_0:
0x88: {  	s2 =	sld [smem:$0x3FD9]  }
0x89: {  	s3 =	sld [smem:$0x3FFE];
	_ =	sdelay $0x1  }
0x8a: {  	s1 =	srdreg.scid  }
0x8b: {  	s0 =	sand.u32 $0x1, s1  }
0x8c: {  	s14 =	sshll.u32 s0, $0xA;
	s2 =	sadd.s32 s3, s2  }
0x8d: {  	s2 =	sadd.s32 s2, s14  }
0x8e: {  	[smem:$0x3FBE] =	sst s2  }
0x8f: {  	_ = 	snop  }
0x90: {  	s2 =	sld [smem:$0x3FD0];
	_ =	sdelay $0x2  }
0x91: {  	s15 =	simm.s32 $0xA;
	s4 =	simm.s32 $0x10  }
0x92: {  	[smem:s4], [sflag:s15] =	dma.local [hbm:s2], $0x1  }
0x93: {  	_ =	swait.eq [sflag:s15], $0x1  }
0x94: {  	[sflag:s15] =	ssyncset.done $0x0  }
0x95: {  	s16 =	sld [smem:$0x10];
	[sflag:s15] =	ssyncadd.s32 $0xFFFFFFFF  }
0x96: {  	s17 =	sld [smem:$0x11];
	(tm) =	ssettm $0x1  }
0x97: {  	s18 =	sld [smem:$0x3FFB];
	_ =	sdelay $0x3  }
0x98: {  	_ =	strace s18  }
0x99: {  	s4 =	sld [smem:$0x3FFC];
	_ =	sdelay $0x3  }
0x9a: {  	_ =	strace s4  }
0x9b: {  	s4 =	sld [smem:$0x3FFD];
	_ =	sdelay $0x3  }
0x9c: {  	_ =	strace s4  }
0x9d: {  	_ =	strace $0x8FFFFFFF  }
0x9e: {  	s19 =	sld [smem:$0x3FDB];
	_ =	sdelay $0x1  }
0x9f: {  	s5 =	simm.s32 $_scs_section_size  }
0xa0: {  	s6 =	simm.s32 $_size__tile_overlayer_lowered;
	s7 =	simm.s32 $_tile_overlayer_lowered  }
0xa1: {  	s22 =	simm.s32 $0x1BFF;
	s21 =	sshll.u32 s7, $0x1;
	s4 =	sadd.s32 s5, s19  }
0xa2: {  	s8 =	simm.s32 $0x0;
	s20 =	sshll.u32 s6, $0x1;
	s6 =	sadd.s32 s21, s4  }
0xa3: {  	[timem:s8], [sflag:s22] =	dma.local [hbm:s6], s20  }
0xa4: {  	_ =	swait.ge [sflag:s22], s20  }
0xa5: {  	s5 =	ssub.s32 $0x0, s20;
	[sflag:s22] =	ssyncset.done $0x0  }
0xa6: {  	[sflag:s22] =	ssyncadd.s32 s5;
	_ =	sdelay $0x1  }
0xa7: {  	s23 =	simm.s32 $0x1B8B  }
0xa8: {  	_ =	swait.ge [sflag:s23], $0x1  }
0xa9: {  	[sflag:s23] =	ssyncset.done $0x0  }
0xaa: {  	s25 =	simm.s32 $0x1B8E;
	s24 =	sld [smem:$0x3FFE];
	[sflag:s23] =	ssyncadd.s32 $0xFFFFFFFF  }
0xab: {  	s26 =	simm.s32 $execute0_lowered;
	[smem:$0x3FD2] =	sst s25  }
0xac: {  	s6 =	sshll.u32 s26, $0x1;
	_ =	strace $0x80000046;
	[dreg:$0x1] =	wrdreg $0xFFFFFFFF  }
0xad: {  	s28 =	simm.s32 $_size_execute0_lowered;
	s4 =	sadd.s32 s4, s6;
	[dreg:$0x0] =	wrdreg $0x0  }
0xae: {  	s6 =	sshll.u32 s28, $0x1;
	[dreg:$0x2] =	wrdreg s4  }
0xaf: {  	[dreg:$0x3] =	wrdreg s6  }
0xb0: {  	[dreg:$0x4] =	wrdreg $0xC0  }
0xb1: {  	_ =	task [dreg:s8], $0x5FFFF  }
0xb2: {  	[dreg:$0x1] =	wrdreg $0xFFFFFFFF  }
0xb3: {  	[dreg:$0x0] =	wrdreg $0x60  }
0xb4: {  	[dreg:$0x2] =	wrdreg s16  }
0xb5: {  	[dreg:$0x3] =	wrdreg s24  }
0xb6: {  	[dreg:$0x4] =	wrdreg s17  }
0xb7: {  	[dreg:$0x5] =	wrdreg $0x0  }
0xb8: {  	[dreg:$0x6] =	wrdreg $0xF7800  }
0xb9: {  	[dreg:$0x7] =	wrdreg $0x9  }
0xba: {  	_ =	task.clear_ibuf [dreg:s8], $0x8FFFF;
	_ =	strace $0x90000046  }
0xbb: {  	s29 =	simm.s32 $0x9;
	_ =	strace $0x80000048  }
0xbc: {  	_ =	swait.ge [sflag:s29], $0x1  }
0xbd: {  	[sflag:s29] =	ssyncadd.s32 $0xFFFFFFFF  }
0xbe: {  	_ =	strace $0x90000048  }
0xbf: {  	_ =	sfence  }
0xc0: {  	s30 =	sld [smem:$0x0];
	_ =	sdelay $0x2  }
0xc1: {  	s31 =	sshll.u32 s1, $0xD;
	s1 =	sshrl.u32 s1, $0x2  }
0xc2: {  	s3 =	sand.u32 $0x4000, s31;
	s1 =	sadd.s32 s1, s30  }
0xc3: {  	s0 =	sor.u32 s3, s0;
	s1 =	sshll.u32 s1, $0x11  }
0xc4: {  	s0 =	sor.u32 s1, s0  }
0xc5: {  	s0 =	sadd.s32 $0x8F2B, s0  }
0xc6: {  	[sflag:s0] =	ssyncadd.remote.s32 $0x1  }
0xc7: {  	_ =	sfence.sel $0xFFFF  }
0xc8: {  	[dreg:$0x0] =	wrdreg $0xFFFFFFFF;
	(pc) =	sbr.abs _section_cstart, $3  }
0xc9: {  	[dreg:$0x1] =	wrdreg $0xFFFFFFFF  }
0xca: {  	_ =	task.clear_ibuf [dreg:s8], $0x2FFFF;
	_ =	strace $0x9FFFFFFF  }
0xcb: {  	(tm) =	ssettm $0x7FFFFFFF  }
tec
execute0_lowered:
.L_overlay_start_1:
0x0: {  	(tag) =	ssettag $0x1  }
0x1: {  	s0 =	srdreg.scid;
	s11 =	stileid.u32  }
0x2: {  	s1 =	rddreg [dreg:$0x0];
	s7 =	smul.u32 $0x280, s11  }
0x3: {  	s4 =	rddreg [dreg:$0x1];
	s3 =	simm.s32 $0x0;
	s9 =	smul.u32 $0xA000, s11  }
0x4: {  	s2 =	sand.u32 $0x1, s0;
	s24 =	sshll.u32 s11, $0x1;
	s13 =	smul.u32 $0x2800, s11  }
0x5: {  	[smem:$0x7FF] =	sst s3;
	s6 =	sadd.s32 $0x1C000, s4;
	s26 =	smul.u32 $0xA0000, s2  }
0x6: {  	s0 =	sor.u32 s2, s24;
	s25 =	ssub.s32 $0x2, s2;
	s2 =	smul.u32 $0x28000, s2  }
0x7: {  	s8 =	sadd.s32 $0x17000, s4;
	s5 =	smul.u32 $0x27C0, s0;
	s10 =	sshrl.u32 s25, $0x1  }
0x8: {  	s12 =	sadd.s32 $0x80, s7;
	s15 =	sadd.s32 $0x100, s7;
	s16 =	sadd.s32 $0x180, s7  }
0x9: {  	s7 =	sadd.s32 $0x200, s7;
	s0 =	ssub.s32 s25, s10;
	s10 =	sshll.u32 s12, $0x6  }
0xa: {  	s17 =	sshll.u32 s15, $0x6;
	s18 =	sshll.u32 s16, $0x6;
	s19 =	sshll.u32 s7, $0x6  }
0xb: {  	s14 =	sadd.s32 s9, s26;
	s20 =	sadd.s32 s13, s2;
	s2 =	sshrl.u32 s2, $0x4  }
0xc: {  	s13 =	sshrl.u32 s13, $0x1;
	s14 =	sshrl.u32 s14, $0x4;
	s20 =	sshrl.u32 s20, $0x4  }
0xd: {  	s21 =	sadd.s32 s26, s10;
	s24 =	sadd.s32 s26, s17;
	s25 =	sadd.s32 s26, s18  }
0xe: {  	s11 =	sadd.s32 s26, s19;
	s0 =	smax.u32 s0, $0x1;
	s14 =	sadd.s32 s6, s14  }
0xf: {  	s22 =	sadd.s32 s8, s20;
	s23 =	sshrl.u32 s21, $0x4;
	s26 =	sshrl.u32 s25, $0x4  }
0x10: {  	s11 =	sshrl.u32 s11, $0x4;
	s20 =	sadd.s32 s8, s12;
	[dreg:$0x6] =	wrdreg s14  }
0x11: {  	s21 =	sadd.s32 s8, s15;
	[dreg:$0x7] =	wrdreg s22;
	s14 =	sadd.s32 s6, s23  }
0x12: {  	s25 =	sadd.s32 $0x16E00, s4;
	[dreg:$0x8] =	wrdreg s14;
	s14 =	sshrl.u32 s24, $0x4  }
0x13: {  	s22 =	sadd.s32 s8, s16;
	s23 =	sadd.s32 s8, s7;
	s14 =	sadd.s32 s6, s14  }
0x14: {  	s8 =	sshrl.u32 s17, $0x1;
	s17 =	sshll.u32 s12, $0x3;
	[dreg:$0x9] =	wrdreg s14  }
0x15: {  	s14 =	sadd.s32 s6, s26;
	s6 =	sadd.s32 s6, s11;
	s11 =	rddreg [dreg:$0x3]  }
0x16: {  	s24 =	sshrl.u32 s5, $0x3;
	s5 =	sshrl.u32 s9, $0x1;
	[dreg:$0xa] =	wrdreg s14  }
0x17: {  	s9 =	sshrl.u32 s18, $0x1;
	s18 =	sshll.u32 s15, $0x3;
	[dreg:$0xb] =	wrdreg s6  }
0x18: {  	s15 =	simm.s32 $0x4;
	s6 =	sadd.s32 s2, s20;
	s14 =	rddreg [dreg:$0x4]  }
0x19: {  	s20 =	sshll.u32 s7, $0x3;
	s7 =	simm.s32 $0xC0;
	[dreg:$0xc] =	wrdreg s6  }
0x1a: {  	s6 =	sadd.s32 s2, s21;
	s21 =	sadd.s32 s5, s11;
	s28 =	sadd.s32 s17, s14  }
0x1b: {  	s29 =	sadd.s32 s18, s14;
	s31 =	sadd.s32 s20, s14;
	s5 =	simm.s32 $0x10B80  }
0x1c: {  	s18 =	simm.s32 $0x3;
	[dreg:$0xd] =	wrdreg s6;
	s6 =	sadd.s32 s2, s22  }
0x1d: {  	s2 =	sadd.s32 s2, s23;
	s23 =	sadd.s32 s8, s11;
	[dreg:$0xe] =	wrdreg s6  }
0x1e: {  	s8 =	simm.s32 $0x9F80;
	[dreg:$0xf] =	wrdreg s2;
	s2 =	sadd.s32 s24, s4  }
0x1f: {  	s4 =	sadd.s32 $0x16C00, s4;
	s6 =	sshrl.u32 s10, $0x1;
	s24 =	sadd.s32 s9, s11  }
0x20: {  	s10 =	sshrl.u32 s19, $0x1;
	s19 =	sshll.u32 s16, $0x3;
	s9 =	simm.s32 $0xB780  }
0x21: {  	s16 =	simm.s32 $0x5;
	_ =	strace $0x80000047;
	[dreg:$0x10] =	wrdreg s25  }
0x22: {  	[dreg:$0x11] =	wrdreg s4;
	s26 =	sadd.s32 $0x2E00, s2;
	s2 =	sadd.s32 $0xCD00, s2  }
0x23: {  	s22 =	sadd.s32 s6, s11;
	s25 =	sadd.s32 s10, s11;
	s30 =	sadd.s32 s19, s14  }
0x24: {  	[dreg:$0x14] =	wrdreg s0;
	s4 =	simm.s32 $0xE780;
	s6 =	simm.s32 $0x11180  }
0x25: {  	s10 =	simm.s32 $0x1;
	s19 =	simm.s32 $0x0;
	[dreg:$0x12] =	wrdreg s26  }
0x26: {  	[dreg:$0x13] =	wrdreg s2;
	s26 =	sadd.s32 s13, s14;
	s2 =	simm.s32 $0x6  }
.LBB2_1:
0x27: {  	s0 =	rddreg [dreg:$0x12];
	s12 =	simm.s32 $0x5000  }
0x28: {  	[tilespmem:s12], [sflag:$0x6] =	stream.linear.gather [hbm4b:s0+s3], $0x27C0, $0x38;
	[tilespmem:$0x11580] =	vst v63  }
0x29: {  	_ =	swait.ge [sflag:s2], $0x27C0  }
0x2a: {  	[sflag:s2] =	ssyncset.done $0x0  }
0x2b: {  	s20 =	simm.s32 $0x77C0;
	s17 =	rddreg [dreg:$0x13];
	[sflag:s2] =	ssyncadd.s32 $0xFFFFD840  }
0x2c: {  	[tilespmem:s20], [sflag:$0x6] =	stream.linear.gather [hbm4b:s17+s3], $0x27C0, $0x38;
	[tilespmem:$0x11580] =	vst v63  }
0x2d: {  	_ =	swait.ge [sflag:s2], $0x27C0  }
0x2e: {  	[sflag:s2] =	ssyncset.done $0x0  }
0x2f: {  	[sflag:s2] =	ssyncadd.s32 $0xFFFFD840  }
0x30: {  	s13 =	rddreg [dreg:$0x2]  }
0x31: {  	[tilespmem:s4], [sflag:$0x6] =	stream.linear.gather [hbm4b:s13+s3], $0x1000, $0x38;
	[tilespmem:$0x11580] =	vst v63  }
0x32: {  	_ =	swait.ge [sflag:s2], $0x1000  }
0x33: {  	[sflag:s2] =	ssyncset.done $0x0  }
0x34: {  	[sflag:s2] =	ssyncadd.s32 $0xFFFFF000  }
0x35: {  	[spmem:s21] =	stream.linear.scatter [tilespmem:s4], [sflag:$0x6], $0x1000, $0x38;
	[tilespmem:$0x11580] =	vst v63  }
0x36: {  	_ =	swait.ge [sflag:s2], $0x1000  }
0x37: {  	[sflag:s2] =	ssyncset.done $0x0  }
0x38: {  	[sflag:s2] =	ssyncadd.s32 $0xFFFFF000  }
0x39: {  	[spmem:s22] =	stream.linear.scatter [tilespmem:s4], [sflag:$0x6], $0x1000, $0x38;
	[tilespmem:$0x11580] =	vst v63  }
0x3a: {  	_ =	swait.ge [sflag:s2], $0x1000  }
0x3b: {  	[sflag:s2] =	ssyncset.done $0x0  }
0x3c: {  	[sflag:s2] =	ssyncadd.s32 $0xFFFFF000  }
0x3d: {  	[spmem:s23] =	stream.linear.scatter [tilespmem:s4], [sflag:$0x6], $0x1000, $0x38;
	[tilespmem:$0x11580] =	vst v63  }
0x3e: {  	_ =	swait.ge [sflag:s2], $0x1000  }
0x3f: {  	[sflag:s2] =	ssyncset.done $0x0  }
0x40: {  	[sflag:s2] =	ssyncadd.s32 $0xFFFFF000  }
0x41: {  	[spmem:s24] =	stream.linear.scatter [tilespmem:s4], [sflag:$0x6], $0x1000, $0x38;
	[tilespmem:$0x11580] =	vst v63  }
0x42: {  	_ =	swait.ge [sflag:s2], $0x1000  }
0x43: {  	[sflag:s2] =	ssyncset.done $0x0  }
0x44: {  	[sflag:s2] =	ssyncadd.s32 $0xFFFFF000  }
0x45: {  	[spmem:s25] =	stream.linear.scatter [tilespmem:s4], [sflag:$0x6], $0x1000, $0x38;
	[tilespmem:$0x11580] =	vst v63  }
0x46: {  	_ =	swait.ge [sflag:s2], $0x1000  }
0x47: {  	[sflag:s2] =	ssyncset.done $0x0  }
0x48: {  	s17 =	rddreg [dreg:$0x10];
	[sflag:s2] =	ssyncadd.s32 $0xFFFFF000  }
0x49: {  	[tilespmem:s5], [sflag:$0x6] =	stream.linear.gather [hbm4b:s17+s3], $0x600, $0x38;
	[tilespmem:$0x11580] =	vst v63  }
0x4a: {  	_ =	swait.ge [sflag:s2], $0x600  }
0x4b: {  	[sflag:s2] =	ssyncset.done $0x0  }
0x4c: {  	s13 =	rddreg [dreg:$0x11];
	[sflag:s2] =	ssyncadd.s32 $0xFFFFFA00  }
0x4d: {  	[tilespmem:s6], [sflag:$0x6] =	stream.linear.gather [hbm4b:s13+s3], $0x400, $0x38;
	[tilespmem:$0x11580] =	vst v63  }
0x4e: {  	_ =	swait.ge [sflag:s2], $0x400  }
0x4f: {  	[sflag:s2] =	ssyncset.done $0x0  }
0x50: {  	[sflag:s2] =	ssyncadd.s32 $0xFFFFFC00  }
0x51: {  	[spmem:s26] =	stream.linear.scatter [tilespmem:s6], [sflag:$0x6], $0x400, $0x38;
	[tilespmem:$0x11580] =	vst v63  }
0x52: {  	_ =	swait.ge [sflag:s2], $0x400  }
0x53: {  	[sflag:s2] =	ssyncset.done $0x0  }
0x54: {  	[sflag:s2] =	ssyncadd.s32 $0xFFFFFC00  }
0x55: {  	[spmem:s28] =	stream.linear.scatter [tilespmem:s6], [sflag:$0x6], $0x400, $0x38;
	[tilespmem:$0x11580] =	vst v63  }
0x56: {  	_ =	swait.ge [sflag:s2], $0x400  }
0x57: {  	[sflag:s2] =	ssyncset.done $0x0  }
0x58: {  	[sflag:s2] =	ssyncadd.s32 $0xFFFFFC00  }
0x59: {  	[spmem:s29] =	stream.linear.scatter [tilespmem:s6], [sflag:$0x6], $0x400, $0x38;
	[tilespmem:$0x11580] =	vst v63  }
0x5a: {  	_ =	swait.ge [sflag:s2], $0x400  }
0x5b: {  	[sflag:s2] =	ssyncset.done $0x0  }
0x5c: {  	[sflag:s2] =	ssyncadd.s32 $0xFFFFFC00  }
0x5d: {  	[spmem:s30] =	stream.linear.scatter [tilespmem:s6], [sflag:$0x6], $0x400, $0x38;
	[tilespmem:$0x11580] =	vst v63  }
0x5e: {  	_ =	swait.ge [sflag:s2], $0x400  }
0x5f: {  	[sflag:s2] =	ssyncset.done $0x0  }
0x60: {  	[sflag:s2] =	ssyncadd.s32 $0xFFFFFC00  }
0x61: {  	[spmem:s31] =	stream.linear.scatter [tilespmem:s6], [sflag:$0x6], $0x400, $0x38;
	[tilespmem:$0x11580] =	vst v63  }
0x62: {  	_ =	swait.ge [sflag:s2], $0x400  }
0x63: {  	[sflag:s2] =	ssyncset.done $0x0  }
0x64: {  	[sflag:s2] =	ssyncadd.s32 $0xFFFFFC00  }
0x65: {  	[bflag:$0x0] =	sbarrier.arrive $0xFFFF  }
0x66: {  	[tilespmem:s8], [sflag:$0x1] =	stream.indirect.gather [hbm4b:s1+s7], $0x20, s12, s7, $0xb8;
	[tilespmem:$0x11580] =	vst v63  }
0x67: {  	s0 =	simm.s32 $0x5180;
	s17 =	simm.s32 $0x50C0;
	s12 =	simm.s32 $0x0  }
0x68: {  	[tilespmem:s9], [sflag:$0x1] =	stream.indirect.gather [hbm4b:s1+s7], $0x20, s17, s7, $0xb8;
	[tilespmem:$0x11580] =	vst v63  }
.LBB2_2:
0x69: {  	s17 =	smul.u32 $0xAB, s12;
	_ =	sdelay $0x1  }
0x6a: {  	s13 =	sshrl.u32 s17, $0x9  }
0x6b: {  	s13 =	sand.u32 $0x7F, s13  }
0x6c: {  	s13 =	smul.u32 $0x3, s13;
	_ =	sdelay $0x1  }
0x6d: {  	s13 =	ssub.s32 s12, s13  }
0x6e: {  	s13 =	sand.u32 $0xFF, s13  }
0x6f: {  	s13 =	smul.u32 $0x6000, s13  }
0x70: {  	_ =	swait.ge [sflag:s10], $0x1800  }
0x71: {  	[sflag:s10] =	ssyncset.done $0x0;
	s13 =	sshrl.u32 s13, $0x2  }
0x72: {  	p0 =	seq.s32 s12, $0x0;
	[sflag:s10] =	ssyncadd.s32 $0xFFFFE800;
	s13 =	sadd.s32 $0x9F80, s13  }
0x73: {  	[spmem:s11] =	stream.indirect.scatter.add.bf16 [tilespmem:s13], [sflag:$0x2], $0x20, s20, s7, $0xb8;
	[tilespmem:$0x11580] =	vst v63  }
0x74: {  	s13 =	simm.s32 @!p0 $0x4  }
0x75: {  	[spmem:s14] =	stream.indirect.scatter.add.bf16 [tilespmem:s5], [sflag:$0x4], $0x8, s20, s7, $0xb8;
	[tilespmem:$0x11580] =	vst v63  }
0x76: {  	_ =	swait.ge @!p0 [sflag:s13], $0x600  }
0x77: {  	[sflag:s13] =	ssyncset.done @!p0 $0x0  }
0x78: {  	[sflag:s13] =	ssyncadd.s32 @!p0 $0xFFFFFA00;
	s13 =	simm.s32 @!p0 $0x2  }
0x79: {  	p1 =	sgt.u32 @!p0 s12, $0x32;
	_ =	swait.ge @!p0 [sflag:s13], $0x1800  }
0x7a: {  	p1 =	por p0, !p1;
	[sflag:s13] =	ssyncset.done @!p0 $0x0  }
0x7b: {  	[sflag:s13] =	ssyncadd.s32 @!p0 $0xFFFFE800;
	s13 =	sadd.s32 @p1 $0x156, s17  }
0x7c: {  	s13 =	sshrl.u32 @p1 s13, $0x9  }
0x7d: {  	s13 =	sand.u32 @p1 $0x7F, s13  }
0x7e: {  	s13 =	smul.u32 @p1 $0x3, s13;
	_ =	sdelay $0x1  }
0x7f: {  	s13 =	ssub.s32 @p1 s12, s13  }
0x80: {  	s13 =	sadd.s32 @p1 $0x2, s13  }
0x81: {  	s12 =	sadd.s32 $0x1, s12;
	s13 =	sand.u32 @p1 $0xFF, s13  }
0x82: {  	p0 =	sne.s32 s12, $0x35;
	s13 =	smul.u32 @p1 $0x6000, s13  }
.Ltmp0:
0x83: {  	_ = 	snop;
	(pc) =	sbr.rel @p0 .LBB2_2-.Ltmp0, $4  }
0x84: {  	s13 =	sshrl.u32 @p1 s13, $0x2  }
0x85: {  	s13 =	sadd.s32 @p1 $0x9F80, s13  }
0x86: {  	[tilespmem:s13], [sflag:$0x1] =	stream.indirect.gather @p1 [hbm4b:s1+s7], $0x20, s0, s7, $0xb8;
	[tilespmem:$0x11580] =	vst v63  }
0x87: {  	s20 =	sadd.s32 $0xC0, s20;
	s0 =	sadd.s32 $0xC0, s0  }
0x88: {  	s0 =	simm.s32 $0x2  }
0x89: {  	_ =	swait.ge [sflag:s0], $0x1800  }
0x8a: {  	[sflag:s0] =	ssyncset.done $0x0  }
0x8b: {  	[sflag:s0] =	ssyncadd.s32 $0xFFFFE800  }
0x8c: {  	_ =	swait.ge [sflag:s15], $0x600  }
0x8d: {  	[sflag:s15] =	ssyncset.done $0x0  }
0x8e: {  	[sflag:s15] =	ssyncadd.s32 $0xFFFFFA00  }
0x8f: {  	[bflag:$0x0] =	sbarrier.arrive $0xFFFF  }
0x90: {  	[tilespmem:s8], [sflag:$0x6] =	stream.linear.gather [spmem:s21], $0x1000, $0x38;
	[tilespmem:$0x11580] =	vst v63  }
0x91: {  	_ =	swait.ge [sflag:s2], $0x1000  }
0x92: {  	[sflag:s2] =	ssyncset.done $0x0  }
0x93: {  	s13 =	rddreg [dreg:$0x6];
	[sflag:s2] =	ssyncadd.s32 $0xFFFFF000  }
0x94: {  	[hbm4b:s13+s3] =	stream.linear.scatter [tilespmem:s8], [sflag:$0x3], $0x1000, $0x38;
	[tilespmem:$0x11580] =	vst v63  }
0x95: {  	_ = 	snop  }
0x96: {  	[tilespmem:s6], [sflag:$0x6] =	stream.linear.gather [spmem:s26], $0x400, $0x38;
	[tilespmem:$0x11580] =	vst v63  }
0x97: {  	_ =	swait.ge [sflag:s2], $0x400  }
0x98: {  	[sflag:s2] =	ssyncset.done $0x0  }
0x99: {  	s17 =	rddreg [dreg:$0x7];
	[sflag:s2] =	ssyncadd.s32 $0xFFFFFC00  }
0x9a: {  	[hbm4b:s17+s3] =	stream.linear.scatter [tilespmem:s6], [sflag:$0x5], $0x400, $0x38;
	[tilespmem:$0x11580] =	vst v63  }
0x9b: {  	_ = 	snop  }
0x9c: {  	[tilespmem:s9], [sflag:$0x6] =	stream.linear.gather [spmem:s22], $0x1000, $0x38;
	[tilespmem:$0x11580] =	vst v63  }
0x9d: {  	_ =	swait.ge [sflag:s2], $0x1000  }
0x9e: {  	[sflag:s2] =	ssyncset.done $0x0  }
0x9f: {  	s20 =	rddreg [dreg:$0x8];
	[sflag:s2] =	ssyncadd.s32 $0xFFFFF000  }
0xa0: {  	[hbm4b:s20+s3] =	stream.linear.scatter [tilespmem:s9], [sflag:$0x3], $0x1000, $0x38;
	[tilespmem:$0x11580] =	vst v63  }
0xa1: {  	_ =	swait.ge [sflag:s16], $0x400  }
0xa2: {  	[sflag:s16] =	ssyncset.done $0x0  }
0xa3: {  	[sflag:s16] =	ssyncadd.s32 $0xFFFFFC00  }
0xa4: {  	[tilespmem:s6], [sflag:$0x6] =	stream.linear.gather [spmem:s28], $0x400, $0x38;
	[tilespmem:$0x11580] =	vst v63  }
0xa5: {  	_ =	swait.ge [sflag:s2], $0x400  }
0xa6: {  	[sflag:s2] =	ssyncset.done $0x0  }
0xa7: {  	s12 =	rddreg [dreg:$0xc];
	[sflag:s2] =	ssyncadd.s32 $0xFFFFFC00  }
0xa8: {  	[hbm4b:s12+s3] =	stream.linear.scatter [tilespmem:s6], [sflag:$0x5], $0x400, $0x38;
	[tilespmem:$0x11580] =	vst v63  }
0xa9: {  	s12 =	simm.s32 $0xCF80  }
0xaa: {  	[tilespmem:s12], [sflag:$0x6] =	stream.linear.gather [spmem:s23], $0x1000, $0x38;
	[tilespmem:$0x11580] =	vst v63  }
0xab: {  	_ =	swait.ge [sflag:s2], $0x1000  }
0xac: {  	[sflag:s2] =	ssyncset.done $0x0  }
0xad: {  	s13 =	rddreg [dreg:$0x9];
	[sflag:s2] =	ssyncadd.s32 $0xFFFFF000  }
0xae: {  	[hbm4b:s13+s3] =	stream.linear.scatter [tilespmem:s12], [sflag:$0x3], $0x1000, $0x38;
	[tilespmem:$0x11580] =	vst v63  }
0xaf: {  	_ =	swait.ge [sflag:s16], $0x400  }
0xb0: {  	[sflag:s16] =	ssyncset.done $0x0  }
0xb1: {  	[sflag:s16] =	ssyncadd.s32 $0xFFFFFC00  }
0xb2: {  	[tilespmem:s6], [sflag:$0x6] =	stream.linear.gather [spmem:s29], $0x400, $0x38;
	[tilespmem:$0x11580] =	vst v63  }
0xb3: {  	_ =	swait.ge [sflag:s2], $0x400  }
0xb4: {  	[sflag:s2] =	ssyncset.done $0x0  }
0xb5: {  	s17 =	rddreg [dreg:$0xd];
	[sflag:s2] =	ssyncadd.s32 $0xFFFFFC00  }
0xb6: {  	[hbm4b:s17+s3] =	stream.linear.scatter [tilespmem:s6], [sflag:$0x5], $0x400, $0x38;
	[tilespmem:$0x11580] =	vst v63  }
0xb7: {  	_ =	swait.ge [sflag:s18], $0x1000  }
0xb8: {  	[sflag:s18] =	ssyncset.done $0x0  }
0xb9: {  	[sflag:s18] =	ssyncadd.s32 $0xFFFFF000  }
0xba: {  	[tilespmem:s8], [sflag:$0x6] =	stream.linear.gather [spmem:s24], $0x1000, $0x38;
	[tilespmem:$0x11580] =	vst v63  }
0xbb: {  	_ =	swait.ge [sflag:s2], $0x1000  }
0xbc: {  	[sflag:s2] =	ssyncset.done $0x0  }
0xbd: {  	s20 =	rddreg [dreg:$0xa];
	[sflag:s2] =	ssyncadd.s32 $0xFFFFF000  }
0xbe: {  	[hbm4b:s20+s3] =	stream.linear.scatter [tilespmem:s8], [sflag:$0x3], $0x1000, $0x38;
	[tilespmem:$0x11580] =	vst v63  }
0xbf: {  	_ =	swait.ge [sflag:s16], $0x400  }
0xc0: {  	[sflag:s16] =	ssyncset.done $0x0  }
0xc1: {  	[sflag:s16] =	ssyncadd.s32 $0xFFFFFC00  }
0xc2: {  	[tilespmem:s6], [sflag:$0x6] =	stream.linear.gather [spmem:s30], $0x400, $0x38;
	[tilespmem:$0x11580] =	vst v63  }
0xc3: {  	_ =	swait.ge [sflag:s2], $0x400  }
0xc4: {  	[sflag:s2] =	ssyncset.done $0x0  }
0xc5: {  	s12 =	rddreg [dreg:$0xe];
	[sflag:s2] =	ssyncadd.s32 $0xFFFFFC00  }
0xc6: {  	[hbm4b:s12+s3] =	stream.linear.scatter [tilespmem:s6], [sflag:$0x5], $0x400, $0x38;
	[tilespmem:$0x11580] =	vst v63  }
0xc7: {  	_ =	swait.ge [sflag:s18], $0x1000  }
0xc8: {  	[sflag:s18] =	ssyncset.done $0x0  }
0xc9: {  	[sflag:s18] =	ssyncadd.s32 $0xFFFFF000  }
0xca: {  	[tilespmem:s9], [sflag:$0x6] =	stream.linear.gather [spmem:s25], $0x1000, $0x38;
	[tilespmem:$0x11580] =	vst v63  }
0xcb: {  	_ =	swait.ge [sflag:s2], $0x1000  }
0xcc: {  	[sflag:s2] =	ssyncset.done $0x0  }
0xcd: {  	s13 =	rddreg [dreg:$0xb];
	[sflag:s2] =	ssyncadd.s32 $0xFFFFF000  }
0xce: {  	[hbm4b:s13+s3] =	stream.linear.scatter [tilespmem:s9], [sflag:$0x3], $0x1000, $0x38;
	[tilespmem:$0x11580] =	vst v63  }
0xcf: {  	_ =	swait.ge [sflag:s16], $0x400  }
0xd0: {  	[sflag:s16] =	ssyncset.done $0x0  }
0xd1: {  	[sflag:s16] =	ssyncadd.s32 $0xFFFFFC00  }
0xd2: {  	[tilespmem:s6], [sflag:$0x6] =	stream.linear.gather [spmem:s31], $0x400, $0x38;
	[tilespmem:$0x11580] =	vst v63  }
0xd3: {  	_ =	swait.ge [sflag:s2], $0x400  }
0xd4: {  	[sflag:s2] =	ssyncset.done $0x0  }
0xd5: {  	s17 =	rddreg [dreg:$0xf];
	[sflag:s2] =	ssyncadd.s32 $0xFFFFFC00  }
0xd6: {  	[hbm4b:s17+s3] =	stream.linear.scatter [tilespmem:s6], [sflag:$0x5], $0x400, $0x38;
	[tilespmem:$0x11580] =	vst v63  }
0xd7: {  	_ =	swait.ge [sflag:s18], $0x1000  }
0xd8: {  	[sflag:s18] =	ssyncset.done $0x0  }
0xd9: {  	[sflag:s18] =	ssyncadd.s32 $0xFFFFF000  }
0xda: {  	_ =	swait.ge [sflag:s18], $0x1000  }
0xdb: {  	[sflag:s18] =	ssyncset.done $0x0  }
0xdc: {  	[sflag:s18] =	ssyncadd.s32 $0xFFFFF000  }
0xdd: {  	_ =	swait.ge [sflag:s18], $0x1000  }
0xde: {  	[sflag:s18] =	ssyncset.done $0x0  }
0xdf: {  	[sflag:s18] =	ssyncadd.s32 $0xFFFFF000  }
0xe0: {  	_ =	swait.ge [sflag:s16], $0x400  }
0xe1: {  	s19 =	sadd.s32 $0x1, s19;
	s20 =	rddreg [dreg:$0x14]  }
0xe2: {  	p0 =	sne.s32 s19, s20  }
.Ltmp1:
0xe3: {  	_ = 	snop;
	(pc) =	sbr.rel @p0 .LBB2_1-.Ltmp1, $3  }
0xe4: {  	_ =	sdelay $0x1  }
0xe5: {  	[sflag:s16] =	ssyncset.done $0x0  }
0xe6: {  	[sflag:s16] =	ssyncadd.s32 $0xFFFFFC00  }
0xe7: {  	_ =	sfence.sel $0x180000  }
0xe8: {  	[bflag:$0x0] =	sbarrier.arrive $0xFFFF  }
0xe9: {  	_ =	strace $0x90000047  }
0xea: {  	s0 =	stileid.u32;
	[bflag:$0x2] =	sbarrier.arrive $0xFFFF  }
0xeb: {  	p0 =	sne.s32 s0, $0x0;
	s0 =	rddreg [dreg:$0x5]  }
0xec: {  	s0 =	sadd.s32 @!p0 $0x100000, s0  }
0xed: {  	[sflag:s0] =	ssyncadd.tile.s32 @!p0 $0x1;
	_ =	shalt  }
.Lfunc_end2:
_tile_overlayer_lowered:
.L_overlay_start_2:
0xee: {  	(tag) =	ssettag $0x2  }
0xef: {  	s0 =	rddreg [dreg:$0x0];
	s2 =	stileid.u32  }
0xf0: {  	s1 =	rddreg [dreg:$0x1];
	p0 =	sne.s32 s2, $0x0  }
0xf1: {  	s3 =	rddreg [dreg:$0x2];
	[bflag:$0x3] =	sbarrier.arrive $0xFFFF;
	s2 =	simm.s32 @!p0 $0x1C06  }
0xf2: {  	[timem:s3], [sflag:s2] =	dma.local @!p0 [hbm:s0], s1  }
0xf3: {  	s0 =	simm.s32 @!p0 $0x6  }
0xf4: {  	_ =	swait.ge @!p0 [sflag:s0], s1  }
0xf5: {  	s1 =	ssub.s32 @!p0 $0x0, s1;
	[sflag:s0] =	ssyncset.done @!p0 $0x0  }
0xf6: {  	[sflag:s0] =	ssyncadd.s32 @!p0 s1  }
0xf7: {  	[bflag:$0x3] =	sbarrier.arrive $0xFFFF  }
0xf8: {  	_ =	shalt  }

</sc_bundles>
